<compile_context>
chip_gen: v7x
topology: tpu7x:2x2x1
jax: 0.10.2.dev20260603
libtpu: 0.0.44.dev20260713+nightly
codegen_flags: <defaults>
</compile_context>

<pallas_src>
import functools

import jax
import jax.numpy as jnp
from jax import lax
from jax.experimental import pallas as pl
from jax.experimental.pallas import tpu as pltpu
from jax.experimental.pallas import tpu_sc as plsc

F32 = jnp.float32
HID = 128
NN = 10000
NE = 320000
NG = 64
NC, NS = 2, 16
NW = NC * NS
EPW = NE // NW
C = 80
NCH = EPW // C
NCHP = 128
RPT = 624
RPT_LAST = NN - 15 * RPT
BE = 4000
BN = 2000
HI = jax.lax.Precision.HIGHEST

@functools.lru_cache(maxsize=None)
def _mesh():
    return plsc.VectorSubcoreMesh(
        core_axis_name="c", subcore_axis_name="s",
        num_cores=NC, num_subcores=NS)


def _sig(x):
    return 1.0 / (1.0 + jnp.exp(-x))


def _silu(x):
    return x * _sig(x)


@functools.lru_cache(maxsize=None)
def _make_sc_gather(with_d):
    out_type = [
        jax.ShapeDtypeStruct((NE, HID), F32),
        jax.ShapeDtypeStruct((NE, HID), F32),
    ]
    scratch = [
        pltpu.VMEM((NCHP, C), jnp.int32),
        pltpu.VMEM((NCHP, C), jnp.int32),
        pltpu.VMEM((C, HID), F32),
        pltpu.VMEM((C, HID), F32),
        pltpu.VMEM((C, HID), F32),
        pltpu.VMEM((C, HID), F32),
        pltpu.SemaphoreType.DMA,
        pltpu.SemaphoreType.DMA,
        pltpu.SemaphoreType.DMA,
        pltpu.SemaphoreType.DMA,
        pltpu.SemaphoreType.DMA,
        pltpu.SemaphoreType.DMA,
        pltpu.SemaphoreType.DMA,
        pltpu.SemaphoreType.DMA,
    ]
    if with_d:
        out_type.append(jax.ShapeDtypeStruct((NW * NCHP, C), F32))
        scratch += [
            pltpu.VMEM((NN,), F32),
            pltpu.VMEM((NN,), F32),
            pltpu.VMEM((NN,), F32),
            pltpu.VMEM((NCHP, C), F32),
        ]

    def body(*refs):
        if with_d:
            (a_hbm, b_hbm, recv4, send4, posx, posy, posz, ga_hbm, gb_hbm, d_hbm,
             idxr, idxs, a0, a1, b0, b1,
             sga0, sga1, sgb0, sgb1, swa0, swa1, swb0, swb1,
             px, py, pz, dall) = refs
        else:
            (a_hbm, b_hbm, recv4, send4, ga_hbm, gb_hbm,
             idxr, idxs, a0, a1, b0, b1,
             sga0, sga1, sgb0, sgb1, swa0, swa1, swb0, swb1) = refs
        wid = lax.axis_index("c") * NS + lax.axis_index("s")
        row0 = wid * NCHP
        ebase = wid * EPW
        pltpu.sync_copy(recv4.at[pl.ds(row0, NCHP)], idxr)
        pltpu.sync_copy(send4.at[pl.ds(row0, NCHP)], idxs)
        if with_d:
            pltpu.sync_copy(posx, px)
            pltpu.sync_copy(posy, py)
            pltpu.sync_copy(posz, pz)
        bufa = (a0, a1)
        bufb = (b0, b1)
        sga = (sga0, sga1)
        sgb = (sgb0, sgb1)
        swa = (swa0, swa1)
        swb = (swb0, swb1)

        def issue(k, b):
            pltpu.async_copy(a_hbm.at[idxr.at[k]], bufa[b], sga[b])
            pltpu.async_copy(b_hbm.at[idxs.at[k]], bufb[b], sgb[b])

        def dchunk(k):
            for g in range(C // 16):
                rr = idxr[k, pl.ds(g * 16, 16)]
                ss = idxs[k, pl.ds(g * 16, 16)]
                dx = plsc.load_gather(px, [rr]) - plsc.load_gather(px, [ss])
                dy = plsc.load_gather(py, [rr]) - plsc.load_gather(py, [ss])
                dz = plsc.load_gather(pz, [rr]) - plsc.load_gather(pz, [ss])
                dall[k, pl.ds(g * 16, 16)] = dx * dx + dy * dy + dz * dz

        def step(k, b):
            if with_d:
                dchunk(k)
            pltpu.make_async_copy(a_hbm.at[idxr.at[k]], bufa[b], sga[b]).wait()
            pltpu.make_async_copy(b_hbm.at[idxs.at[k]], bufb[b], sgb[b]).wait()
            off = ebase + k * C
            wa = pltpu.async_copy(bufa[b], ga_hbm.at[pl.ds(off, C)], swa[b])
            wb = pltpu.async_copy(bufb[b], gb_hbm.at[pl.ds(off, C)], swb[b])
            wa.wait()
            wb.wait()

            @pl.when(k + 2 < NCH)
            def _():
                issue(k + 2, b)

        issue(0, 0)
        issue(1, 1)

        @pl.loop(0, (NCH - 1) // 2)
        def _(g):
            step(2 * g, 0)
            step(2 * g + 1, 1)

        step(NCH - 1, 0)
        if with_d:
            pltpu.sync_copy(dall, d_hbm.at[pl.ds(row0, NCHP)])

    return pl.kernel(body, out_type=tuple(out_type), mesh=_mesh(),
                     scratch_types=tuple(scratch),
                     compiler_params=pltpu.CompilerParams(
                         needs_layout_passes=False))


def _sc_segsum_body(oute, recv4, zeros, aggp,
                    idxm, e0, e1, shared, sr0, sr1, ss0, ss1):
    cid = lax.axis_index("c")
    sid = lax.axis_index("s")
    wid = cid * NS + sid
    row0 = wid * NCHP
    ebase = wid * EPW
    pltpu.sync_copy(recv4.at[pl.ds(row0, NCHP)], idxm)

    @pl.when(sid < NS - 1)
    def _():
        pltpu.sync_copy(zeros.at[pl.ds(0, RPT)],
                        shared.at[pl.ds(sid * RPT, RPT)])

    @pl.when(sid == NS - 1)
    def _():
        pltpu.sync_copy(zeros, shared.at[pl.ds((NS - 1) * RPT, RPT_LAST)])

    plsc.subcore_barrier()
    bufs = (e0, e1)
    sr = (sr0, sr1)
    ss = (ss0, ss1)

    def issue(k, b):
        pltpu.async_copy(oute.at[pl.ds(ebase + k * C, C)], bufs[b], sr[b])

    def step(k, b):
        pltpu.make_async_copy(
            oute.at[pl.ds(ebase + k * C, C)], bufs[b], sr[b]).wait()
        sc = pltpu.async_copy(bufs[b], shared.at[idxm.at[k]], ss[b], add=True)
        sc.wait()

        @pl.when(k + 2 < NCH)
        def _():
            issue(k + 2, b)

    issue(0, 0)
    issue(1, 1)

    @pl.loop(0, (NCH - 1) // 2)
    def _(g):
        step(2 * g, 0)
        step(2 * g + 1, 1)

    step(NCH - 1, 0)
    plsc.subcore_barrier()

    @pl.when(sid < NS - 1)
    def _():
        pltpu.sync_copy(shared.at[pl.ds(sid * RPT, RPT)],
                        aggp.at[cid, pl.ds(sid * RPT, RPT)])

    @pl.when(sid == NS - 1)
    def _():
        pltpu.sync_copy(shared.at[pl.ds((NS - 1) * RPT, RPT_LAST)],
                        aggp.at[cid, pl.ds((NS - 1) * RPT, RPT_LAST)])


@functools.lru_cache(maxsize=None)
def _make_sc_segsum():
  return pl.kernel(
    _sc_segsum_body,
    out_type=jax.ShapeDtypeStruct((NC, NN, HID), F32),
    mesh=_mesh(),
    scratch_types=(
        pltpu.VMEM((NCHP, C), jnp.int32),
        pltpu.VMEM((C, HID), F32),
        pltpu.VMEM((C, HID), F32),
        pltpu.VMEM_SHARED((NN, HID), F32),
        pltpu.SemaphoreType.DMA,
        pltpu.SemaphoreType.DMA,
        pltpu.SemaphoreType.DMA,
        pltpu.SemaphoreType.DMA,
    ))


def _sc_gather_d(*args):
    return _make_sc_gather(True)(*args)


def _sc_gather(*args):
    return _make_sc_gather(False)(*args)


def _sc_segsum(*args):
    return _make_sc_segsum()(*args)


def _prep_body(z_, embp_, wr_, ws_, x_o, a_o, b_o):
    io = lax.broadcasted_iota(jnp.int32, (BN, 32), 1)
    oh = (z_[...] == io).astype(F32)
    x = jnp.dot(oh, embp_[...], preferred_element_type=F32, precision=HI)
    x_o[...] = x
    a_o[...] = jnp.dot(x, wr_[...], preferred_element_type=F32, precision=HI)
    b_o[...] = jnp.dot(x, ws_[...], preferred_element_type=F32, precision=HI)


_prep = pl.pallas_call(
    _prep_body,
    grid=(NN // BN,),
    in_specs=[
        pl.BlockSpec((BN, 1), lambda i: (i, 0)),
        pl.BlockSpec((32, HID), lambda i: (0, 0)),
        pl.BlockSpec((HID, HID), lambda i: (0, 0)),
        pl.BlockSpec((HID, HID), lambda i: (0, 0)),
    ],
    out_specs=[pl.BlockSpec((BN, HID), lambda i: (i, 0))] * 3,
    out_shape=[jax.ShapeDtypeStruct((NN, HID), F32)] * 3,
)


def _edge_body(ga, gb, dd, wd_, b1_, w2_, b2_, wi_, bi_, out):
    pre = ga[...] + gb[...] + dd[...] * wd_[...] + b1_[...]
    m1 = _silu(pre)
    m2 = jnp.dot(m1, w2_[...], preferred_element_type=F32, precision=HI) + b2_[...]
    m2 = _silu(m2)
    wgt = _sig(jnp.sum(m2 * wi_[...], axis=1, keepdims=True) + bi_[0, 0])
    out[...] = m2 * wgt


_tc_edge = pl.pallas_call(
    _edge_body,
    grid=(NE // BE,),
    in_specs=[
        pl.BlockSpec((BE, HID), lambda i: (i, 0)),
        pl.BlockSpec((BE, HID), lambda i: (i, 0)),
        pl.BlockSpec((BE, 1), lambda i: (i, 0)),
        pl.BlockSpec((1, HID), lambda i: (0, 0)),
        pl.BlockSpec((1, HID), lambda i: (0, 0)),
        pl.BlockSpec((HID, HID), lambda i: (0, 0)),
        pl.BlockSpec((1, HID), lambda i: (0, 0)),
        pl.BlockSpec((1, HID), lambda i: (0, 0)),
        pl.BlockSpec(memory_space=pltpu.SMEM),
    ],
    out_specs=pl.BlockSpec((BE, HID), lambda i: (i, 0)),
    out_shape=jax.ShapeDtypeStruct((NE, HID), F32),
)


def _node_body(x_, g0_, g1_, w1x_, w1a_, nb1_, w2_, nb2_, wrn_, wsn_,
               xo, ao, bo):
    agg = g0_[...] + g1_[...]
    h = (jnp.dot(x_[...], w1x_[...], preferred_element_type=F32, precision=HI)
         + jnp.dot(agg, w1a_[...], preferred_element_type=F32, precision=HI)
         + nb1_[...])
    h = _silu(h)
    xn = jnp.dot(h, w2_[...], preferred_element_type=F32, precision=HI) + nb2_[...]
    xo[...] = xn
    ao[...] = jnp.dot(xn, wrn_[...], preferred_element_type=F32, precision=HI)
    bo[...] = jnp.dot(xn, wsn_[...], preferred_element_type=F32, precision=HI)


_node0 = pl.pallas_call(
    _node_body,
    grid=(NN // BN,),
    in_specs=[
        pl.BlockSpec((BN, HID), lambda i: (i, 0)),
        pl.BlockSpec((BN, HID), lambda i: (i, 0)),
        pl.BlockSpec((BN, HID), lambda i: (i, 0)),
        pl.BlockSpec((HID, HID), lambda i: (0, 0)),
        pl.BlockSpec((HID, HID), lambda i: (0, 0)),
        pl.BlockSpec((1, HID), lambda i: (0, 0)),
        pl.BlockSpec((HID, HID), lambda i: (0, 0)),
        pl.BlockSpec((1, HID), lambda i: (0, 0)),
        pl.BlockSpec((HID, HID), lambda i: (0, 0)),
        pl.BlockSpec((HID, HID), lambda i: (0, 0)),
    ],
    out_specs=[pl.BlockSpec((BN, HID), lambda i: (i, 0))] * 3,
    out_shape=[jax.ShapeDtypeStruct((NN, HID), F32)] * 3,
)


def _node1_body(x_, g0_, g1_, w1x_, w1a_, nb1_, w2_, nb2_, ow1_, ob1_, ow2_,
                ob2_, yo):
    agg = g0_[...] + g1_[...]
    h = (jnp.dot(x_[...], w1x_[...], preferred_element_type=F32, precision=HI)
         + jnp.dot(agg, w1a_[...], preferred_element_type=F32, precision=HI)
         + nb1_[...])
    h = _silu(h)
    xn = jnp.dot(h, w2_[...], preferred_element_type=F32, precision=HI) + nb2_[...]
    t = _silu(jnp.dot(xn, ow1_[...], preferred_element_type=F32, precision=HI)
              + ob1_[...])
    yo[...] = jnp.dot(t, ow2_[...], preferred_element_type=F32, precision=HI) + ob2_[...]


_node1 = pl.pallas_call(
    _node1_body,
    grid=(NN // BN,),
    in_specs=[
        pl.BlockSpec((BN, HID), lambda i: (i, 0)),
        pl.BlockSpec((BN, HID), lambda i: (i, 0)),
        pl.BlockSpec((BN, HID), lambda i: (i, 0)),
        pl.BlockSpec((HID, HID), lambda i: (0, 0)),
        pl.BlockSpec((HID, HID), lambda i: (0, 0)),
        pl.BlockSpec((1, HID), lambda i: (0, 0)),
        pl.BlockSpec((HID, HID), lambda i: (0, 0)),
        pl.BlockSpec((1, HID), lambda i: (0, 0)),
        pl.BlockSpec((HID, HID), lambda i: (0, 0)),
        pl.BlockSpec((1, HID), lambda i: (0, 0)),
        pl.BlockSpec((HID, HID), lambda i: (0, 0)),
        pl.BlockSpec((1, HID), lambda i: (0, 0)),
    ],
    out_specs=pl.BlockSpec((BN, HID), lambda i: (i, 0)),
    out_shape=jax.ShapeDtypeStruct((NN, HID), F32),
)


def _head_body(y_, bt_, ow1_, ob1_, ow2r_, ob2_, out, acc):
    i = pl.program_id(0)

    @pl.when(i == 0)
    def _():
        acc[...] = jnp.zeros_like(acc)

    io = lax.broadcasted_iota(jnp.int32, (BN, HID), 1)
    oh = (bt_[...] == io).astype(F32)
    acc[...] += lax.dot_general(oh, y_[...], (((0,), (0,)), ((), ())),
                                preferred_element_type=F32, precision=HI)

    @pl.when(i == pl.num_programs(0) - 1)
    def _():
        yg = acc[0:NG, :]
        t = _silu(jnp.dot(yg, ow1_[...], preferred_element_type=F32,
                          precision=HI) + ob1_[...])
        out[...] = (jnp.sum(t * ow2r_[...], axis=1, keepdims=True)
                    + ob2_[0, 0])


_head = pl.pallas_call(
    _head_body,
    grid=(NN // BN,),
    in_specs=[
        pl.BlockSpec((BN, HID), lambda i: (i, 0)),
        pl.BlockSpec((BN, 1), lambda i: (i, 0)),
        pl.BlockSpec((HID, HID), lambda i: (0, 0)),
        pl.BlockSpec((1, HID), lambda i: (0, 0)),
        pl.BlockSpec((1, HID), lambda i: (0, 0)),
        pl.BlockSpec(memory_space=pltpu.SMEM),
    ],
    out_specs=pl.BlockSpec((NG, 1), lambda i: (0, 0)),
    out_shape=jax.ShapeDtypeStruct((NG, 1), F32),
    scratch_shapes=[pltpu.VMEM((HID, HID), F32)],
)


def kernel(z, edge_index, pos, batch, emb,
           e0_w1, e0_b1, e0_w2, e0_b2, e0_wi, e0_bi,
           n0_w1, n0_b1, n0_w2, n0_b2,
           e1_w1, e1_b1, e1_w2, e1_b2, e1_wi, e1_bi,
           n1_w1, n1_b1, n1_w2, n1_b2,
           o1_w1, o1_b1, o1_w2, o1_b2,
           o2_w1, o2_b1, o2_w2, o2_b2):
    pad = lambda v: jnp.pad(v.reshape(NW, NCH, C), ((0, 0), (0, NCHP - NCH), (0, 0))).reshape(NW * NCHP, C)
    recv4 = pad(edge_index[0])
    send4 = pad(edge_index[1])
    posx, posy, posz = pos[:, 0], pos[:, 1], pos[:, 2]
    embp = jnp.zeros((32, HID), F32).at[:20, :].set(emb)
    z2 = z.reshape(NN, 1)
    bt2 = batch.reshape(NN, 1)
    zeros = jnp.zeros((RPT_LAST, HID), F32)
    row = lambda v: v.reshape(1, -1)

    wr0, ws0, wd0 = e0_w1[:HID], e0_w1[HID:2 * HID], e0_w1[2 * HID:]
    wr1, ws1, wd1 = e1_w1[:HID], e1_w1[HID:2 * HID], e1_w1[2 * HID:]

    x, a, b = _prep(z2, embp, wr0, ws0)
    ga, gb, d4 = _sc_gather_d(a, b, recv4, send4, posx, posy, posz)
    d2 = d4.reshape(NW, NCHP, C)[:, :NCH].reshape(NE, 1)

    m = _tc_edge(ga, gb, d2, wd0, row(e0_b1), e0_w2, row(e0_b2),
                 row(e0_wi), e0_bi.reshape(1, 1))
    aggp = _sc_segsum(m, recv4, zeros)
    x, a, b = _node0(x, aggp[0], aggp[1], n0_w1[:HID], n0_w1[HID:],
                     row(n0_b1), n0_w2, row(n0_b2), wr1, ws1)

    ga, gb = _sc_gather(a, b, recv4, send4)
    m = _tc_edge(ga, gb, d2, wd1, row(e1_b1), e1_w2, row(e1_b2),
                 row(e1_wi), e1_bi.reshape(1, 1))
    aggp = _sc_segsum(m, recv4, zeros)
    y = _node1(x, aggp[0], aggp[1], n1_w1[:HID], n1_w1[HID:], row(n1_b1),
               n1_w2, row(n1_b2), o1_w1, row(o1_b1), o1_w2, row(o1_b2))

    return _head(y, bt2, o2_w1, row(o2_b1), row(o2_w2), o2_b2.reshape(1, 1))

# --- scband reference (transcript-rebuilt; emitter-appended) ---
"""Pipeline reference for scband-egnn-network-13683765805085 (READ-ONLY COPY).

The authoritative reference and input builder live on the scoring server;
editing this copy changes nothing except your own understanding.
"""

import jax, jax.numpy as jnp
import numpy as np

HID = 128
N_NODES = 10000
N_EDGES = 320000
N_GRAPHS = 64


def _lin(key, fan_in, fan_out):
    kw, kb = jax.random.split(key)
    bound = 1.0 / np.sqrt(fan_in)
    w = jax.random.uniform(kw, (fan_in, fan_out), minval=-bound, maxval=bound, dtype=jnp.float32)
    b = jax.random.uniform(kb, (fan_out,), minval=-bound, maxval=bound, dtype=jnp.float32)
    return w, b


def _silu(x):
    return x * jax.nn.sigmoid(x)


def setup_inputs(seed: int = 0):
    key = jax.random.key(seed)
    ks = jax.random.split(key, 40)
    z = jax.random.randint(ks[0], (N_NODES,), 0, 20, dtype=jnp.int32)
    ei = jax.random.randint(ks[1], (2, N_EDGES), 0, N_NODES, dtype=jnp.int32)
    # segment_coo in the torch original assumes receivers (row 0) sorted
    order = jnp.argsort(ei[0])
    edge_index = ei[:, order]
    pos = jax.random.normal(ks[2], (N_NODES, 3), dtype=jnp.float32)
    batch = jnp.sort(jax.random.randint(ks[3], (N_NODES,), 0, N_GRAPHS, dtype=jnp.int32))
    emb = jax.random.normal(ks[4], (20, HID), dtype=jnp.float32)
    inp = {"z": z, "edge_index": edge_index, "pos": pos, "batch": batch, "emb": emb}
    i = 5
    for l in range(2):
        w, b = _lin(ks[i], 2 * HID + 1, HID); i += 1
        inp[f"e{l}_w1"], inp[f"e{l}_b1"] = w, b
        w, b = _lin(ks[i], HID, HID); i += 1
        inp[f"e{l}_w2"], inp[f"e{l}_b2"] = w, b
        w, b = _lin(ks[i], HID, 1); i += 1
        inp[f"e{l}_wi"], inp[f"e{l}_bi"] = w, b
        w, b = _lin(ks[i], 2 * HID, HID); i += 1
        inp[f"n{l}_w1"], inp[f"n{l}_b1"] = w, b
        w, b = _lin(ks[i], HID, HID); i += 1
        inp[f"n{l}_w2"], inp[f"n{l}_b2"] = w, b
    w, b = _lin(ks[i], HID, HID); i += 1
    inp["o1_w1"], inp["o1_b1"] = w, b
    w, b = _lin(ks[i], HID, HID); i += 1
    inp["o1_w2"], inp["o1_b2"] = w, b
    w, b = _lin(ks[i], HID, HID); i += 1
    inp["o2_w1"], inp["o2_b1"] = w, b
    w, b = _lin(ks[i], HID, 1); i += 1
    inp["o2_w2"], inp["o2_b2"] = w, b
    return inp


def reference(z, edge_index, pos, batch, emb,
              e0_w1, e0_b1, e0_w2, e0_b2, e0_wi, e0_bi,
              n0_w1, n0_b1, n0_w2, n0_b2,
              e1_w1, e1_b1, e1_w2, e1_b2, e1_wi, e1_bi,
              n1_w1, n1_b1, n1_w2, n1_b2,
              o1_w1, o1_b1, o1_w2, o1_b2,
              o2_w1, o2_b1, o2_w2, o2_b2):
    recv = edge_index[0]
    send = edge_index[1]
    x = emb[z]
    d = jnp.sum(jnp.square(pos[recv] - pos[send]), axis=1, keepdims=True)
    layers = [
        (e0_w1, e0_b1, e0_w2, e0_b2, e0_wi, e0_bi, n0_w1, n0_b1, n0_w2, n0_b2),
        (e1_w1, e1_b1, e1_w2, e1_b2, e1_wi, e1_bi, n1_w1, n1_b1, n1_w2, n1_b2),
    ]
    for (ew1, eb1, ew2, eb2, ewi, ebi, nw1, nb1, nw2, nb2) in layers:
        m = jnp.concatenate([x[recv], x[send], d], axis=1)
        m = _silu(m @ ew1 + eb1)
        m = _silu(m @ ew2 + eb2)
        w = jax.nn.sigmoid(m @ ewi + ebi)
        m = m * w
        agg = jax.ops.segment_sum(m, recv, num_segments=N_NODES)
        h = jnp.concatenate([x, agg], axis=1)
        h = _silu(h @ nw1 + nb1)
        x = h @ nw2 + nb2
    y = _silu(x @ o1_w1 + o1_b1) @ o1_w2 + o1_b2
    y = jax.ops.segment_sum(y, batch, num_segments=N_GRAPHS)
    y = _silu(y @ o2_w1 + o2_b1) @ o2_w2 + o2_b2
    return y

if __name__ == "__main__":
    import jax
    _d = setup_inputs()
    print(jax.jit(kernel)(*tuple(_d.values())))

</pallas_src>

<mosaic_0001>
#map = affine_map<(d0, d1) -> (0, 0)>
module attributes {stable_mosaic.version = 14 : i64} {
  func.func @body(%arg0: i32, %arg1: i32, %arg2: memref<10000x128xf32, #tpu.memory_space<hbm>>, %arg3: memref<10000x128xf32, #tpu.memory_space<hbm>>, %arg4: memref<4096x80xi32, #tpu.memory_space<hbm>>, %arg5: memref<4096x80xi32, #tpu.memory_space<hbm>>, %arg6: memref<320000x128xf32, #tpu.memory_space<hbm>>, %arg7: memref<320000x128xf32, #tpu.memory_space<hbm>>, %arg8: memref<128x80xi32, #tpu.memory_space<vmem>>, %arg9: memref<128x80xi32, #tpu.memory_space<vmem>>, %arg10: memref<80x128xf32, #tpu.memory_space<vmem>>, %arg11: memref<80x128xf32, #tpu.memory_space<vmem>>, %arg12: memref<80x128xf32, #tpu.memory_space<vmem>>, %arg13: memref<80x128xf32, #tpu.memory_space<vmem>>, %arg14: memref<!tpu.dma_semaphore, #tpu.memory_space<semaphore_mem>>, %arg15: memref<!tpu.dma_semaphore, #tpu.memory_space<semaphore_mem>>, %arg16: memref<!tpu.dma_semaphore, #tpu.memory_space<semaphore_mem>>, %arg17: memref<!tpu.dma_semaphore, #tpu.memory_space<semaphore_mem>>, %arg18: memref<!tpu.dma_semaphore, #tpu.memory_space<semaphore_mem>>, %arg19: memref<!tpu.dma_semaphore, #tpu.memory_space<semaphore_mem>>, %arg20: memref<!tpu.dma_semaphore, #tpu.memory_space<semaphore_mem>>, %arg21: memref<!tpu.dma_semaphore, #tpu.memory_space<semaphore_mem>>) attributes {dimension_semantics = [#tpu.dimension_semantics<core_parallel>, #tpu.dimension_semantics<subcore_parallel>], iteration_bounds = array<i64: 2, 16>, scalar_prefetch = 0 : i64, scratch_operands = 14 : i64, tpu.core_type = #tpu.core_type<sc_vector_subcore>, window_params = [{transform_indices = #map}, {transform_indices = #map}, {transform_indices = #map}, {transform_indices = #map}, {transform_indices = #map}, {transform_indices = #map}]} {
    %mul3A = arith.constant 16 : i32
    %mul3A_0 = arith.muli %arg0, %mul3A : i32
    %add3A = arith.addi %mul3A_0, %arg1 : i32
    %mul3A_1 = arith.constant 128 : i32
    %mul3A_2 = arith.muli %add3A, %mul3A_1 : i32
    %mul3A_3 = arith.constant 10000 : i32
    %mul3A_4 = arith.muli %add3A, %mul3A_3 : i32
    "tpu.region"() ({
      %run_scoped3A = tpu.sem_alloc : memref<!tpu.dma_semaphore, #tpu.memory_space<semaphore_mem>>
      %dma_start3A_67 = arith.constant 0 : i32
      %dma_start3A_68 = tpu.memref_slice %arg4[%mul3A_2, %dma_start3A_67] : memref<4096x80xi32, #tpu.memory_space<hbm>> -> memref<128x80xi32, #tpu.memory_space<hbm>>
      %dma_start3A_69 = arith.constant 0 : i32
      %dma_start3A_70 = tpu.memref_slice %arg4[%mul3A_2, %dma_start3A_69] : memref<4096x80xi32, #tpu.memory_space<hbm>> -> memref<128x80xi32, #tpu.memory_space<hbm>>
      tpu.enqueue_dma source(%dma_start3A_70 : memref<128x80xi32, #tpu.memory_space<hbm>>) target(%arg8 : memref<128x80xi32, #tpu.memory_space<vmem>>) target_semaphore(%run_scoped3A : memref<!tpu.dma_semaphore, #tpu.memory_space<semaphore_mem>>)
      %dma_wait3A_71 = arith.constant 0 : i32
      %dma_wait3A_72 = tpu.memref_slice %arg4[%mul3A_2, %dma_wait3A_71] : memref<4096x80xi32, #tpu.memory_space<hbm>> -> memref<128x80xi32, #tpu.memory_space<hbm>>
      %dma_wait3A_73 = arith.constant 0 : i32
      %dma_wait3A_74 = tpu.memref_slice %arg4[%mul3A_2, %dma_wait3A_73] : memref<4096x80xi32, #tpu.memory_space<hbm>> -> memref<128x80xi32, #tpu.memory_space<hbm>>
      tpu.wait_dma2 semaphore(%run_scoped3A : memref<!tpu.dma_semaphore, #tpu.memory_space<semaphore_mem>>) src(%dma_wait3A_74 : memref<128x80xi32, #tpu.memory_space<hbm>>) dst(%arg8 : memref<128x80xi32, #tpu.memory_space<vmem>>)
      tpu.yield
    }) : () -> ()
    "tpu.region"() ({
      %run_scoped3A = tpu.sem_alloc : memref<!tpu.dma_semaphore, #tpu.memory_space<semaphore_mem>>
      %dma_start3A_67 = arith.constant 0 : i32
      %dma_start3A_68 = tpu.memref_slice %arg5[%mul3A_2, %dma_start3A_67] : memref<4096x80xi32, #tpu.memory_space<hbm>> -> memref<128x80xi32, #tpu.memory_space<hbm>>
      %dma_start3A_69 = arith.constant 0 : i32
      %dma_start3A_70 = tpu.memref_slice %arg5[%mul3A_2, %dma_start3A_69] : memref<4096x80xi32, #tpu.memory_space<hbm>> -> memref<128x80xi32, #tpu.memory_space<hbm>>
      tpu.enqueue_dma source(%dma_start3A_70 : memref<128x80xi32, #tpu.memory_space<hbm>>) target(%arg9 : memref<128x80xi32, #tpu.memory_space<vmem>>) target_semaphore(%run_scoped3A : memref<!tpu.dma_semaphore, #tpu.memory_space<semaphore_mem>>)
      %dma_wait3A_71 = arith.constant 0 : i32
      %dma_wait3A_72 = tpu.memref_slice %arg5[%mul3A_2, %dma_wait3A_71] : memref<4096x80xi32, #tpu.memory_space<hbm>> -> memref<128x80xi32, #tpu.memory_space<hbm>>
      %dma_wait3A_73 = arith.constant 0 : i32
      %dma_wait3A_74 = tpu.memref_slice %arg5[%mul3A_2, %dma_wait3A_73] : memref<4096x80xi32, #tpu.memory_space<hbm>> -> memref<128x80xi32, #tpu.memory_space<hbm>>
      tpu.wait_dma2 semaphore(%run_scoped3A : memref<!tpu.dma_semaphore, #tpu.memory_space<semaphore_mem>>) src(%dma_wait3A_74 : memref<128x80xi32, #tpu.memory_space<hbm>>) dst(%arg9 : memref<128x80xi32, #tpu.memory_space<vmem>>)
      tpu.yield
    }) : () -> ()
    %dma_start3A = arith.constant 0 : i32
    %dma_start3A_5 = arith.constant 0 : i32
    %dma_start3A_6 = tpu.memref_slice %arg8[%dma_start3A, %dma_start3A_5] : memref<128x80xi32, #tpu.memory_space<vmem>> -> memref<1x80xi32, #tpu.memory_space<vmem>>
    %dma_start3A_7 = tpu.memref_squeeze %dma_start3A_6 : memref<1x80xi32, #tpu.memory_space<vmem>> -> memref<80xi32, #tpu.memory_space<vmem>>
    %dma_start3A_8 = arith.constant 0 : i32
    %dma_start3A_9 = arith.constant 0 : i32
    %dma_start3A_10 = tpu.memref_slice %arg2[%dma_start3A_8, %dma_start3A_9] : memref<10000x128xf32, #tpu.memory_space<hbm>> -> memref<10000x128xf32, #tpu.memory_space<hbm>>
    tpu.enqueue_indirect_dma source(%dma_start3A_10 : memref<10000x128xf32, #tpu.memory_space<hbm>>) target(%arg10 : memref<80x128xf32, #tpu.memory_space<vmem>>) offsets(%dma_start3A_7 : memref<80xi32, #tpu.memory_space<vmem>>) semaphore(%arg14 : memref<!tpu.dma_semaphore, #tpu.memory_space<semaphore_mem>>)
    %dma_start3A_11 = arith.constant 0 : i32
    %dma_start3A_12 = arith.constant 0 : i32
    %dma_start3A_13 = tpu.memref_slice %arg9[%dma_start3A_11, %dma_start3A_12] : memref<128x80xi32, #tpu.memory_space<vmem>> -> memref<1x80xi32, #tpu.memory_space<vmem>>
    %dma_start3A_14 = tpu.memref_squeeze %dma_start3A_13 : memref<1x80xi32, #tpu.memory_space<vmem>> -> memref<80xi32, #tpu.memory_space<vmem>>
    %dma_start3A_15 = arith.constant 0 : i32
    %dma_start3A_16 = arith.constant 0 : i32
    %dma_start3A_17 = tpu.memref_slice %arg3[%dma_start3A_15, %dma_start3A_16] : memref<10000x128xf32, #tpu.memory_space<hbm>> -> memref<10000x128xf32, #tpu.memory_space<hbm>>
    tpu.enqueue_indirect_dma source(%dma_start3A_17 : memref<10000x128xf32, #tpu.memory_space<hbm>>) target(%arg12 : memref<80x128xf32, #tpu.memory_space<vmem>>) offsets(%dma_start3A_14 : memref<80xi32, #tpu.memory_space<vmem>>) semaphore(%arg16 : memref<!tpu.dma_semaphore, #tpu.memory_space<semaphore_mem>>)
    %dma_start3A_18 = arith.constant 1 : i32
    %dma_start3A_19 = arith.constant 0 : i32
    %dma_start3A_20 = tpu.memref_slice %arg8[%dma_start3A_18, %dma_start3A_19] : memref<128x80xi32, #tpu.memory_space<vmem>> -> memref<1x80xi32, #tpu.memory_space<vmem>>
    %dma_start3A_21 = tpu.memref_squeeze %dma_start3A_20 : memref<1x80xi32, #tpu.memory_space<vmem>> -> memref<80xi32, #tpu.memory_space<vmem>>
    %dma_start3A_22 = arith.constant 0 : i32
    %dma_start3A_23 = arith.constant 0 : i32
    %dma_start3A_24 = tpu.memref_slice %arg2[%dma_start3A_22, %dma_start3A_23] : memref<10000x128xf32, #tpu.memory_space<hbm>> -> memref<10000x128xf32, #tpu.memory_space<hbm>>
    tpu.enqueue_indirect_dma source(%dma_start3A_24 : memref<10000x128xf32, #tpu.memory_space<hbm>>) target(%arg11 : memref<80x128xf32, #tpu.memory_space<vmem>>) offsets(%dma_start3A_21 : memref<80xi32, #tpu.memory_space<vmem>>) semaphore(%arg15 : memref<!tpu.dma_semaphore, #tpu.memory_space<semaphore_mem>>)
    %dma_start3A_25 = arith.constant 1 : i32
    %dma_start3A_26 = arith.constant 0 : i32
    %dma_start3A_27 = tpu.memref_slice %arg9[%dma_start3A_25, %dma_start3A_26] : memref<128x80xi32, #tpu.memory_space<vmem>> -> memref<1x80xi32, #tpu.memory_space<vmem>>
    %dma_start3A_28 = tpu.memref_squeeze %dma_start3A_27 : memref<1x80xi32, #tpu.memory_space<vmem>> -> memref<80xi32, #tpu.memory_space<vmem>>
    %dma_start3A_29 = arith.constant 0 : i32
    %dma_start3A_30 = arith.constant 0 : i32
    %dma_start3A_31 = tpu.memref_slice %arg3[%dma_start3A_29, %dma_start3A_30] : memref<10000x128xf32, #tpu.memory_space<hbm>> -> memref<10000x128xf32, #tpu.memory_space<hbm>>
    tpu.enqueue_indirect_dma source(%dma_start3A_31 : memref<10000x128xf32, #tpu.memory_space<hbm>>) target(%arg13 : memref<80x128xf32, #tpu.memory_space<vmem>>) offsets(%dma_start3A_28 : memref<80xi32, #tpu.memory_space<vmem>>) semaphore(%arg17 : memref<!tpu.dma_semaphore, #tpu.memory_space<semaphore_mem>>)
    %scan3A = arith.constant 0 : i32
    %scan3A_32 = arith.constant 62 : i32
    %scan3A_33 = arith.addi %scan3A, %scan3A_32 : i32
    %scan3A_34 = arith.constant 1 : i32
    scf.for %scan3A_67 = %scan3A to %scan3A_33 step %scan3A_34  : i32 {
      %mul3A_68 = arith.constant 1 : i32
      %mul3A_69 = arith.muli %scan3A_67, %mul3A_68 : i32
      %add3A_70 = arith.constant 0 : i32
      %add3A_71 = arith.addi %add3A_70, %mul3A_69 : i32
      %mul3A_72 = arith.constant 2 : i32
      %mul3A_73 = arith.muli %mul3A_72, %add3A_71 : i32
      %dma_wait3A_74 = arith.constant 0 : i32
      %dma_wait3A_75 = tpu.memref_slice %arg8[%mul3A_73, %dma_wait3A_74] : memref<128x80xi32, #tpu.memory_space<vmem>> -> memref<1x80xi32, #tpu.memory_space<vmem>>
      %dma_wait3A_76 = tpu.memref_squeeze %dma_wait3A_75 : memref<1x80xi32, #tpu.memory_space<vmem>> -> memref<80xi32, #tpu.memory_space<vmem>>
      %dma_wait3A_77 = arith.constant 0 : i32
      %dma_wait3A_78 = arith.constant 0 : i32
      %dma_wait3A_79 = tpu.memref_slice %arg2[%dma_wait3A_77, %dma_wait3A_78] : memref<10000x128xf32, #tpu.memory_space<hbm>> -> memref<10000x128xf32, #tpu.memory_space<hbm>>
      tpu.wait_indirect_dma semaphore(%arg14 : memref<!tpu.dma_semaphore, #tpu.memory_space<semaphore_mem>>) src(%dma_wait3A_79 : memref<10000x128xf32, #tpu.memory_space<hbm>>) dst(%arg10 : memref<80x128xf32, #tpu.memory_space<vmem>>)
      %dma_wait3A_80 = arith.constant 0 : i32
      %dma_wait3A_81 = tpu.memref_slice %arg9[%mul3A_73, %dma_wait3A_80] : memref<128x80xi32, #tpu.memory_space<vmem>> -> memref<1x80xi32, #tpu.memory_space<vmem>>
      %dma_wait3A_82 = tpu.memref_squeeze %dma_wait3A_81 : memref<1x80xi32, #tpu.memory_space<vmem>> -> memref<80xi32, #tpu.memory_space<vmem>>
      %dma_wait3A_83 = arith.constant 0 : i32
      %dma_wait3A_84 = arith.constant 0 : i32
      %dma_wait3A_85 = tpu.memref_slice %arg3[%dma_wait3A_83, %dma_wait3A_84] : memref<10000x128xf32, #tpu.memory_space<hbm>> -> memref<10000x128xf32, #tpu.memory_space<hbm>>
      tpu.wait_indirect_dma semaphore(%arg16 : memref<!tpu.dma_semaphore, #tpu.memory_space<semaphore_mem>>) src(%dma_wait3A_85 : memref<10000x128xf32, #tpu.memory_space<hbm>>) dst(%arg12 : memref<80x128xf32, #tpu.memory_space<vmem>>)
      %mul3A_86 = arith.constant 80 : i32
      %mul3A_87 = arith.muli %mul3A_73, %mul3A_86 : i32
      %add3A_88 = arith.addi %mul3A_4, %mul3A_87 : i32
      %dma_start3A_89 = arith.constant 0 : i32
      %dma_start3A_90 = tpu.memref_slice %arg6[%add3A_88, %dma_start3A_89] : memref<320000x128xf32, #tpu.memory_space<hbm>> -> memref<80x128xf32, #tpu.memory_space<hbm>>
      %dma_start3A_91 = arith.constant 0 : i32
      %dma_start3A_92 = tpu.memref_slice %arg6[%add3A_88, %dma_start3A_91] : memref<320000x128xf32, #tpu.memory_space<hbm>> -> memref<80x128xf32, #tpu.memory_space<hbm>>
      tpu.enqueue_dma source(%arg10 : memref<80x128xf32, #tpu.memory_space<vmem>>) target(%dma_start3A_92 : memref<80x128xf32, #tpu.memory_space<hbm>>) target_semaphore(%arg18 : memref<!tpu.dma_semaphore, #tpu.memory_space<semaphore_mem>>)
      %dma_start3A_93 = arith.constant 0 : i32
      %dma_start3A_94 = tpu.memref_slice %arg7[%add3A_88, %dma_start3A_93] : memref<320000x128xf32, #tpu.memory_space<hbm>> -> memref<80x128xf32, #tpu.memory_space<hbm>>
      %dma_start3A_95 = arith.constant 0 : i32
      %dma_start3A_96 = tpu.memref_slice %arg7[%add3A_88, %dma_start3A_95] : memref<320000x128xf32, #tpu.memory_space<hbm>> -> memref<80x128xf32, #tpu.memory_space<hbm>>
      tpu.enqueue_dma source(%arg12 : memref<80x128xf32, #tpu.memory_space<vmem>>) target(%dma_start3A_96 : memref<80x128xf32, #tpu.memory_space<hbm>>) target_semaphore(%arg20 : memref<!tpu.dma_semaphore, #tpu.memory_space<semaphore_mem>>)
      %dma_wait3A_97 = arith.constant 0 : i32
      %dma_wait3A_98 = tpu.memref_slice %arg6[%add3A_88, %dma_wait3A_97] : memref<320000x128xf32, #tpu.memory_space<hbm>> -> memref<80x128xf32, #tpu.memory_space<hbm>>
      %dma_wait3A_99 = arith.constant 0 : i32
      %dma_wait3A_100 = tpu.memref_slice %arg6[%add3A_88, %dma_wait3A_99] : memref<320000x128xf32, #tpu.memory_space<hbm>> -> memref<80x128xf32, #tpu.memory_space<hbm>>
      tpu.wait_dma2 semaphore(%arg18 : memref<!tpu.dma_semaphore, #tpu.memory_space<semaphore_mem>>) src(%arg10 : memref<80x128xf32, #tpu.memory_space<vmem>>) dst(%dma_wait3A_100 : memref<80x128xf32, #tpu.memory_space<hbm>>)
      %dma_wait3A_101 = arith.constant 0 : i32
      %dma_wait3A_102 = tpu.memref_slice %arg7[%add3A_88, %dma_wait3A_101] : memref<320000x128xf32, #tpu.memory_space<hbm>> -> memref<80x128xf32, #tpu.memory_space<hbm>>
      %dma_wait3A_103 = arith.constant 0 : i32
      %dma_wait3A_104 = tpu.memref_slice %arg7[%add3A_88, %dma_wait3A_103] : memref<320000x128xf32, #tpu.memory_space<hbm>> -> memref<80x128xf32, #tpu.memory_space<hbm>>
      tpu.wait_dma2 semaphore(%arg20 : memref<!tpu.dma_semaphore, #tpu.memory_space<semaphore_mem>>) src(%arg12 : memref<80x128xf32, #tpu.memory_space<vmem>>) dst(%dma_wait3A_104 : memref<80x128xf32, #tpu.memory_space<hbm>>)
      %add3A_105 = arith.constant 2 : i32
      %add3A_106 = arith.addi %mul3A_73, %add3A_105 : i32
      %lt3A = arith.constant 125 : i32
      %lt3A_107 = arith.cmpi slt, %add3A_106, %lt3A : i32
      %convert_element_type3A = arith.extui %lt3A_107 : i1 to i32
      %cond3A = arith.constant 0 : i32
      %cond3A_108 = arith.cmpi ne, %convert_element_type3A, %cond3A : i32
      scf.if %cond3A_108 {
        %add3A_151 = arith.constant 2 : i32
        %add3A_152 = arith.addi %mul3A_73, %add3A_151 : i32
        %dma_start3A_153 = arith.constant 0 : i32
        %dma_start3A_154 = tpu.memref_slice %arg8[%add3A_152, %dma_start3A_153] : memref<128x80xi32, #tpu.memory_space<vmem>> -> memref<1x80xi32, #tpu.memory_space<vmem>>
        %dma_start3A_155 = tpu.memref_squeeze %dma_start3A_154 : memref<1x80xi32, #tpu.memory_space<vmem>> -> memref<80xi32, #tpu.memory_space<vmem>>
        %dma_start3A_156 = arith.constant 0 : i32
        %dma_start3A_157 = arith.constant 0 : i32
        %dma_start3A_158 = tpu.memref_slice %arg2[%dma_start3A_156, %dma_start3A_157] : memref<10000x128xf32, #tpu.memory_space<hbm>> -> memref<10000x128xf32, #tpu.memory_space<hbm>>
        tpu.enqueue_indirect_dma source(%dma_start3A_158 : memref<10000x128xf32, #tpu.memory_space<hbm>>) target(%arg10 : memref<80x128xf32, #tpu.memory_space<vmem>>) offsets(%dma_start3A_155 : memref<80xi32, #tpu.memory_space<vmem>>) semaphore(%arg14 : memref<!tpu.dma_semaphore, #tpu.memory_space<semaphore_mem>>)
        %dma_start3A_159 = arith.constant 0 : i32
        %dma_start3A_160 = tpu.memref_slice %arg9[%add3A_152, %dma_start3A_159] : memref<128x80xi32, #tpu.memory_space<vmem>> -> memref<1x80xi32, #tpu.memory_space<vmem>>
        %dma_start3A_161 = tpu.memref_squeeze %dma_start3A_160 : memref<1x80xi32, #tpu.memory_space<vmem>> -> memref<80xi32, #tpu.memory_space<vmem>>
        %dma_start3A_162 = arith.constant 0 : i32
        %dma_start3A_163 = arith.constant 0 : i32
        %dma_start3A_164 = tpu.memref_slice %arg3[%dma_start3A_162, %dma_start3A_163] : memref<10000x128xf32, #tpu.memory_space<hbm>> -> memref<10000x128xf32, #tpu.memory_space<hbm>>
        tpu.enqueue_indirect_dma source(%dma_start3A_164 : memref<10000x128xf32, #tpu.memory_space<hbm>>) target(%arg12 : memref<80x128xf32, #tpu.memory_space<vmem>>) offsets(%dma_start3A_161 : memref<80xi32, #tpu.memory_space<vmem>>) semaphore(%arg16 : memref<!tpu.dma_semaphore, #tpu.memory_space<semaphore_mem>>)
      } else {
      }
      %mul3A_109 = arith.constant 2 : i32
      %mul3A_110 = arith.muli %mul3A_109, %add3A_71 : i32
      %add3A_111 = arith.constant 1 : i32
      %add3A_112 = arith.addi %mul3A_110, %add3A_111 : i32
      %dma_wait3A_113 = arith.constant 0 : i32
      %dma_wait3A_114 = tpu.memref_slice %arg8[%add3A_112, %dma_wait3A_113] : memref<128x80xi32, #tpu.memory_space<vmem>> -> memref<1x80xi32, #tpu.memory_space<vmem>>
      %dma_wait3A_115 = tpu.memref_squeeze %dma_wait3A_114 : memref<1x80xi32, #tpu.memory_space<vmem>> -> memref<80xi32, #tpu.memory_space<vmem>>
      %dma_wait3A_116 = arith.constant 0 : i32
      %dma_wait3A_117 = arith.constant 0 : i32
      %dma_wait3A_118 = tpu.memref_slice %arg2[%dma_wait3A_116, %dma_wait3A_117] : memref<10000x128xf32, #tpu.memory_space<hbm>> -> memref<10000x128xf32, #tpu.memory_space<hbm>>
      tpu.wait_indirect_dma semaphore(%arg15 : memref<!tpu.dma_semaphore, #tpu.memory_space<semaphore_mem>>) src(%dma_wait3A_118 : memref<10000x128xf32, #tpu.memory_space<hbm>>) dst(%arg11 : memref<80x128xf32, #tpu.memory_space<vmem>>)
      %dma_wait3A_119 = arith.constant 0 : i32
      %dma_wait3A_120 = tpu.memref_slice %arg9[%add3A_112, %dma_wait3A_119] : memref<128x80xi32, #tpu.memory_space<vmem>> -> memref<1x80xi32, #tpu.memory_space<vmem>>
      %dma_wait3A_121 = tpu.memref_squeeze %dma_wait3A_120 : memref<1x80xi32, #tpu.memory_space<vmem>> -> memref<80xi32, #tpu.memory_space<vmem>>
      %dma_wait3A_122 = arith.constant 0 : i32
      %dma_wait3A_123 = arith.constant 0 : i32
      %dma_wait3A_124 = tpu.memref_slice %arg3[%dma_wait3A_122, %dma_wait3A_123] : memref<10000x128xf32, #tpu.memory_space<hbm>> -> memref<10000x128xf32, #tpu.memory_space<hbm>>
      tpu.wait_indirect_dma semaphore(%arg17 : memref<!tpu.dma_semaphore, #tpu.memory_space<semaphore_mem>>) src(%dma_wait3A_124 : memref<10000x128xf32, #tpu.memory_space<hbm>>) dst(%arg13 : memref<80x128xf32, #tpu.memory_space<vmem>>)
      %mul3A_125 = arith.constant 80 : i32
      %mul3A_126 = arith.muli %add3A_112, %mul3A_125 : i32
      %add3A_127 = arith.addi %mul3A_4, %mul3A_126 : i32
      %dma_start3A_128 = arith.constant 0 : i32
      %dma_start3A_129 = tpu.memref_slice %arg6[%add3A_127, %dma_start3A_128] : memref<320000x128xf32, #tpu.memory_space<hbm>> -> memref<80x128xf32, #tpu.memory_space<hbm>>
      %dma_start3A_130 = arith.constant 0 : i32
      %dma_start3A_131 = tpu.memref_slice %arg6[%add3A_127, %dma_start3A_130] : memref<320000x128xf32, #tpu.memory_space<hbm>> -> memref<80x128xf32, #tpu.memory_space<hbm>>
      tpu.enqueue_dma source(%arg11 : memref<80x128xf32, #tpu.memory_space<vmem>>) target(%dma_start3A_131 : memref<80x128xf32, #tpu.memory_space<hbm>>) target_semaphore(%arg19 : memref<!tpu.dma_semaphore, #tpu.memory_space<semaphore_mem>>)
      %dma_start3A_132 = arith.constant 0 : i32
      %dma_start3A_133 = tpu.memref_slice %arg7[%add3A_127, %dma_start3A_132] : memref<320000x128xf32, #tpu.memory_space<hbm>> -> memref<80x128xf32, #tpu.memory_space<hbm>>
      %dma_start3A_134 = arith.constant 0 : i32
      %dma_start3A_135 = tpu.memref_slice %arg7[%add3A_127, %dma_start3A_134] : memref<320000x128xf32, #tpu.memory_space<hbm>> -> memref<80x128xf32, #tpu.memory_space<hbm>>
      tpu.enqueue_dma source(%arg13 : memref<80x128xf32, #tpu.memory_space<vmem>>) target(%dma_start3A_135 : memref<80x128xf32, #tpu.memory_space<hbm>>) target_semaphore(%arg21 : memref<!tpu.dma_semaphore, #tpu.memory_space<semaphore_mem>>)
      %dma_wait3A_136 = arith.constant 0 : i32
      %dma_wait3A_137 = tpu.memref_slice %arg6[%add3A_127, %dma_wait3A_136] : memref<320000x128xf32, #tpu.memory_space<hbm>> -> memref<80x128xf32, #tpu.memory_space<hbm>>
      %dma_wait3A_138 = arith.constant 0 : i32
      %dma_wait3A_139 = tpu.memref_slice %arg6[%add3A_127, %dma_wait3A_138] : memref<320000x128xf32, #tpu.memory_space<hbm>> -> memref<80x128xf32, #tpu.memory_space<hbm>>
      tpu.wait_dma2 semaphore(%arg19 : memref<!tpu.dma_semaphore, #tpu.memory_space<semaphore_mem>>) src(%arg11 : memref<80x128xf32, #tpu.memory_space<vmem>>) dst(%dma_wait3A_139 : memref<80x128xf32, #tpu.memory_space<hbm>>)
      %dma_wait3A_140 = arith.constant 0 : i32
      %dma_wait3A_141 = tpu.memref_slice %arg7[%add3A_127, %dma_wait3A_140] : memref<320000x128xf32, #tpu.memory_space<hbm>> -> memref<80x128xf32, #tpu.memory_space<hbm>>
      %dma_wait3A_142 = arith.constant 0 : i32
      %dma_wait3A_143 = tpu.memref_slice %arg7[%add3A_127, %dma_wait3A_142] : memref<320000x128xf32, #tpu.memory_space<hbm>> -> memref<80x128xf32, #tpu.memory_space<hbm>>
      tpu.wait_dma2 semaphore(%arg21 : memref<!tpu.dma_semaphore, #tpu.memory_space<semaphore_mem>>) src(%arg13 : memref<80x128xf32, #tpu.memory_space<vmem>>) dst(%dma_wait3A_143 : memref<80x128xf32, #tpu.memory_space<hbm>>)
      %add3A_144 = arith.constant 2 : i32
      %add3A_145 = arith.addi %add3A_112, %add3A_144 : i32
      %lt3A_146 = arith.constant 125 : i32
      %lt3A_147 = arith.cmpi slt, %add3A_145, %lt3A_146 : i32
      %convert_element_type3A_148 = arith.extui %lt3A_147 : i1 to i32
      %cond3A_149 = arith.constant 0 : i32
      %cond3A_150 = arith.cmpi ne, %convert_element_type3A_148, %cond3A_149 : i32
      scf.if %cond3A_150 {
        %add3A_151 = arith.constant 2 : i32
        %add3A_152 = arith.addi %add3A_112, %add3A_151 : i32
        %dma_start3A_153 = arith.constant 0 : i32
        %dma_start3A_154 = tpu.memref_slice %arg8[%add3A_152, %dma_start3A_153] : memref<128x80xi32, #tpu.memory_space<vmem>> -> memref<1x80xi32, #tpu.memory_space<vmem>>
        %dma_start3A_155 = tpu.memref_squeeze %dma_start3A_154 : memref<1x80xi32, #tpu.memory_space<vmem>> -> memref<80xi32, #tpu.memory_space<vmem>>
        %dma_start3A_156 = arith.constant 0 : i32
        %dma_start3A_157 = arith.constant 0 : i32
        %dma_start3A_158 = tpu.memref_slice %arg2[%dma_start3A_156, %dma_start3A_157] : memref<10000x128xf32, #tpu.memory_space<hbm>> -> memref<10000x128xf32, #tpu.memory_space<hbm>>
        tpu.enqueue_indirect_dma source(%dma_start3A_158 : memref<10000x128xf32, #tpu.memory_space<hbm>>) target(%arg11 : memref<80x128xf32, #tpu.memory_space<vmem>>) offsets(%dma_start3A_155 : memref<80xi32, #tpu.memory_space<vmem>>) semaphore(%arg15 : memref<!tpu.dma_semaphore, #tpu.memory_space<semaphore_mem>>)
        %dma_start3A_159 = arith.constant 0 : i32
        %dma_start3A_160 = tpu.memref_slice %arg9[%add3A_152, %dma_start3A_159] : memref<128x80xi32, #tpu.memory_space<vmem>> -> memref<1x80xi32, #tpu.memory_space<vmem>>
        %dma_start3A_161 = tpu.memref_squeeze %dma_start3A_160 : memref<1x80xi32, #tpu.memory_space<vmem>> -> memref<80xi32, #tpu.memory_space<vmem>>
        %dma_start3A_162 = arith.constant 0 : i32
        %dma_start3A_163 = arith.constant 0 : i32
        %dma_start3A_164 = tpu.memref_slice %arg3[%dma_start3A_162, %dma_start3A_163] : memref<10000x128xf32, #tpu.memory_space<hbm>> -> memref<10000x128xf32, #tpu.memory_space<hbm>>
        tpu.enqueue_indirect_dma source(%dma_start3A_164 : memref<10000x128xf32, #tpu.memory_space<hbm>>) target(%arg13 : memref<80x128xf32, #tpu.memory_space<vmem>>) offsets(%dma_start3A_161 : memref<80xi32, #tpu.memory_space<vmem>>) semaphore(%arg17 : memref<!tpu.dma_semaphore, #tpu.memory_space<semaphore_mem>>)
      } else {
      }
    }
    %scan3A_35 = arith.constant 62 : i32
    %dma_wait3A = arith.constant 124 : i32
    %dma_wait3A_36 = arith.constant 0 : i32
    %dma_wait3A_37 = tpu.memref_slice %arg8[%dma_wait3A, %dma_wait3A_36] : memref<128x80xi32, #tpu.memory_space<vmem>> -> memref<1x80xi32, #tpu.memory_space<vmem>>
    %dma_wait3A_38 = tpu.memref_squeeze %dma_wait3A_37 : memref<1x80xi32, #tpu.memory_space<vmem>> -> memref<80xi32, #tpu.memory_space<vmem>>
    %dma_wait3A_39 = arith.constant 0 : i32
    %dma_wait3A_40 = arith.constant 0 : i32
    %dma_wait3A_41 = tpu.memref_slice %arg2[%dma_wait3A_39, %dma_wait3A_40] : memref<10000x128xf32, #tpu.memory_space<hbm>> -> memref<10000x128xf32, #tpu.memory_space<hbm>>
    tpu.wait_indirect_dma semaphore(%arg14 : memref<!tpu.dma_semaphore, #tpu.memory_space<semaphore_mem>>) src(%dma_wait3A_41 : memref<10000x128xf32, #tpu.memory_space<hbm>>) dst(%arg10 : memref<80x128xf32, #tpu.memory_space<vmem>>)
    %dma_wait3A_42 = arith.constant 124 : i32
    %dma_wait3A_43 = arith.constant 0 : i32
    %dma_wait3A_44 = tpu.memref_slice %arg9[%dma_wait3A_42, %dma_wait3A_43] : memref<128x80xi32, #tpu.memory_space<vmem>> -> memref<1x80xi32, #tpu.memory_space<vmem>>
    %dma_wait3A_45 = tpu.memref_squeeze %dma_wait3A_44 : memref<1x80xi32, #tpu.memory_space<vmem>> -> memref<80xi32, #tpu.memory_space<vmem>>
    %dma_wait3A_46 = arith.constant 0 : i32
    %dma_wait3A_47 = arith.constant 0 : i32
    %dma_wait3A_48 = tpu.memref_slice %arg3[%dma_wait3A_46, %dma_wait3A_47] : memref<10000x128xf32, #tpu.memory_space<hbm>> -> memref<10000x128xf32, #tpu.memory_space<hbm>>
    tpu.wait_indirect_dma semaphore(%arg16 : memref<!tpu.dma_semaphore, #tpu.memory_space<semaphore_mem>>) src(%dma_wait3A_48 : memref<10000x128xf32, #tpu.memory_space<hbm>>) dst(%arg12 : memref<80x128xf32, #tpu.memory_space<vmem>>)
    %add3A_49 = arith.constant 9920 : i32
    %add3A_50 = arith.addi %mul3A_4, %add3A_49 : i32
    %dma_start3A_51 = arith.constant 0 : i32
    %dma_start3A_52 = tpu.memref_slice %arg6[%add3A_50, %dma_start3A_51] : memref<320000x128xf32, #tpu.memory_space<hbm>> -> memref<80x128xf32, #tpu.memory_space<hbm>>
    %dma_start3A_53 = arith.constant 0 : i32
    %dma_start3A_54 = tpu.memref_slice %arg6[%add3A_50, %dma_start3A_53] : memref<320000x128xf32, #tpu.memory_space<hbm>> -> memref<80x128xf32, #tpu.memory_space<hbm>>
    tpu.enqueue_dma source(%arg10 : memref<80x128xf32, #tpu.memory_space<vmem>>) target(%dma_start3A_54 : memref<80x128xf32, #tpu.memory_space<hbm>>) target_semaphore(%arg18 : memref<!tpu.dma_semaphore, #tpu.memory_space<semaphore_mem>>)
    %dma_start3A_55 = arith.constant 0 : i32
    %dma_start3A_56 = tpu.memref_slice %arg7[%add3A_50, %dma_start3A_55] : memref<320000x128xf32, #tpu.memory_space<hbm>> -> memref<80x128xf32, #tpu.memory_space<hbm>>
    %dma_start3A_57 = arith.constant 0 : i32
    %dma_start3A_58 = tpu.memref_slice %arg7[%add3A_50, %dma_start3A_57] : memref<320000x128xf32, #tpu.memory_space<hbm>> -> memref<80x128xf32, #tpu.memory_space<hbm>>
    tpu.enqueue_dma source(%arg12 : memref<80x128xf32, #tpu.memory_space<vmem>>) target(%dma_start3A_58 : memref<80x128xf32, #tpu.memory_space<hbm>>) target_semaphore(%arg20 : memref<!tpu.dma_semaphore, #tpu.memory_space<semaphore_mem>>)
    %dma_wait3A_59 = arith.constant 0 : i32
    %dma_wait3A_60 = tpu.memref_slice %arg6[%add3A_50, %dma_wait3A_59] : memref<320000x128xf32, #tpu.memory_space<hbm>> -> memref<80x128xf32, #tpu.memory_space<hbm>>
    %dma_wait3A_61 = arith.constant 0 : i32
    %dma_wait3A_62 = tpu.memref_slice %arg6[%add3A_50, %dma_wait3A_61] : memref<320000x128xf32, #tpu.memory_space<hbm>> -> memref<80x128xf32, #tpu.memory_space<hbm>>
    tpu.wait_dma2 semaphore(%arg18 : memref<!tpu.dma_semaphore, #tpu.memory_space<semaphore_mem>>) src(%arg10 : memref<80x128xf32, #tpu.memory_space<vmem>>) dst(%dma_wait3A_62 : memref<80x128xf32, #tpu.memory_space<hbm>>)
    %dma_wait3A_63 = arith.constant 0 : i32
    %dma_wait3A_64 = tpu.memref_slice %arg7[%add3A_50, %dma_wait3A_63] : memref<320000x128xf32, #tpu.memory_space<hbm>> -> memref<80x128xf32, #tpu.memory_space<hbm>>
    %dma_wait3A_65 = arith.constant 0 : i32
    %dma_wait3A_66 = tpu.memref_slice %arg7[%add3A_50, %dma_wait3A_65] : memref<320000x128xf32, #tpu.memory_space<hbm>> -> memref<80x128xf32, #tpu.memory_space<hbm>>
    tpu.wait_dma2 semaphore(%arg20 : memref<!tpu.dma_semaphore, #tpu.memory_space<semaphore_mem>>) src(%arg12 : memref<80x128xf32, #tpu.memory_space<vmem>>) dst(%dma_wait3A_66 : memref<80x128xf32, #tpu.memory_space<hbm>>)
    return
  }
}

#map = affine_map<(d0, d1) -> (0, 0)>
#map1 = affine_map<(d0, d1) -> (0, 0, 0)>
module attributes {stable_mosaic.version = 14 : i64} {
  func.func @_sc_segsum_body(%arg0: i32, %arg1: i32, %arg2: memref<320000x128xf32, #tpu.memory_space<hbm>>, %arg3: memref<4096x80xi32, #tpu.memory_space<hbm>>, %arg4: memref<640x128xf32, #tpu.memory_space<hbm>>, %arg5: memref<2x10000x128xf32, #tpu.memory_space<hbm>>, %arg6: memref<128x80xi32, #tpu.memory_space<vmem>>, %arg7: memref<80x128xf32, #tpu.memory_space<vmem>>, %arg8: memref<80x128xf32, #tpu.memory_space<vmem>>, %arg9: memref<10000x128xf32, #tpu.memory_space<vmem_shared>>, %arg10: memref<!tpu.dma_semaphore, #tpu.memory_space<semaphore_mem>>, %arg11: memref<!tpu.dma_semaphore, #tpu.memory_space<semaphore_mem>>, %arg12: memref<!tpu.dma_semaphore, #tpu.memory_space<semaphore_mem>>, %arg13: memref<!tpu.dma_semaphore, #tpu.memory_space<semaphore_mem>>) attributes {dimension_semantics = [#tpu.dimension_semantics<core_parallel>, #tpu.dimension_semantics<subcore_parallel>], iteration_bounds = array<i64: 2, 16>, scalar_prefetch = 0 : i64, scratch_operands = 8 : i64, tpu.core_type = #tpu.core_type<sc_vector_subcore>, window_params = [{transform_indices = #map}, {transform_indices = #map}, {transform_indices = #map}, {transform_indices = #map1}]} {
    %mul3A = arith.constant 16 : i32
    %mul3A_0 = arith.muli %arg0, %mul3A : i32
    %add3A = arith.addi %mul3A_0, %arg1 : i32
    %mul3A_1 = arith.constant 128 : i32
    %mul3A_2 = arith.muli %add3A, %mul3A_1 : i32
    %mul3A_3 = arith.constant 10000 : i32
    %mul3A_4 = arith.muli %add3A, %mul3A_3 : i32
    "tpu.region"() ({
      %run_scoped3A = tpu.sem_alloc : memref<!tpu.dma_semaphore, #tpu.memory_space<semaphore_mem>>
      %dma_start3A_56 = arith.constant 0 : i32
      %dma_start3A_57 = tpu.memref_slice %arg3[%mul3A_2, %dma_start3A_56] : memref<4096x80xi32, #tpu.memory_space<hbm>> -> memref<128x80xi32, #tpu.memory_space<hbm>>
      %dma_start3A_58 = arith.constant 0 : i32
      %dma_start3A_59 = tpu.memref_slice %arg3[%mul3A_2, %dma_start3A_58] : memref<4096x80xi32, #tpu.memory_space<hbm>> -> memref<128x80xi32, #tpu.memory_space<hbm>>
      tpu.enqueue_dma source(%dma_start3A_59 : memref<128x80xi32, #tpu.memory_space<hbm>>) target(%arg6 : memref<128x80xi32, #tpu.memory_space<vmem>>) target_semaphore(%run_scoped3A : memref<!tpu.dma_semaphore, #tpu.memory_space<semaphore_mem>>)
      %dma_wait3A_60 = arith.constant 0 : i32
      %dma_wait3A_61 = tpu.memref_slice %arg3[%mul3A_2, %dma_wait3A_60] : memref<4096x80xi32, #tpu.memory_space<hbm>> -> memref<128x80xi32, #tpu.memory_space<hbm>>
      %dma_wait3A_62 = arith.constant 0 : i32
      %dma_wait3A_63 = tpu.memref_slice %arg3[%mul3A_2, %dma_wait3A_62] : memref<4096x80xi32, #tpu.memory_space<hbm>> -> memref<128x80xi32, #tpu.memory_space<hbm>>
      tpu.wait_dma2 semaphore(%run_scoped3A : memref<!tpu.dma_semaphore, #tpu.memory_space<semaphore_mem>>) src(%dma_wait3A_63 : memref<128x80xi32, #tpu.memory_space<hbm>>) dst(%arg6 : memref<128x80xi32, #tpu.memory_space<vmem>>)
      tpu.yield
    }) : () -> ()
    %lt3A = arith.constant 15 : i32
    %lt3A_5 = arith.cmpi slt, %arg1, %lt3A : i32
    %convert_element_type3A = arith.extui %lt3A_5 : i1 to i32
    %cond3A = arith.constant 0 : i32
    %cond3A_6 = arith.cmpi ne, %convert_element_type3A, %cond3A : i32
    scf.if %cond3A_6 {
      %mul3A_56 = arith.constant 624 : i32
      %mul3A_57 = arith.muli %arg1, %mul3A_56 : i32
      "tpu.region"() ({
        %run_scoped3A = tpu.sem_alloc : memref<!tpu.dma_semaphore, #tpu.memory_space<semaphore_mem>>
        %dma_start3A_58 = arith.constant 0 : i32
        %dma_start3A_59 = tpu.memref_slice %arg9[%mul3A_57, %dma_start3A_58] : memref<10000x128xf32, #tpu.memory_space<vmem_shared>> -> memref<624x128xf32, #tpu.memory_space<vmem_shared>>
        %dma_start3A_60 = arith.constant 0 : i32
        %dma_start3A_61 = arith.constant 0 : i32
        %dma_start3A_62 = tpu.memref_slice %arg4[%dma_start3A_60, %dma_start3A_61] : memref<640x128xf32, #tpu.memory_space<hbm>> -> memref<624x128xf32, #tpu.memory_space<hbm>>
        tpu.enqueue_dma source(%dma_start3A_62 : memref<624x128xf32, #tpu.memory_space<hbm>>) target(%dma_start3A_59 : memref<624x128xf32, #tpu.memory_space<vmem_shared>>) target_semaphore(%run_scoped3A : memref<!tpu.dma_semaphore, #tpu.memory_space<semaphore_mem>>)
        %dma_wait3A_63 = arith.constant 0 : i32
        %dma_wait3A_64 = tpu.memref_slice %arg9[%mul3A_57, %dma_wait3A_63] : memref<10000x128xf32, #tpu.memory_space<vmem_shared>> -> memref<624x128xf32, #tpu.memory_space<vmem_shared>>
        %dma_wait3A_65 = arith.constant 0 : i32
        %dma_wait3A_66 = arith.constant 0 : i32
        %dma_wait3A_67 = tpu.memref_slice %arg4[%dma_wait3A_65, %dma_wait3A_66] : memref<640x128xf32, #tpu.memory_space<hbm>> -> memref<624x128xf32, #tpu.memory_space<hbm>>
        tpu.wait_dma2 semaphore(%run_scoped3A : memref<!tpu.dma_semaphore, #tpu.memory_space<semaphore_mem>>) src(%dma_wait3A_67 : memref<624x128xf32, #tpu.memory_space<hbm>>) dst(%dma_wait3A_64 : memref<624x128xf32, #tpu.memory_space<vmem_shared>>)
        tpu.yield
      }) : () -> ()
    } else {
    }
    %eq3A = arith.constant 15 : i32
    %eq3A_7 = arith.cmpi eq, %arg1, %eq3A : i32
    %convert_element_type3A_8 = arith.extui %eq3A_7 : i1 to i32
    %cond3A_9 = arith.constant 0 : i32
    %cond3A_10 = arith.cmpi ne, %convert_element_type3A_8, %cond3A_9 : i32
    scf.if %cond3A_10 {
      "tpu.region"() ({
        %run_scoped3A = tpu.sem_alloc : memref<!tpu.dma_semaphore, #tpu.memory_space<semaphore_mem>>
        %dma_start3A_56 = arith.constant 9360 : i32
        %dma_start3A_57 = arith.constant 0 : i32
        %dma_start3A_58 = tpu.memref_slice %arg9[%dma_start3A_56, %dma_start3A_57] : memref<10000x128xf32, #tpu.memory_space<vmem_shared>> -> memref<640x128xf32, #tpu.memory_space<vmem_shared>>
        tpu.enqueue_dma source(%arg4 : memref<640x128xf32, #tpu.memory_space<hbm>>) target(%dma_start3A_58 : memref<640x128xf32, #tpu.memory_space<vmem_shared>>) target_semaphore(%run_scoped3A : memref<!tpu.dma_semaphore, #tpu.memory_space<semaphore_mem>>)
        %dma_wait3A_59 = arith.constant 9360 : i32
        %dma_wait3A_60 = arith.constant 0 : i32
        %dma_wait3A_61 = tpu.memref_slice %arg9[%dma_wait3A_59, %dma_wait3A_60] : memref<10000x128xf32, #tpu.memory_space<vmem_shared>> -> memref<640x128xf32, #tpu.memory_space<vmem_shared>>
        tpu.wait_dma2 semaphore(%run_scoped3A : memref<!tpu.dma_semaphore, #tpu.memory_space<semaphore_mem>>) src(%arg4 : memref<640x128xf32, #tpu.memory_space<hbm>>) dst(%dma_wait3A_61 : memref<640x128xf32, #tpu.memory_space<vmem_shared>>)
        tpu.yield
      }) : () -> ()
    } else {
    }
    %barrier3A = arith.constant 0 : index
    tpu.barrier barrier_id(%barrier3A)
    %add3A_11 = arith.constant 0 : i32
    %add3A_12 = arith.addi %mul3A_4, %add3A_11 : i32
    %dma_start3A = arith.constant 0 : i32
    %dma_start3A_13 = tpu.memref_slice %arg2[%add3A_12, %dma_start3A] : memref<320000x128xf32, #tpu.memory_space<hbm>> -> memref<80x128xf32, #tpu.memory_space<hbm>>
    %dma_start3A_14 = arith.constant 0 : i32
    %dma_start3A_15 = tpu.memref_slice %arg2[%add3A_12, %dma_start3A_14] : memref<320000x128xf32, #tpu.memory_space<hbm>> -> memref<80x128xf32, #tpu.memory_space<hbm>>
    tpu.enqueue_dma source(%dma_start3A_15 : memref<80x128xf32, #tpu.memory_space<hbm>>) target(%arg7 : memref<80x128xf32, #tpu.memory_space<vmem>>) target_semaphore(%arg10 : memref<!tpu.dma_semaphore, #tpu.memory_space<semaphore_mem>>)
    %add3A_16 = arith.constant 80 : i32
    %add3A_17 = arith.addi %mul3A_4, %add3A_16 : i32
    %dma_start3A_18 = arith.constant 0 : i32
    %dma_start3A_19 = tpu.memref_slice %arg2[%add3A_17, %dma_start3A_18] : memref<320000x128xf32, #tpu.memory_space<hbm>> -> memref<80x128xf32, #tpu.memory_space<hbm>>
    %dma_start3A_20 = arith.constant 0 : i32
    %dma_start3A_21 = tpu.memref_slice %arg2[%add3A_17, %dma_start3A_20] : memref<320000x128xf32, #tpu.memory_space<hbm>> -> memref<80x128xf32, #tpu.memory_space<hbm>>
    tpu.enqueue_dma source(%dma_start3A_21 : memref<80x128xf32, #tpu.memory_space<hbm>>) target(%arg8 : memref<80x128xf32, #tpu.memory_space<vmem>>) target_semaphore(%arg11 : memref<!tpu.dma_semaphore, #tpu.memory_space<semaphore_mem>>)
    %scan3A = arith.constant 0 : i32
    %scan3A_22 = arith.constant 62 : i32
    %scan3A_23 = arith.addi %scan3A, %scan3A_22 : i32
    %scan3A_24 = arith.constant 1 : i32
    scf.for %scan3A_56 = %scan3A to %scan3A_23 step %scan3A_24  : i32 {
      %mul3A_57 = arith.constant 1 : i32
      %mul3A_58 = arith.muli %scan3A_56, %mul3A_57 : i32
      %add3A_59 = arith.constant 0 : i32
      %add3A_60 = arith.addi %add3A_59, %mul3A_58 : i32
      %mul3A_61 = arith.constant 2 : i32
      %mul3A_62 = arith.muli %mul3A_61, %add3A_60 : i32
      %mul3A_63 = arith.constant 80 : i32
      %mul3A_64 = arith.muli %mul3A_62, %mul3A_63 : i32
      %add3A_65 = arith.addi %mul3A_4, %mul3A_64 : i32
      %dma_wait3A_66 = arith.constant 0 : i32
      %dma_wait3A_67 = tpu.memref_slice %arg2[%add3A_65, %dma_wait3A_66] : memref<320000x128xf32, #tpu.memory_space<hbm>> -> memref<80x128xf32, #tpu.memory_space<hbm>>
      %dma_wait3A_68 = arith.constant 0 : i32
      %dma_wait3A_69 = tpu.memref_slice %arg2[%add3A_65, %dma_wait3A_68] : memref<320000x128xf32, #tpu.memory_space<hbm>> -> memref<80x128xf32, #tpu.memory_space<hbm>>
      tpu.wait_dma2 semaphore(%arg10 : memref<!tpu.dma_semaphore, #tpu.memory_space<semaphore_mem>>) src(%dma_wait3A_69 : memref<80x128xf32, #tpu.memory_space<hbm>>) dst(%arg7 : memref<80x128xf32, #tpu.memory_space<vmem>>)
      %dma_start3A_70 = arith.constant 0 : i32
      %dma_start3A_71 = tpu.memref_slice %arg6[%mul3A_62, %dma_start3A_70] : memref<128x80xi32, #tpu.memory_space<vmem>> -> memref<1x80xi32, #tpu.memory_space<vmem>>
      %dma_start3A_72 = tpu.memref_squeeze %dma_start3A_71 : memref<1x80xi32, #tpu.memory_space<vmem>> -> memref<80xi32, #tpu.memory_space<vmem>>
      %dma_start3A_73 = arith.constant 0 : i32
      %dma_start3A_74 = arith.constant 0 : i32
      %dma_start3A_75 = tpu.memref_slice %arg9[%dma_start3A_73, %dma_start3A_74] : memref<10000x128xf32, #tpu.memory_space<vmem_shared>> -> memref<10000x128xf32, #tpu.memory_space<vmem_shared>>
      tpu.enqueue_indirect_dma source(%arg7 : memref<80x128xf32, #tpu.memory_space<vmem>>) target(%dma_start3A_75 : memref<10000x128xf32, #tpu.memory_space<vmem_shared>>) offsets(%dma_start3A_72 : memref<80xi32, #tpu.memory_space<vmem>>) semaphore(%arg12 : memref<!tpu.dma_semaphore, #tpu.memory_space<semaphore_mem>>) {add = true}
      %dma_wait3A_76 = arith.constant 0 : i32
      %dma_wait3A_77 = tpu.memref_slice %arg6[%mul3A_62, %dma_wait3A_76] : memref<128x80xi32, #tpu.memory_space<vmem>> -> memref<1x80xi32, #tpu.memory_space<vmem>>
      %dma_wait3A_78 = tpu.memref_squeeze %dma_wait3A_77 : memref<1x80xi32, #tpu.memory_space<vmem>> -> memref<80xi32, #tpu.memory_space<vmem>>
      %dma_wait3A_79 = arith.constant 0 : i32
      %dma_wait3A_80 = arith.constant 0 : i32
      %dma_wait3A_81 = tpu.memref_slice %arg9[%dma_wait3A_79, %dma_wait3A_80] : memref<10000x128xf32, #tpu.memory_space<vmem_shared>> -> memref<10000x128xf32, #tpu.memory_space<vmem_shared>>
      tpu.wait_indirect_dma semaphore(%arg12 : memref<!tpu.dma_semaphore, #tpu.memory_space<semaphore_mem>>) src(%arg7 : memref<80x128xf32, #tpu.memory_space<vmem>>) dst(%dma_wait3A_81 : memref<10000x128xf32, #tpu.memory_space<vmem_shared>>)
      %add3A_82 = arith.constant 2 : i32
      %add3A_83 = arith.addi %mul3A_62, %add3A_82 : i32
      %lt3A_84 = arith.constant 125 : i32
      %lt3A_85 = arith.cmpi slt, %add3A_83, %lt3A_84 : i32
      %convert_element_type3A_86 = arith.extui %lt3A_85 : i1 to i32
      %cond3A_87 = arith.constant 0 : i32
      %cond3A_88 = arith.cmpi ne, %convert_element_type3A_86, %cond3A_87 : i32
      scf.if %cond3A_88 {
        %add3A_119 = arith.constant 2 : i32
        %add3A_120 = arith.addi %mul3A_62, %add3A_119 : i32
        %mul3A_121 = arith.constant 80 : i32
        %mul3A_122 = arith.muli %add3A_120, %mul3A_121 : i32
        %add3A_123 = arith.addi %mul3A_4, %mul3A_122 : i32
        %dma_start3A_124 = arith.constant 0 : i32
        %dma_start3A_125 = tpu.memref_slice %arg2[%add3A_123, %dma_start3A_124] : memref<320000x128xf32, #tpu.memory_space<hbm>> -> memref<80x128xf32, #tpu.memory_space<hbm>>
        %dma_start3A_126 = arith.constant 0 : i32
        %dma_start3A_127 = tpu.memref_slice %arg2[%add3A_123, %dma_start3A_126] : memref<320000x128xf32, #tpu.memory_space<hbm>> -> memref<80x128xf32, #tpu.memory_space<hbm>>
        tpu.enqueue_dma source(%dma_start3A_127 : memref<80x128xf32, #tpu.memory_space<hbm>>) target(%arg7 : memref<80x128xf32, #tpu.memory_space<vmem>>) target_semaphore(%arg10 : memref<!tpu.dma_semaphore, #tpu.memory_space<semaphore_mem>>)
      } else {
      }
      %mul3A_89 = arith.constant 2 : i32
      %mul3A_90 = arith.muli %mul3A_89, %add3A_60 : i32
      %add3A_91 = arith.constant 1 : i32
      %add3A_92 = arith.addi %mul3A_90, %add3A_91 : i32
      %mul3A_93 = arith.constant 80 : i32
      %mul3A_94 = arith.muli %add3A_92, %mul3A_93 : i32
      %add3A_95 = arith.addi %mul3A_4, %mul3A_94 : i32
      %dma_wait3A_96 = arith.constant 0 : i32
      %dma_wait3A_97 = tpu.memref_slice %arg2[%add3A_95, %dma_wait3A_96] : memref<320000x128xf32, #tpu.memory_space<hbm>> -> memref<80x128xf32, #tpu.memory_space<hbm>>
      %dma_wait3A_98 = arith.constant 0 : i32
      %dma_wait3A_99 = tpu.memref_slice %arg2[%add3A_95, %dma_wait3A_98] : memref<320000x128xf32, #tpu.memory_space<hbm>> -> memref<80x128xf32, #tpu.memory_space<hbm>>
      tpu.wait_dma2 semaphore(%arg11 : memref<!tpu.dma_semaphore, #tpu.memory_space<semaphore_mem>>) src(%dma_wait3A_99 : memref<80x128xf32, #tpu.memory_space<hbm>>) dst(%arg8 : memref<80x128xf32, #tpu.memory_space<vmem>>)
      %dma_start3A_100 = arith.constant 0 : i32
      %dma_start3A_101 = tpu.memref_slice %arg6[%add3A_92, %dma_start3A_100] : memref<128x80xi32, #tpu.memory_space<vmem>> -> memref<1x80xi32, #tpu.memory_space<vmem>>
      %dma_start3A_102 = tpu.memref_squeeze %dma_start3A_101 : memref<1x80xi32, #tpu.memory_space<vmem>> -> memref<80xi32, #tpu.memory_space<vmem>>
      %dma_start3A_103 = arith.constant 0 : i32
      %dma_start3A_104 = arith.constant 0 : i32
      %dma_start3A_105 = tpu.memref_slice %arg9[%dma_start3A_103, %dma_start3A_104] : memref<10000x128xf32, #tpu.memory_space<vmem_shared>> -> memref<10000x128xf32, #tpu.memory_space<vmem_shared>>
      tpu.enqueue_indirect_dma source(%arg8 : memref<80x128xf32, #tpu.memory_space<vmem>>) target(%dma_start3A_105 : memref<10000x128xf32, #tpu.memory_space<vmem_shared>>) offsets(%dma_start3A_102 : memref<80xi32, #tpu.memory_space<vmem>>) semaphore(%arg13 : memref<!tpu.dma_semaphore, #tpu.memory_space<semaphore_mem>>) {add = true}
      %dma_wait3A_106 = arith.constant 0 : i32
      %dma_wait3A_107 = tpu.memref_slice %arg6[%add3A_92, %dma_wait3A_106] : memref<128x80xi32, #tpu.memory_space<vmem>> -> memref<1x80xi32, #tpu.memory_space<vmem>>
      %dma_wait3A_108 = tpu.memref_squeeze %dma_wait3A_107 : memref<1x80xi32, #tpu.memory_space<vmem>> -> memref<80xi32, #tpu.memory_space<vmem>>
      %dma_wait3A_109 = arith.constant 0 : i32
      %dma_wait3A_110 = arith.constant 0 : i32
      %dma_wait3A_111 = tpu.memref_slice %arg9[%dma_wait3A_109, %dma_wait3A_110] : memref<10000x128xf32, #tpu.memory_space<vmem_shared>> -> memref<10000x128xf32, #tpu.memory_space<vmem_shared>>
      tpu.wait_indirect_dma semaphore(%arg13 : memref<!tpu.dma_semaphore, #tpu.memory_space<semaphore_mem>>) src(%arg8 : memref<80x128xf32, #tpu.memory_space<vmem>>) dst(%dma_wait3A_111 : memref<10000x128xf32, #tpu.memory_space<vmem_shared>>)
      %add3A_112 = arith.constant 2 : i32
      %add3A_113 = arith.addi %add3A_92, %add3A_112 : i32
      %lt3A_114 = arith.constant 125 : i32
      %lt3A_115 = arith.cmpi slt, %add3A_113, %lt3A_114 : i32
      %convert_element_type3A_116 = arith.extui %lt3A_115 : i1 to i32
      %cond3A_117 = arith.constant 0 : i32
      %cond3A_118 = arith.cmpi ne, %convert_element_type3A_116, %cond3A_117 : i32
      scf.if %cond3A_118 {
        %add3A_119 = arith.constant 2 : i32
        %add3A_120 = arith.addi %add3A_92, %add3A_119 : i32
        %mul3A_121 = arith.constant 80 : i32
        %mul3A_122 = arith.muli %add3A_120, %mul3A_121 : i32
        %add3A_123 = arith.addi %mul3A_4, %mul3A_122 : i32
        %dma_start3A_124 = arith.constant 0 : i32
        %dma_start3A_125 = tpu.memref_slice %arg2[%add3A_123, %dma_start3A_124] : memref<320000x128xf32, #tpu.memory_space<hbm>> -> memref<80x128xf32, #tpu.memory_space<hbm>>
        %dma_start3A_126 = arith.constant 0 : i32
        %dma_start3A_127 = tpu.memref_slice %arg2[%add3A_123, %dma_start3A_126] : memref<320000x128xf32, #tpu.memory_space<hbm>> -> memref<80x128xf32, #tpu.memory_space<hbm>>
        tpu.enqueue_dma source(%dma_start3A_127 : memref<80x128xf32, #tpu.memory_space<hbm>>) target(%arg8 : memref<80x128xf32, #tpu.memory_space<vmem>>) target_semaphore(%arg11 : memref<!tpu.dma_semaphore, #tpu.memory_space<semaphore_mem>>)
      } else {
      }
    }
    %scan3A_25 = arith.constant 62 : i32
    %add3A_26 = arith.constant 9920 : i32
    %add3A_27 = arith.addi %mul3A_4, %add3A_26 : i32
    %dma_wait3A = arith.constant 0 : i32
    %dma_wait3A_28 = tpu.memref_slice %arg2[%add3A_27, %dma_wait3A] : memref<320000x128xf32, #tpu.memory_space<hbm>> -> memref<80x128xf32, #tpu.memory_space<hbm>>
    %dma_wait3A_29 = arith.constant 0 : i32
    %dma_wait3A_30 = tpu.memref_slice %arg2[%add3A_27, %dma_wait3A_29] : memref<320000x128xf32, #tpu.memory_space<hbm>> -> memref<80x128xf32, #tpu.memory_space<hbm>>
    tpu.wait_dma2 semaphore(%arg10 : memref<!tpu.dma_semaphore, #tpu.memory_space<semaphore_mem>>) src(%dma_wait3A_30 : memref<80x128xf32, #tpu.memory_space<hbm>>) dst(%arg7 : memref<80x128xf32, #tpu.memory_space<vmem>>)
    %dma_start3A_31 = arith.constant 124 : i32
    %dma_start3A_32 = arith.constant 0 : i32
    %dma_start3A_33 = tpu.memref_slice %arg6[%dma_start3A_31, %dma_start3A_32] : memref<128x80xi32, #tpu.memory_space<vmem>> -> memref<1x80xi32, #tpu.memory_space<vmem>>
    %dma_start3A_34 = tpu.memref_squeeze %dma_start3A_33 : memref<1x80xi32, #tpu.memory_space<vmem>> -> memref<80xi32, #tpu.memory_space<vmem>>
    %dma_start3A_35 = arith.constant 0 : i32
    %dma_start3A_36 = arith.constant 0 : i32
    %dma_start3A_37 = tpu.memref_slice %arg9[%dma_start3A_35, %dma_start3A_36] : memref<10000x128xf32, #tpu.memory_space<vmem_shared>> -> memref<10000x128xf32, #tpu.memory_space<vmem_shared>>
    tpu.enqueue_indirect_dma source(%arg7 : memref<80x128xf32, #tpu.memory_space<vmem>>) target(%dma_start3A_37 : memref<10000x128xf32, #tpu.memory_space<vmem_shared>>) offsets(%dma_start3A_34 : memref<80xi32, #tpu.memory_space<vmem>>) semaphore(%arg12 : memref<!tpu.dma_semaphore, #tpu.memory_space<semaphore_mem>>) {add = true}
    %dma_wait3A_38 = arith.constant 124 : i32
    %dma_wait3A_39 = arith.constant 0 : i32
    %dma_wait3A_40 = tpu.memref_slice %arg6[%dma_wait3A_38, %dma_wait3A_39] : memref<128x80xi32, #tpu.memory_space<vmem>> -> memref<1x80xi32, #tpu.memory_space<vmem>>
    %dma_wait3A_41 = tpu.memref_squeeze %dma_wait3A_40 : memref<1x80xi32, #tpu.memory_space<vmem>> -> memref<80xi32, #tpu.memory_space<vmem>>
    %dma_wait3A_42 = arith.constant 0 : i32
    %dma_wait3A_43 = arith.constant 0 : i32
    %dma_wait3A_44 = tpu.memref_slice %arg9[%dma_wait3A_42, %dma_wait3A_43] : memref<10000x128xf32, #tpu.memory_space<vmem_shared>> -> memref<10000x128xf32, #tpu.memory_space<vmem_shared>>
    tpu.wait_indirect_dma semaphore(%arg12 : memref<!tpu.dma_semaphore, #tpu.memory_space<semaphore_mem>>) src(%arg7 : memref<80x128xf32, #tpu.memory_space<vmem>>) dst(%dma_wait3A_44 : memref<10000x128xf32, #tpu.memory_space<vmem_shared>>)
    %barrier3A_45 = arith.constant 0 : index
    tpu.barrier barrier_id(%barrier3A_45)
    %lt3A_46 = arith.constant 15 : i32
    %lt3A_47 = arith.cmpi slt, %arg1, %lt3A_46 : i32
    %convert_element_type3A_48 = arith.extui %lt3A_47 : i1 to i32
    %cond3A_49 = arith.constant 0 : i32
    %cond3A_50 = arith.cmpi ne, %convert_element_type3A_48, %cond3A_49 : i32
    scf.if %cond3A_50 {
      %mul3A_56 = arith.constant 624 : i32
      %mul3A_57 = arith.muli %arg1, %mul3A_56 : i32
      %mul3A_58 = arith.constant 624 : i32
      %mul3A_59 = arith.muli %arg1, %mul3A_58 : i32
      "tpu.region"() ({
        %run_scoped3A = tpu.sem_alloc : memref<!tpu.dma_semaphore, #tpu.memory_space<semaphore_mem>>
        %dma_start3A_60 = arith.constant 0 : i32
        %dma_start3A_61 = tpu.memref_slice %arg5[%arg0, %mul3A_59, %dma_start3A_60] : memref<2x10000x128xf32, #tpu.memory_space<hbm>> -> memref<1x624x128xf32, #tpu.memory_space<hbm>>
        %dma_start3A_62 = tpu.memref_squeeze %dma_start3A_61 : memref<1x624x128xf32, #tpu.memory_space<hbm>> -> memref<624x128xf32, #tpu.memory_space<hbm>>
        %dma_start3A_63 = arith.constant 0 : i32
        %dma_start3A_64 = tpu.memref_slice %arg9[%mul3A_57, %dma_start3A_63] : memref<10000x128xf32, #tpu.memory_space<vmem_shared>> -> memref<624x128xf32, #tpu.memory_space<vmem_shared>>
        tpu.enqueue_dma source(%dma_start3A_64 : memref<624x128xf32, #tpu.memory_space<vmem_shared>>) target(%dma_start3A_62 : memref<624x128xf32, #tpu.memory_space<hbm>>) target_semaphore(%run_scoped3A : memref<!tpu.dma_semaphore, #tpu.memory_space<semaphore_mem>>)
        %dma_wait3A_65 = arith.constant 0 : i32
        %dma_wait3A_66 = tpu.memref_slice %arg5[%arg0, %mul3A_59, %dma_wait3A_65] : memref<2x10000x128xf32, #tpu.memory_space<hbm>> -> memref<1x624x128xf32, #tpu.memory_space<hbm>>
        %dma_wait3A_67 = tpu.memref_squeeze %dma_wait3A_66 : memref<1x624x128xf32, #tpu.memory_space<hbm>> -> memref<624x128xf32, #tpu.memory_space<hbm>>
        %dma_wait3A_68 = arith.constant 0 : i32
        %dma_wait3A_69 = tpu.memref_slice %arg9[%mul3A_57, %dma_wait3A_68] : memref<10000x128xf32, #tpu.memory_space<vmem_shared>> -> memref<624x128xf32, #tpu.memory_space<vmem_shared>>
        tpu.wait_dma2 semaphore(%run_scoped3A : memref<!tpu.dma_semaphore, #tpu.memory_space<semaphore_mem>>) src(%dma_wait3A_69 : memref<624x128xf32, #tpu.memory_space<vmem_shared>>) dst(%dma_wait3A_67 : memref<624x128xf32, #tpu.memory_space<hbm>>)
        tpu.yield
      }) : () -> ()
    } else {
    }
    %eq3A_51 = arith.constant 15 : i32
    %eq3A_52 = arith.cmpi eq, %arg1, %eq3A_51 : i32
    %convert_element_type3A_53 = arith.extui %eq3A_52 : i1 to i32
    %cond3A_54 = arith.constant 0 : i32
    %cond3A_55 = arith.cmpi ne, %convert_element_type3A_53, %cond3A_54 : i32
    scf.if %cond3A_55 {
      "tpu.region"() ({
        %run_scoped3A = tpu.sem_alloc : memref<!tpu.dma_semaphore, #tpu.memory_space<semaphore_mem>>
        %dma_start3A_56 = arith.constant 9360 : i32
        %dma_start3A_57 = arith.constant 0 : i32
        %dma_start3A_58 = tpu.memref_slice %arg5[%arg0, %dma_start3A_56, %dma_start3A_57] : memref<2x10000x128xf32, #tpu.memory_space<hbm>> -> memref<1x640x128xf32, #tpu.memory_space<hbm>>
        %dma_start3A_59 = tpu.memref_squeeze %dma_start3A_58 : memref<1x640x128xf32, #tpu.memory_space<hbm>> -> memref<640x128xf32, #tpu.memory_space<hbm>>
        %dma_start3A_60 = arith.constant 9360 : i32
        %dma_start3A_61 = arith.constant 0 : i32
        %dma_start3A_62 = tpu.memref_slice %arg9[%dma_start3A_60, %dma_start3A_61] : memref<10000x128xf32, #tpu.memory_space<vmem_shared>> -> memref<640x128xf32, #tpu.memory_space<vmem_shared>>
        tpu.enqueue_dma source(%dma_start3A_62 : memref<640x128xf32, #tpu.memory_space<vmem_shared>>) target(%dma_start3A_59 : memref<640x128xf32, #tpu.memory_space<hbm>>) target_semaphore(%run_scoped3A : memref<!tpu.dma_semaphore, #tpu.memory_space<semaphore_mem>>)
        %dma_wait3A_63 = arith.constant 9360 : i32
        %dma_wait3A_64 = arith.constant 0 : i32
        %dma_wait3A_65 = tpu.memref_slice %arg5[%arg0, %dma_wait3A_63, %dma_wait3A_64] : memref<2x10000x128xf32, #tpu.memory_space<hbm>> -> memref<1x640x128xf32, #tpu.memory_space<hbm>>
        %dma_wait3A_66 = tpu.memref_squeeze %dma_wait3A_65 : memref<1x640x128xf32, #tpu.memory_space<hbm>> -> memref<640x128xf32, #tpu.memory_space<hbm>>
        %dma_wait3A_67 = arith.constant 9360 : i32
        %dma_wait3A_68 = arith.constant 0 : i32
        %dma_wait3A_69 = tpu.memref_slice %arg9[%dma_wait3A_67, %dma_wait3A_68] : memref<10000x128xf32, #tpu.memory_space<vmem_shared>> -> memref<640x128xf32, #tpu.memory_space<vmem_shared>>
        tpu.wait_dma2 semaphore(%run_scoped3A : memref<!tpu.dma_semaphore, #tpu.memory_space<semaphore_mem>>) src(%dma_wait3A_69 : memref<640x128xf32, #tpu.memory_space<vmem_shared>>) dst(%dma_wait3A_66 : memref<640x128xf32, #tpu.memory_space<hbm>>)
        tpu.yield
      }) : () -> ()
    } else {
    }
    return
  }
}

#map = affine_map<(d0, d1) -> (0, 0)>
#map1 = affine_map<(d0, d1) -> (0)>
module attributes {stable_mosaic.version = 14 : i64} {
  func.func @body(%arg0: i32, %arg1: i32, %arg2: memref<10000x128xf32, #tpu.memory_space<hbm>>, %arg3: memref<10000x128xf32, #tpu.memory_space<hbm>>, %arg4: memref<4096x80xi32, #tpu.memory_space<hbm>>, %arg5: memref<4096x80xi32, #tpu.memory_space<hbm>>, %arg6: memref<10000xf32, #tpu.memory_space<hbm>>, %arg7: memref<10000xf32, #tpu.memory_space<hbm>>, %arg8: memref<10000xf32, #tpu.memory_space<hbm>>, %arg9: memref<320000x128xf32, #tpu.memory_space<hbm>>, %arg10: memref<320000x128xf32, #tpu.memory_space<hbm>>, %arg11: memref<4096x80xf32, #tpu.memory_space<hbm>>, %arg12: memref<128x80xi32, #tpu.memory_space<vmem>>, %arg13: memref<128x80xi32, #tpu.memory_space<vmem>>, %arg14: memref<80x128xf32, #tpu.memory_space<vmem>>, %arg15: memref<80x128xf32, #tpu.memory_space<vmem>>, %arg16: memref<80x128xf32, #tpu.memory_space<vmem>>, %arg17: memref<80x128xf32, #tpu.memory_space<vmem>>, %arg18: memref<!tpu.dma_semaphore, #tpu.memory_space<semaphore_mem>>, %arg19: memref<!tpu.dma_semaphore, #tpu.memory_space<semaphore_mem>>, %arg20: memref<!tpu.dma_semaphore, #tpu.memory_space<semaphore_mem>>, %arg21: memref<!tpu.dma_semaphore, #tpu.memory_space<semaphore_mem>>, %arg22: memref<!tpu.dma_semaphore, #tpu.memory_space<semaphore_mem>>, %arg23: memref<!tpu.dma_semaphore, #tpu.memory_space<semaphore_mem>>, %arg24: memref<!tpu.dma_semaphore, #tpu.memory_space<semaphore_mem>>, %arg25: memref<!tpu.dma_semaphore, #tpu.memory_space<semaphore_mem>>, %arg26: memref<10000xf32, #tpu.memory_space<vmem>>, %arg27: memref<10000xf32, #tpu.memory_space<vmem>>, %arg28: memref<10000xf32, #tpu.memory_space<vmem>>, %arg29: memref<128x80xf32, #tpu.memory_space<vmem>>) attributes {dimension_semantics = [#tpu.dimension_semantics<core_parallel>, #tpu.dimension_semantics<subcore_parallel>], iteration_bounds = array<i64: 2, 16>, scalar_prefetch = 0 : i64, scratch_operands = 18 : i64, tpu.core_type = #tpu.core_type<sc_vector_subcore>, window_params = [{transform_indices = #map}, {transform_indices = #map}, {transform_indices = #map}, {transform_indices = #map}, {transform_indices = #map1}, {transform_indices = #map1}, {transform_indices = #map1}, {transform_indices = #map}, {transform_indices = #map}, {transform_indices = #map}]} {
    %mul3A = arith.constant 16 : i32
    %mul3A_0 = arith.muli %arg0, %mul3A : i32
    %add3A = arith.addi %mul3A_0, %arg1 : i32
    %mul3A_1 = arith.constant 128 : i32
    %mul3A_2 = arith.muli %add3A, %mul3A_1 : i32
    %mul3A_3 = arith.constant 10000 : i32
    %mul3A_4 = arith.muli %add3A, %mul3A_3 : i32
    "tpu.region"() ({
      %run_scoped3A = tpu.sem_alloc : memref<!tpu.dma_semaphore, #tpu.memory_space<semaphore_mem>>
      %dma_start3A_193 = arith.constant 0 : i32
      %dma_start3A_194 = tpu.memref_slice %arg4[%mul3A_2, %dma_start3A_193] : memref<4096x80xi32, #tpu.memory_space<hbm>> -> memref<128x80xi32, #tpu.memory_space<hbm>>
      %dma_start3A_195 = arith.constant 0 : i32
      %dma_start3A_196 = tpu.memref_slice %arg4[%mul3A_2, %dma_start3A_195] : memref<4096x80xi32, #tpu.memory_space<hbm>> -> memref<128x80xi32, #tpu.memory_space<hbm>>
      tpu.enqueue_dma source(%dma_start3A_196 : memref<128x80xi32, #tpu.memory_space<hbm>>) target(%arg12 : memref<128x80xi32, #tpu.memory_space<vmem>>) target_semaphore(%run_scoped3A : memref<!tpu.dma_semaphore, #tpu.memory_space<semaphore_mem>>)
      %dma_wait3A_197 = arith.constant 0 : i32
      %dma_wait3A_198 = tpu.memref_slice %arg4[%mul3A_2, %dma_wait3A_197] : memref<4096x80xi32, #tpu.memory_space<hbm>> -> memref<128x80xi32, #tpu.memory_space<hbm>>
      %dma_wait3A_199 = arith.constant 0 : i32
      %dma_wait3A_200 = tpu.memref_slice %arg4[%mul3A_2, %dma_wait3A_199] : memref<4096x80xi32, #tpu.memory_space<hbm>> -> memref<128x80xi32, #tpu.memory_space<hbm>>
      tpu.wait_dma2 semaphore(%run_scoped3A : memref<!tpu.dma_semaphore, #tpu.memory_space<semaphore_mem>>) src(%dma_wait3A_200 : memref<128x80xi32, #tpu.memory_space<hbm>>) dst(%arg12 : memref<128x80xi32, #tpu.memory_space<vmem>>)
      tpu.yield
    }) : () -> ()
    "tpu.region"() ({
      %run_scoped3A = tpu.sem_alloc : memref<!tpu.dma_semaphore, #tpu.memory_space<semaphore_mem>>
      %dma_start3A_193 = arith.constant 0 : i32
      %dma_start3A_194 = tpu.memref_slice %arg5[%mul3A_2, %dma_start3A_193] : memref<4096x80xi32, #tpu.memory_space<hbm>> -> memref<128x80xi32, #tpu.memory_space<hbm>>
      %dma_start3A_195 = arith.constant 0 : i32
      %dma_start3A_196 = tpu.memref_slice %arg5[%mul3A_2, %dma_start3A_195] : memref<4096x80xi32, #tpu.memory_space<hbm>> -> memref<128x80xi32, #tpu.memory_space<hbm>>
      tpu.enqueue_dma source(%dma_start3A_196 : memref<128x80xi32, #tpu.memory_space<hbm>>) target(%arg13 : memref<128x80xi32, #tpu.memory_space<vmem>>) target_semaphore(%run_scoped3A : memref<!tpu.dma_semaphore, #tpu.memory_space<semaphore_mem>>)
      %dma_wait3A_197 = arith.constant 0 : i32
      %dma_wait3A_198 = tpu.memref_slice %arg5[%mul3A_2, %dma_wait3A_197] : memref<4096x80xi32, #tpu.memory_space<hbm>> -> memref<128x80xi32, #tpu.memory_space<hbm>>
      %dma_wait3A_199 = arith.constant 0 : i32
      %dma_wait3A_200 = tpu.memref_slice %arg5[%mul3A_2, %dma_wait3A_199] : memref<4096x80xi32, #tpu.memory_space<hbm>> -> memref<128x80xi32, #tpu.memory_space<hbm>>
      tpu.wait_dma2 semaphore(%run_scoped3A : memref<!tpu.dma_semaphore, #tpu.memory_space<semaphore_mem>>) src(%dma_wait3A_200 : memref<128x80xi32, #tpu.memory_space<hbm>>) dst(%arg13 : memref<128x80xi32, #tpu.memory_space<vmem>>)
      tpu.yield
    }) : () -> ()
    "tpu.region"() ({
      %run_scoped3A = tpu.sem_alloc : memref<!tpu.dma_semaphore, #tpu.memory_space<semaphore_mem>>
      tpu.enqueue_dma source(%arg6 : memref<10000xf32, #tpu.memory_space<hbm>>) target(%arg26 : memref<10000xf32, #tpu.memory_space<vmem>>) target_semaphore(%run_scoped3A : memref<!tpu.dma_semaphore, #tpu.memory_space<semaphore_mem>>)
      tpu.wait_dma2 semaphore(%run_scoped3A : memref<!tpu.dma_semaphore, #tpu.memory_space<semaphore_mem>>) src(%arg6 : memref<10000xf32, #tpu.memory_space<hbm>>) dst(%arg26 : memref<10000xf32, #tpu.memory_space<vmem>>)
      tpu.yield
    }) : () -> ()
    "tpu.region"() ({
      %run_scoped3A = tpu.sem_alloc : memref<!tpu.dma_semaphore, #tpu.memory_space<semaphore_mem>>
      tpu.enqueue_dma source(%arg7 : memref<10000xf32, #tpu.memory_space<hbm>>) target(%arg27 : memref<10000xf32, #tpu.memory_space<vmem>>) target_semaphore(%run_scoped3A : memref<!tpu.dma_semaphore, #tpu.memory_space<semaphore_mem>>)
      tpu.wait_dma2 semaphore(%run_scoped3A : memref<!tpu.dma_semaphore, #tpu.memory_space<semaphore_mem>>) src(%arg7 : memref<10000xf32, #tpu.memory_space<hbm>>) dst(%arg27 : memref<10000xf32, #tpu.memory_space<vmem>>)
      tpu.yield
    }) : () -> ()
    "tpu.region"() ({
      %run_scoped3A = tpu.sem_alloc : memref<!tpu.dma_semaphore, #tpu.memory_space<semaphore_mem>>
      tpu.enqueue_dma source(%arg8 : memref<10000xf32, #tpu.memory_space<hbm>>) target(%arg28 : memref<10000xf32, #tpu.memory_space<vmem>>) target_semaphore(%run_scoped3A : memref<!tpu.dma_semaphore, #tpu.memory_space<semaphore_mem>>)
      tpu.wait_dma2 semaphore(%run_scoped3A : memref<!tpu.dma_semaphore, #tpu.memory_space<semaphore_mem>>) src(%arg8 : memref<10000xf32, #tpu.memory_space<hbm>>) dst(%arg28 : memref<10000xf32, #tpu.memory_space<vmem>>)
      tpu.yield
    }) : () -> ()
    %dma_start3A = arith.constant 0 : i32
    %dma_start3A_5 = arith.constant 0 : i32
    %dma_start3A_6 = tpu.memref_slice %arg12[%dma_start3A, %dma_start3A_5] : memref<128x80xi32, #tpu.memory_space<vmem>> -> memref<1x80xi32, #tpu.memory_space<vmem>>
    %dma_start3A_7 = tpu.memref_squeeze %dma_start3A_6 : memref<1x80xi32, #tpu.memory_space<vmem>> -> memref<80xi32, #tpu.memory_space<vmem>>
    %dma_start3A_8 = arith.constant 0 : i32
    %dma_start3A_9 = arith.constant 0 : i32
    %dma_start3A_10 = tpu.memref_slice %arg2[%dma_start3A_8, %dma_start3A_9] : memref<10000x128xf32, #tpu.memory_space<hbm>> -> memref<10000x128xf32, #tpu.memory_space<hbm>>
    tpu.enqueue_indirect_dma source(%dma_start3A_10 : memref<10000x128xf32, #tpu.memory_space<hbm>>) target(%arg14 : memref<80x128xf32, #tpu.memory_space<vmem>>) offsets(%dma_start3A_7 : memref<80xi32, #tpu.memory_space<vmem>>) semaphore(%arg18 : memref<!tpu.dma_semaphore, #tpu.memory_space<semaphore_mem>>)
    %dma_start3A_11 = arith.constant 0 : i32
    %dma_start3A_12 = arith.constant 0 : i32
    %dma_start3A_13 = tpu.memref_slice %arg13[%dma_start3A_11, %dma_start3A_12] : memref<128x80xi32, #tpu.memory_space<vmem>> -> memref<1x80xi32, #tpu.memory_space<vmem>>
    %dma_start3A_14 = tpu.memref_squeeze %dma_start3A_13 : memref<1x80xi32, #tpu.memory_space<vmem>> -> memref<80xi32, #tpu.memory_space<vmem>>
    %dma_start3A_15 = arith.constant 0 : i32
    %dma_start3A_16 = arith.constant 0 : i32
    %dma_start3A_17 = tpu.memref_slice %arg3[%dma_start3A_15, %dma_start3A_16] : memref<10000x128xf32, #tpu.memory_space<hbm>> -> memref<10000x128xf32, #tpu.memory_space<hbm>>
    tpu.enqueue_indirect_dma source(%dma_start3A_17 : memref<10000x128xf32, #tpu.memory_space<hbm>>) target(%arg16 : memref<80x128xf32, #tpu.memory_space<vmem>>) offsets(%dma_start3A_14 : memref<80xi32, #tpu.memory_space<vmem>>) semaphore(%arg20 : memref<!tpu.dma_semaphore, #tpu.memory_space<semaphore_mem>>)
    %dma_start3A_18 = arith.constant 1 : i32
    %dma_start3A_19 = arith.constant 0 : i32
    %dma_start3A_20 = tpu.memref_slice %arg12[%dma_start3A_18, %dma_start3A_19] : memref<128x80xi32, #tpu.memory_space<vmem>> -> memref<1x80xi32, #tpu.memory_space<vmem>>
    %dma_start3A_21 = tpu.memref_squeeze %dma_start3A_20 : memref<1x80xi32, #tpu.memory_space<vmem>> -> memref<80xi32, #tpu.memory_space<vmem>>
    %dma_start3A_22 = arith.constant 0 : i32
    %dma_start3A_23 = arith.constant 0 : i32
    %dma_start3A_24 = tpu.memref_slice %arg2[%dma_start3A_22, %dma_start3A_23] : memref<10000x128xf32, #tpu.memory_space<hbm>> -> memref<10000x128xf32, #tpu.memory_space<hbm>>
    tpu.enqueue_indirect_dma source(%dma_start3A_24 : memref<10000x128xf32, #tpu.memory_space<hbm>>) target(%arg15 : memref<80x128xf32, #tpu.memory_space<vmem>>) offsets(%dma_start3A_21 : memref<80xi32, #tpu.memory_space<vmem>>) semaphore(%arg19 : memref<!tpu.dma_semaphore, #tpu.memory_space<semaphore_mem>>)
    %dma_start3A_25 = arith.constant 1 : i32
    %dma_start3A_26 = arith.constant 0 : i32
    %dma_start3A_27 = tpu.memref_slice %arg13[%dma_start3A_25, %dma_start3A_26] : memref<128x80xi32, #tpu.memory_space<vmem>> -> memref<1x80xi32, #tpu.memory_space<vmem>>
    %dma_start3A_28 = tpu.memref_squeeze %dma_start3A_27 : memref<1x80xi32, #tpu.memory_space<vmem>> -> memref<80xi32, #tpu.memory_space<vmem>>
    %dma_start3A_29 = arith.constant 0 : i32
    %dma_start3A_30 = arith.constant 0 : i32
    %dma_start3A_31 = tpu.memref_slice %arg3[%dma_start3A_29, %dma_start3A_30] : memref<10000x128xf32, #tpu.memory_space<hbm>> -> memref<10000x128xf32, #tpu.memory_space<hbm>>
    tpu.enqueue_indirect_dma source(%dma_start3A_31 : memref<10000x128xf32, #tpu.memory_space<hbm>>) target(%arg17 : memref<80x128xf32, #tpu.memory_space<vmem>>) offsets(%dma_start3A_28 : memref<80xi32, #tpu.memory_space<vmem>>) semaphore(%arg21 : memref<!tpu.dma_semaphore, #tpu.memory_space<semaphore_mem>>)
    %scan3A = arith.constant 0 : i32
    %scan3A_32 = arith.constant 62 : i32
    %scan3A_33 = arith.addi %scan3A, %scan3A_32 : i32
    %scan3A_34 = arith.constant 1 : i32
    scf.for %scan3A_193 = %scan3A to %scan3A_33 step %scan3A_34  : i32 {
      %mul3A_194 = arith.constant 1 : i32
      %mul3A_195 = arith.muli %scan3A_193, %mul3A_194 : i32
      %add3A_196 = arith.constant 0 : i32
      %add3A_197 = arith.addi %add3A_196, %mul3A_195 : i32
      %mul3A_198 = arith.constant 2 : i32
      %mul3A_199 = arith.muli %mul3A_198, %add3A_197 : i32
      %get3A_200 = arith.index_cast %mul3A_199 : i32 to index
      %get3A_201 = arith.constant 0 : index
      %get3A_202 = tpu.vector_load %arg12[%get3A_200, %get3A_201] {strides = array<i32>} : memref<128x80xi32, #tpu.memory_space<vmem>>, vector<16xi32>,
      %get3A_203 = arith.index_cast %mul3A_199 : i32 to index
      %get3A_204 = arith.constant 0 : index
      %get3A_205 = tpu.vector_load %arg13[%get3A_203, %get3A_204] {strides = array<i32>} : memref<128x80xi32, #tpu.memory_space<vmem>>, vector<16xi32>,
      %gather3A_206 = tpu.vector_load_idx %arg26[%get3A_202] : memref<10000xf32, #tpu.memory_space<vmem>>[vector<16xi32>], vector<16xf32>,
      %gather3A_207 = tpu.vector_load_idx %arg26[%get3A_205] : memref<10000xf32, #tpu.memory_space<vmem>>[vector<16xi32>], vector<16xf32>,
      %sub3A_208 = arith.subf %gather3A_206, %gather3A_207 : vector<16xf32>
      %gather3A_209 = tpu.vector_load_idx %arg27[%get3A_202] : memref<10000xf32, #tpu.memory_space<vmem>>[vector<16xi32>], vector<16xf32>,
      %gather3A_210 = tpu.vector_load_idx %arg27[%get3A_205] : memref<10000xf32, #tpu.memory_space<vmem>>[vector<16xi32>], vector<16xf32>,
      %sub3A_211 = arith.subf %gather3A_209, %gather3A_210 : vector<16xf32>
      %gather3A_212 = tpu.vector_load_idx %arg28[%get3A_202] : memref<10000xf32, #tpu.memory_space<vmem>>[vector<16xi32>], vector<16xf32>,
      %gather3A_213 = tpu.vector_load_idx %arg28[%get3A_205] : memref<10000xf32, #tpu.memory_space<vmem>>[vector<16xi32>], vector<16xf32>,
      %sub3A_214 = arith.subf %gather3A_212, %gather3A_213 : vector<16xf32>
      %mul3A_215 = arith.mulf %sub3A_208, %sub3A_208 : vector<16xf32>
      %mul3A_216 = arith.mulf %sub3A_211, %sub3A_211 : vector<16xf32>
      %add3A_217 = arith.addf %mul3A_215, %mul3A_216 : vector<16xf32>
      %mul3A_218 = arith.mulf %sub3A_214, %sub3A_214 : vector<16xf32>
      %add3A_219 = arith.addf %add3A_217, %mul3A_218 : vector<16xf32>
      %swap3A_220 = arith.index_cast %mul3A_199 : i32 to index
      %swap3A_221 = arith.constant 0 : index
      %swap3A_222 = tpu.vector_load %arg29[%swap3A_220, %swap3A_221] {strides = array<i32>} : memref<128x80xf32, #tpu.memory_space<vmem>>, vector<16xf32>,
      tpu.vector_store %arg29[%swap3A_220, %swap3A_221], %add3A_219 {strides = array<i32>} : memref<128x80xf32, #tpu.memory_space<vmem>>, vector<16xf32>,
      %get3A_223 = arith.index_cast %mul3A_199 : i32 to index
      %get3A_224 = arith.constant 16 : index
      %get3A_225 = tpu.vector_load %arg12[%get3A_223, %get3A_224] {strides = array<i32>} : memref<128x80xi32, #tpu.memory_space<vmem>>, vector<16xi32>,
      %get3A_226 = arith.index_cast %mul3A_199 : i32 to index
      %get3A_227 = arith.constant 16 : index
      %get3A_228 = tpu.vector_load %arg13[%get3A_226, %get3A_227] {strides = array<i32>} : memref<128x80xi32, #tpu.memory_space<vmem>>, vector<16xi32>,
      %gather3A_229 = tpu.vector_load_idx %arg26[%get3A_225] : memref<10000xf32, #tpu.memory_space<vmem>>[vector<16xi32>], vector<16xf32>,
      %gather3A_230 = tpu.vector_load_idx %arg26[%get3A_228] : memref<10000xf32, #tpu.memory_space<vmem>>[vector<16xi32>], vector<16xf32>,
      %sub3A_231 = arith.subf %gather3A_229, %gather3A_230 : vector<16xf32>
      %gather3A_232 = tpu.vector_load_idx %arg27[%get3A_225] : memref<10000xf32, #tpu.memory_space<vmem>>[vector<16xi32>], vector<16xf32>,
      %gather3A_233 = tpu.vector_load_idx %arg27[%get3A_228] : memref<10000xf32, #tpu.memory_space<vmem>>[vector<16xi32>], vector<16xf32>,
      %sub3A_234 = arith.subf %gather3A_232, %gather3A_233 : vector<16xf32>
      %gather3A_235 = tpu.vector_load_idx %arg28[%get3A_225] : memref<10000xf32, #tpu.memory_space<vmem>>[vector<16xi32>], vector<16xf32>,
      %gather3A_236 = tpu.vector_load_idx %arg28[%get3A_228] : memref<10000xf32, #tpu.memory_space<vmem>>[vector<16xi32>], vector<16xf32>,
      %sub3A_237 = arith.subf %gather3A_235, %gather3A_236 : vector<16xf32>
      %mul3A_238 = arith.mulf %sub3A_231, %sub3A_231 : vector<16xf32>
      %mul3A_239 = arith.mulf %sub3A_234, %sub3A_234 : vector<16xf32>
      %add3A_240 = arith.addf %mul3A_238, %mul3A_239 : vector<16xf32>
      %mul3A_241 = arith.mulf %sub3A_237, %sub3A_237 : vector<16xf32>
      %add3A_242 = arith.addf %add3A_240, %mul3A_241 : vector<16xf32>
      %swap3A_243 = arith.index_cast %mul3A_199 : i32 to index
      %swap3A_244 = arith.constant 16 : index
      %swap3A_245 = tpu.vector_load %arg29[%swap3A_243, %swap3A_244] {strides = array<i32>} : memref<128x80xf32, #tpu.memory_space<vmem>>, vector<16xf32>,
      tpu.vector_store %arg29[%swap3A_243, %swap3A_244], %add3A_242 {strides = array<i32>} : memref<128x80xf32, #tpu.memory_space<vmem>>, vector<16xf32>,
      %get3A_246 = arith.index_cast %mul3A_199 : i32 to index
      %get3A_247 = arith.constant 32 : index
      %get3A_248 = tpu.vector_load %arg12[%get3A_246, %get3A_247] {strides = array<i32>} : memref<128x80xi32, #tpu.memory_space<vmem>>, vector<16xi32>,
      %get3A_249 = arith.index_cast %mul3A_199 : i32 to index
      %get3A_250 = arith.constant 32 : index
      %get3A_251 = tpu.vector_load %arg13[%get3A_249, %get3A_250] {strides = array<i32>} : memref<128x80xi32, #tpu.memory_space<vmem>>, vector<16xi32>,
      %gather3A_252 = tpu.vector_load_idx %arg26[%get3A_248] : memref<10000xf32, #tpu.memory_space<vmem>>[vector<16xi32>], vector<16xf32>,
      %gather3A_253 = tpu.vector_load_idx %arg26[%get3A_251] : memref<10000xf32, #tpu.memory_space<vmem>>[vector<16xi32>], vector<16xf32>,
      %sub3A_254 = arith.subf %gather3A_252, %gather3A_253 : vector<16xf32>
      %gather3A_255 = tpu.vector_load_idx %arg27[%get3A_248] : memref<10000xf32, #tpu.memory_space<vmem>>[vector<16xi32>], vector<16xf32>,
      %gather3A_256 = tpu.vector_load_idx %arg27[%get3A_251] : memref<10000xf32, #tpu.memory_space<vmem>>[vector<16xi32>], vector<16xf32>,
      %sub3A_257 = arith.subf %gather3A_255, %gather3A_256 : vector<16xf32>
      %gather3A_258 = tpu.vector_load_idx %arg28[%get3A_248] : memref<10000xf32, #tpu.memory_space<vmem>>[vector<16xi32>], vector<16xf32>,
      %gather3A_259 = tpu.vector_load_idx %arg28[%get3A_251] : memref<10000xf32, #tpu.memory_space<vmem>>[vector<16xi32>], vector<16xf32>,
      %sub3A_260 = arith.subf %gather3A_258, %gather3A_259 : vector<16xf32>
      %mul3A_261 = arith.mulf %sub3A_254, %sub3A_254 : vector<16xf32>
      %mul3A_262 = arith.mulf %sub3A_257, %sub3A_257 : vector<16xf32>
      %add3A_263 = arith.addf %mul3A_261, %mul3A_262 : vector<16xf32>
      %mul3A_264 = arith.mulf %sub3A_260, %sub3A_260 : vector<16xf32>
      %add3A_265 = arith.addf %add3A_263, %mul3A_264 : vector<16xf32>
      %swap3A_266 = arith.index_cast %mul3A_199 : i32 to index
      %swap3A_267 = arith.constant 32 : index
      %swap3A_268 = tpu.vector_load %arg29[%swap3A_266, %swap3A_267] {strides = array<i32>} : memref<128x80xf32, #tpu.memory_space<vmem>>, vector<16xf32>,
      tpu.vector_store %arg29[%swap3A_266, %swap3A_267], %add3A_265 {strides = array<i32>} : memref<128x80xf32, #tpu.memory_space<vmem>>, vector<16xf32>,
      %get3A_269 = arith.index_cast %mul3A_199 : i32 to index
      %get3A_270 = arith.constant 48 : index
      %get3A_271 = tpu.vector_load %arg12[%get3A_269, %get3A_270] {strides = array<i32>} : memref<128x80xi32, #tpu.memory_space<vmem>>, vector<16xi32>,
      %get3A_272 = arith.index_cast %mul3A_199 : i32 to index
      %get3A_273 = arith.constant 48 : index
      %get3A_274 = tpu.vector_load %arg13[%get3A_272, %get3A_273] {strides = array<i32>} : memref<128x80xi32, #tpu.memory_space<vmem>>, vector<16xi32>,
      %gather3A_275 = tpu.vector_load_idx %arg26[%get3A_271] : memref<10000xf32, #tpu.memory_space<vmem>>[vector<16xi32>], vector<16xf32>,
      %gather3A_276 = tpu.vector_load_idx %arg26[%get3A_274] : memref<10000xf32, #tpu.memory_space<vmem>>[vector<16xi32>], vector<16xf32>,
      %sub3A_277 = arith.subf %gather3A_275, %gather3A_276 : vector<16xf32>
      %gather3A_278 = tpu.vector_load_idx %arg27[%get3A_271] : memref<10000xf32, #tpu.memory_space<vmem>>[vector<16xi32>], vector<16xf32>,
      %gather3A_279 = tpu.vector_load_idx %arg27[%get3A_274] : memref<10000xf32, #tpu.memory_space<vmem>>[vector<16xi32>], vector<16xf32>,
      %sub3A_280 = arith.subf %gather3A_278, %gather3A_279 : vector<16xf32>
      %gather3A_281 = tpu.vector_load_idx %arg28[%get3A_271] : memref<10000xf32, #tpu.memory_space<vmem>>[vector<16xi32>], vector<16xf32>,
      %gather3A_282 = tpu.vector_load_idx %arg28[%get3A_274] : memref<10000xf32, #tpu.memory_space<vmem>>[vector<16xi32>], vector<16xf32>,
      %sub3A_283 = arith.subf %gather3A_281, %gather3A_282 : vector<16xf32>
      %mul3A_284 = arith.mulf %sub3A_277, %sub3A_277 : vector<16xf32>
      %mul3A_285 = arith.mulf %sub3A_280, %sub3A_280 : vector<16xf32>
      %add3A_286 = arith.addf %mul3A_284, %mul3A_285 : vector<16xf32>
      %mul3A_287 = arith.mulf %sub3A_283, %sub3A_283 : vector<16xf32>
      %add3A_288 = arith.addf %add3A_286, %mul3A_287 : vector<16xf32>
      %swap3A_289 = arith.index_cast %mul3A_199 : i32 to index
      %swap3A_290 = arith.constant 48 : index
      %swap3A_291 = tpu.vector_load %arg29[%swap3A_289, %swap3A_290] {strides = array<i32>} : memref<128x80xf32, #tpu.memory_space<vmem>>, vector<16xf32>,
      tpu.vector_store %arg29[%swap3A_289, %swap3A_290], %add3A_288 {strides = array<i32>} : memref<128x80xf32, #tpu.memory_space<vmem>>, vector<16xf32>,
      %get3A_292 = arith.index_cast %mul3A_199 : i32 to index
      %get3A_293 = arith.constant 64 : index
      %get3A_294 = tpu.vector_load %arg12[%get3A_292, %get3A_293] {strides = array<i32>} : memref<128x80xi32, #tpu.memory_space<vmem>>, vector<16xi32>,
      %get3A_295 = arith.index_cast %mul3A_199 : i32 to index
      %get3A_296 = arith.constant 64 : index
      %get3A_297 = tpu.vector_load %arg13[%get3A_295, %get3A_296] {strides = array<i32>} : memref<128x80xi32, #tpu.memory_space<vmem>>, vector<16xi32>,
      %gather3A_298 = tpu.vector_load_idx %arg26[%get3A_294] : memref<10000xf32, #tpu.memory_space<vmem>>[vector<16xi32>], vector<16xf32>,
      %gather3A_299 = tpu.vector_load_idx %arg26[%get3A_297] : memref<10000xf32, #tpu.memory_space<vmem>>[vector<16xi32>], vector<16xf32>,
      %sub3A_300 = arith.subf %gather3A_298, %gather3A_299 : vector<16xf32>
      %gather3A_301 = tpu.vector_load_idx %arg27[%get3A_294] : memref<10000xf32, #tpu.memory_space<vmem>>[vector<16xi32>], vector<16xf32>,
      %gather3A_302 = tpu.vector_load_idx %arg27[%get3A_297] : memref<10000xf32, #tpu.memory_space<vmem>>[vector<16xi32>], vector<16xf32>,
      %sub3A_303 = arith.subf %gather3A_301, %gather3A_302 : vector<16xf32>
      %gather3A_304 = tpu.vector_load_idx %arg28[%get3A_294] : memref<10000xf32, #tpu.memory_space<vmem>>[vector<16xi32>], vector<16xf32>,
      %gather3A_305 = tpu.vector_load_idx %arg28[%get3A_297] : memref<10000xf32, #tpu.memory_space<vmem>>[vector<16xi32>], vector<16xf32>,
      %sub3A_306 = arith.subf %gather3A_304, %gather3A_305 : vector<16xf32>
      %mul3A_307 = arith.mulf %sub3A_300, %sub3A_300 : vector<16xf32>
      %mul3A_308 = arith.mulf %sub3A_303, %sub3A_303 : vector<16xf32>
      %add3A_309 = arith.addf %mul3A_307, %mul3A_308 : vector<16xf32>
      %mul3A_310 = arith.mulf %sub3A_306, %sub3A_306 : vector<16xf32>
      %add3A_311 = arith.addf %add3A_309, %mul3A_310 : vector<16xf32>
      %swap3A_312 = arith.index_cast %mul3A_199 : i32 to index
      %swap3A_313 = arith.constant 64 : index
      %swap3A_314 = tpu.vector_load %arg29[%swap3A_312, %swap3A_313] {strides = array<i32>} : memref<128x80xf32, #tpu.memory_space<vmem>>, vector<16xf32>,
      tpu.vector_store %arg29[%swap3A_312, %swap3A_313], %add3A_311 {strides = array<i32>} : memref<128x80xf32, #tpu.memory_space<vmem>>, vector<16xf32>,
      %dma_wait3A_315 = arith.constant 0 : i32
      %dma_wait3A_316 = tpu.memref_slice %arg12[%mul3A_199, %dma_wait3A_315] : memref<128x80xi32, #tpu.memory_space<vmem>> -> memref<1x80xi32, #tpu.memory_space<vmem>>
      %dma_wait3A_317 = tpu.memref_squeeze %dma_wait3A_316 : memref<1x80xi32, #tpu.memory_space<vmem>> -> memref<80xi32, #tpu.memory_space<vmem>>
      %dma_wait3A_318 = arith.constant 0 : i32
      %dma_wait3A_319 = arith.constant 0 : i32
      %dma_wait3A_320 = tpu.memref_slice %arg2[%dma_wait3A_318, %dma_wait3A_319] : memref<10000x128xf32, #tpu.memory_space<hbm>> -> memref<10000x128xf32, #tpu.memory_space<hbm>>
      tpu.wait_indirect_dma semaphore(%arg18 : memref<!tpu.dma_semaphore, #tpu.memory_space<semaphore_mem>>) src(%dma_wait3A_320 : memref<10000x128xf32, #tpu.memory_space<hbm>>) dst(%arg14 : memref<80x128xf32, #tpu.memory_space<vmem>>)
      %dma_wait3A_321 = arith.constant 0 : i32
      %dma_wait3A_322 = tpu.memref_slice %arg13[%mul3A_199, %dma_wait3A_321] : memref<128x80xi32, #tpu.memory_space<vmem>> -> memref<1x80xi32, #tpu.memory_space<vmem>>
      %dma_wait3A_323 = tpu.memref_squeeze %dma_wait3A_322 : memref<1x80xi32, #tpu.memory_space<vmem>> -> memref<80xi32, #tpu.memory_space<vmem>>
      %dma_wait3A_324 = arith.constant 0 : i32
      %dma_wait3A_325 = arith.constant 0 : i32
      %dma_wait3A_326 = tpu.memref_slice %arg3[%dma_wait3A_324, %dma_wait3A_325] : memref<10000x128xf32, #tpu.memory_space<hbm>> -> memref<10000x128xf32, #tpu.memory_space<hbm>>
      tpu.wait_indirect_dma semaphore(%arg20 : memref<!tpu.dma_semaphore, #tpu.memory_space<semaphore_mem>>) src(%dma_wait3A_326 : memref<10000x128xf32, #tpu.memory_space<hbm>>) dst(%arg16 : memref<80x128xf32, #tpu.memory_space<vmem>>)
      %mul3A_327 = arith.constant 80 : i32
      %mul3A_328 = arith.muli %mul3A_199, %mul3A_327 : i32
      %add3A_329 = arith.addi %mul3A_4, %mul3A_328 : i32
      %dma_start3A_330 = arith.constant 0 : i32
      %dma_start3A_331 = tpu.memref_slice %arg9[%add3A_329, %dma_start3A_330] : memref<320000x128xf32, #tpu.memory_space<hbm>> -> memref<80x128xf32, #tpu.memory_space<hbm>>
      %dma_start3A_332 = arith.constant 0 : i32
      %dma_start3A_333 = tpu.memref_slice %arg9[%add3A_329, %dma_start3A_332] : memref<320000x128xf32, #tpu.memory_space<hbm>> -> memref<80x128xf32, #tpu.memory_space<hbm>>
      tpu.enqueue_dma source(%arg14 : memref<80x128xf32, #tpu.memory_space<vmem>>) target(%dma_start3A_333 : memref<80x128xf32, #tpu.memory_space<hbm>>) target_semaphore(%arg22 : memref<!tpu.dma_semaphore, #tpu.memory_space<semaphore_mem>>)
      %dma_start3A_334 = arith.constant 0 : i32
      %dma_start3A_335 = tpu.memref_slice %arg10[%add3A_329, %dma_start3A_334] : memref<320000x128xf32, #tpu.memory_space<hbm>> -> memref<80x128xf32, #tpu.memory_space<hbm>>
      %dma_start3A_336 = arith.constant 0 : i32
      %dma_start3A_337 = tpu.memref_slice %arg10[%add3A_329, %dma_start3A_336] : memref<320000x128xf32, #tpu.memory_space<hbm>> -> memref<80x128xf32, #tpu.memory_space<hbm>>
      tpu.enqueue_dma source(%arg16 : memref<80x128xf32, #tpu.memory_space<vmem>>) target(%dma_start3A_337 : memref<80x128xf32, #tpu.memory_space<hbm>>) target_semaphore(%arg24 : memref<!tpu.dma_semaphore, #tpu.memory_space<semaphore_mem>>)
      %dma_wait3A_338 = arith.constant 0 : i32
      %dma_wait3A_339 = tpu.memref_slice %arg9[%add3A_329, %dma_wait3A_338] : memref<320000x128xf32, #tpu.memory_space<hbm>> -> memref<80x128xf32, #tpu.memory_space<hbm>>
      %dma_wait3A_340 = arith.constant 0 : i32
      %dma_wait3A_341 = tpu.memref_slice %arg9[%add3A_329, %dma_wait3A_340] : memref<320000x128xf32, #tpu.memory_space<hbm>> -> memref<80x128xf32, #tpu.memory_space<hbm>>
      tpu.wait_dma2 semaphore(%arg22 : memref<!tpu.dma_semaphore, #tpu.memory_space<semaphore_mem>>) src(%arg14 : memref<80x128xf32, #tpu.memory_space<vmem>>) dst(%dma_wait3A_341 : memref<80x128xf32, #tpu.memory_space<hbm>>)
      %dma_wait3A_342 = arith.constant 0 : i32
      %dma_wait3A_343 = tpu.memref_slice %arg10[%add3A_329, %dma_wait3A_342] : memref<320000x128xf32, #tpu.memory_space<hbm>> -> memref<80x128xf32, #tpu.memory_space<hbm>>
      %dma_wait3A_344 = arith.constant 0 : i32
      %dma_wait3A_345 = tpu.memref_slice %arg10[%add3A_329, %dma_wait3A_344] : memref<320000x128xf32, #tpu.memory_space<hbm>> -> memref<80x128xf32, #tpu.memory_space<hbm>>
      tpu.wait_dma2 semaphore(%arg24 : memref<!tpu.dma_semaphore, #tpu.memory_space<semaphore_mem>>) src(%arg16 : memref<80x128xf32, #tpu.memory_space<vmem>>) dst(%dma_wait3A_345 : memref<80x128xf32, #tpu.memory_space<hbm>>)
      %add3A_346 = arith.constant 2 : i32
      %add3A_347 = arith.addi %mul3A_199, %add3A_346 : i32
      %lt3A = arith.constant 125 : i32
      %lt3A_348 = arith.cmpi slt, %add3A_347, %lt3A : i32
      %convert_element_type3A = arith.extui %lt3A_348 : i1 to i32
      %cond3A = arith.constant 0 : i32
      %cond3A_349 = arith.cmpi ne, %convert_element_type3A, %cond3A : i32
      scf.if %cond3A_349 {
        %add3A_507 = arith.constant 2 : i32
        %add3A_508 = arith.addi %mul3A_199, %add3A_507 : i32
        %dma_start3A_509 = arith.constant 0 : i32
        %dma_start3A_510 = tpu.memref_slice %arg12[%add3A_508, %dma_start3A_509] : memref<128x80xi32, #tpu.memory_space<vmem>> -> memref<1x80xi32, #tpu.memory_space<vmem>>
        %dma_start3A_511 = tpu.memref_squeeze %dma_start3A_510 : memref<1x80xi32, #tpu.memory_space<vmem>> -> memref<80xi32, #tpu.memory_space<vmem>>
        %dma_start3A_512 = arith.constant 0 : i32
        %dma_start3A_513 = arith.constant 0 : i32
        %dma_start3A_514 = tpu.memref_slice %arg2[%dma_start3A_512, %dma_start3A_513] : memref<10000x128xf32, #tpu.memory_space<hbm>> -> memref<10000x128xf32, #tpu.memory_space<hbm>>
        tpu.enqueue_indirect_dma source(%dma_start3A_514 : memref<10000x128xf32, #tpu.memory_space<hbm>>) target(%arg14 : memref<80x128xf32, #tpu.memory_space<vmem>>) offsets(%dma_start3A_511 : memref<80xi32, #tpu.memory_space<vmem>>) semaphore(%arg18 : memref<!tpu.dma_semaphore, #tpu.memory_space<semaphore_mem>>)
        %dma_start3A_515 = arith.constant 0 : i32
        %dma_start3A_516 = tpu.memref_slice %arg13[%add3A_508, %dma_start3A_515] : memref<128x80xi32, #tpu.memory_space<vmem>> -> memref<1x80xi32, #tpu.memory_space<vmem>>
        %dma_start3A_517 = tpu.memref_squeeze %dma_start3A_516 : memref<1x80xi32, #tpu.memory_space<vmem>> -> memref<80xi32, #tpu.memory_space<vmem>>
        %dma_start3A_518 = arith.constant 0 : i32
        %dma_start3A_519 = arith.constant 0 : i32
        %dma_start3A_520 = tpu.memref_slice %arg3[%dma_start3A_518, %dma_start3A_519] : memref<10000x128xf32, #tpu.memory_space<hbm>> -> memref<10000x128xf32, #tpu.memory_space<hbm>>
        tpu.enqueue_indirect_dma source(%dma_start3A_520 : memref<10000x128xf32, #tpu.memory_space<hbm>>) target(%arg16 : memref<80x128xf32, #tpu.memory_space<vmem>>) offsets(%dma_start3A_517 : memref<80xi32, #tpu.memory_space<vmem>>) semaphore(%arg20 : memref<!tpu.dma_semaphore, #tpu.memory_space<semaphore_mem>>)
      } else {
      }
      %mul3A_350 = arith.constant 2 : i32
      %mul3A_351 = arith.muli %mul3A_350, %add3A_197 : i32
      %add3A_352 = arith.constant 1 : i32
      %add3A_353 = arith.addi %mul3A_351, %add3A_352 : i32
      %get3A_354 = arith.index_cast %add3A_353 : i32 to index
      %get3A_355 = arith.constant 0 : index
      %get3A_356 = tpu.vector_load %arg12[%get3A_354, %get3A_355] {strides = array<i32>} : memref<128x80xi32, #tpu.memory_space<vmem>>, vector<16xi32>,
      %get3A_357 = arith.index_cast %add3A_353 : i32 to index
      %get3A_358 = arith.constant 0 : index
      %get3A_359 = tpu.vector_load %arg13[%get3A_357, %get3A_358] {strides = array<i32>} : memref<128x80xi32, #tpu.memory_space<vmem>>, vector<16xi32>,
      %gather3A_360 = tpu.vector_load_idx %arg26[%get3A_356] : memref<10000xf32, #tpu.memory_space<vmem>>[vector<16xi32>], vector<16xf32>,
      %gather3A_361 = tpu.vector_load_idx %arg26[%get3A_359] : memref<10000xf32, #tpu.memory_space<vmem>>[vector<16xi32>], vector<16xf32>,
      %sub3A_362 = arith.subf %gather3A_360, %gather3A_361 : vector<16xf32>
      %gather3A_363 = tpu.vector_load_idx %arg27[%get3A_356] : memref<10000xf32, #tpu.memory_space<vmem>>[vector<16xi32>], vector<16xf32>,
      %gather3A_364 = tpu.vector_load_idx %arg27[%get3A_359] : memref<10000xf32, #tpu.memory_space<vmem>>[vector<16xi32>], vector<16xf32>,
      %sub3A_365 = arith.subf %gather3A_363, %gather3A_364 : vector<16xf32>
      %gather3A_366 = tpu.vector_load_idx %arg28[%get3A_356] : memref<10000xf32, #tpu.memory_space<vmem>>[vector<16xi32>], vector<16xf32>,
      %gather3A_367 = tpu.vector_load_idx %arg28[%get3A_359] : memref<10000xf32, #tpu.memory_space<vmem>>[vector<16xi32>], vector<16xf32>,
      %sub3A_368 = arith.subf %gather3A_366, %gather3A_367 : vector<16xf32>
      %mul3A_369 = arith.mulf %sub3A_362, %sub3A_362 : vector<16xf32>
      %mul3A_370 = arith.mulf %sub3A_365, %sub3A_365 : vector<16xf32>
      %add3A_371 = arith.addf %mul3A_369, %mul3A_370 : vector<16xf32>
      %mul3A_372 = arith.mulf %sub3A_368, %sub3A_368 : vector<16xf32>
      %add3A_373 = arith.addf %add3A_371, %mul3A_372 : vector<16xf32>
      %swap3A_374 = arith.index_cast %add3A_353 : i32 to index
      %swap3A_375 = arith.constant 0 : index
      %swap3A_376 = tpu.vector_load %arg29[%swap3A_374, %swap3A_375] {strides = array<i32>} : memref<128x80xf32, #tpu.memory_space<vmem>>, vector<16xf32>,
      tpu.vector_store %arg29[%swap3A_374, %swap3A_375], %add3A_373 {strides = array<i32>} : memref<128x80xf32, #tpu.memory_space<vmem>>, vector<16xf32>,
      %get3A_377 = arith.index_cast %add3A_353 : i32 to index
      %get3A_378 = arith.constant 16 : index
      %get3A_379 = tpu.vector_load %arg12[%get3A_377, %get3A_378] {strides = array<i32>} : memref<128x80xi32, #tpu.memory_space<vmem>>, vector<16xi32>,
      %get3A_380 = arith.index_cast %add3A_353 : i32 to index
      %get3A_381 = arith.constant 16 : index
      %get3A_382 = tpu.vector_load %arg13[%get3A_380, %get3A_381] {strides = array<i32>} : memref<128x80xi32, #tpu.memory_space<vmem>>, vector<16xi32>,
      %gather3A_383 = tpu.vector_load_idx %arg26[%get3A_379] : memref<10000xf32, #tpu.memory_space<vmem>>[vector<16xi32>], vector<16xf32>,
      %gather3A_384 = tpu.vector_load_idx %arg26[%get3A_382] : memref<10000xf32, #tpu.memory_space<vmem>>[vector<16xi32>], vector<16xf32>,
      %sub3A_385 = arith.subf %gather3A_383, %gather3A_384 : vector<16xf32>
      %gather3A_386 = tpu.vector_load_idx %arg27[%get3A_379] : memref<10000xf32, #tpu.memory_space<vmem>>[vector<16xi32>], vector<16xf32>,
      %gather3A_387 = tpu.vector_load_idx %arg27[%get3A_382] : memref<10000xf32, #tpu.memory_space<vmem>>[vector<16xi32>], vector<16xf32>,
      %sub3A_388 = arith.subf %gather3A_386, %gather3A_387 : vector<16xf32>
      %gather3A_389 = tpu.vector_load_idx %arg28[%get3A_379] : memref<10000xf32, #tpu.memory_space<vmem>>[vector<16xi32>], vector<16xf32>,
      %gather3A_390 = tpu.vector_load_idx %arg28[%get3A_382] : memref<10000xf32, #tpu.memory_space<vmem>>[vector<16xi32>], vector<16xf32>,
      %sub3A_391 = arith.subf %gather3A_389, %gather3A_390 : vector<16xf32>
      %mul3A_392 = arith.mulf %sub3A_385, %sub3A_385 : vector<16xf32>
      %mul3A_393 = arith.mulf %sub3A_388, %sub3A_388 : vector<16xf32>
      %add3A_394 = arith.addf %mul3A_392, %mul3A_393 : vector<16xf32>
      %mul3A_395 = arith.mulf %sub3A_391, %sub3A_391 : vector<16xf32>
      %add3A_396 = arith.addf %add3A_394, %mul3A_395 : vector<16xf32>
      %swap3A_397 = arith.index_cast %add3A_353 : i32 to index
      %swap3A_398 = arith.constant 16 : index
      %swap3A_399 = tpu.vector_load %arg29[%swap3A_397, %swap3A_398] {strides = array<i32>} : memref<128x80xf32, #tpu.memory_space<vmem>>, vector<16xf32>,
      tpu.vector_store %arg29[%swap3A_397, %swap3A_398], %add3A_396 {strides = array<i32>} : memref<128x80xf32, #tpu.memory_space<vmem>>, vector<16xf32>,
      %get3A_400 = arith.index_cast %add3A_353 : i32 to index
      %get3A_401 = arith.constant 32 : index
      %get3A_402 = tpu.vector_load %arg12[%get3A_400, %get3A_401] {strides = array<i32>} : memref<128x80xi32, #tpu.memory_space<vmem>>, vector<16xi32>,
      %get3A_403 = arith.index_cast %add3A_353 : i32 to index
      %get3A_404 = arith.constant 32 : index
      %get3A_405 = tpu.vector_load %arg13[%get3A_403, %get3A_404] {strides = array<i32>} : memref<128x80xi32, #tpu.memory_space<vmem>>, vector<16xi32>,
      %gather3A_406 = tpu.vector_load_idx %arg26[%get3A_402] : memref<10000xf32, #tpu.memory_space<vmem>>[vector<16xi32>], vector<16xf32>,
      %gather3A_407 = tpu.vector_load_idx %arg26[%get3A_405] : memref<10000xf32, #tpu.memory_space<vmem>>[vector<16xi32>], vector<16xf32>,
      %sub3A_408 = arith.subf %gather3A_406, %gather3A_407 : vector<16xf32>
      %gather3A_409 = tpu.vector_load_idx %arg27[%get3A_402] : memref<10000xf32, #tpu.memory_space<vmem>>[vector<16xi32>], vector<16xf32>,
      %gather3A_410 = tpu.vector_load_idx %arg27[%get3A_405] : memref<10000xf32, #tpu.memory_space<vmem>>[vector<16xi32>], vector<16xf32>,
      %sub3A_411 = arith.subf %gather3A_409, %gather3A_410 : vector<16xf32>
      %gather3A_412 = tpu.vector_load_idx %arg28[%get3A_402] : memref<10000xf32, #tpu.memory_space<vmem>>[vector<16xi32>], vector<16xf32>,
      %gather3A_413 = tpu.vector_load_idx %arg28[%get3A_405] : memref<10000xf32, #tpu.memory_space<vmem>>[vector<16xi32>], vector<16xf32>,
      %sub3A_414 = arith.subf %gather3A_412, %gather3A_413 : vector<16xf32>
      %mul3A_415 = arith.mulf %sub3A_408, %sub3A_408 : vector<16xf32>
      %mul3A_416 = arith.mulf %sub3A_411, %sub3A_411 : vector<16xf32>
      %add3A_417 = arith.addf %mul3A_415, %mul3A_416 : vector<16xf32>
      %mul3A_418 = arith.mulf %sub3A_414, %sub3A_414 : vector<16xf32>
      %add3A_419 = arith.addf %add3A_417, %mul3A_418 : vector<16xf32>
      %swap3A_420 = arith.index_cast %add3A_353 : i32 to index
      %swap3A_421 = arith.constant 32 : index
      %swap3A_422 = tpu.vector_load %arg29[%swap3A_420, %swap3A_421] {strides = array<i32>} : memref<128x80xf32, #tpu.memory_space<vmem>>, vector<16xf32>,
      tpu.vector_store %arg29[%swap3A_420, %swap3A_421], %add3A_419 {strides = array<i32>} : memref<128x80xf32, #tpu.memory_space<vmem>>, vector<16xf32>,
      %get3A_423 = arith.index_cast %add3A_353 : i32 to index
      %get3A_424 = arith.constant 48 : index
      %get3A_425 = tpu.vector_load %arg12[%get3A_423, %get3A_424] {strides = array<i32>} : memref<128x80xi32, #tpu.memory_space<vmem>>, vector<16xi32>,
      %get3A_426 = arith.index_cast %add3A_353 : i32 to index
      %get3A_427 = arith.constant 48 : index
      %get3A_428 = tpu.vector_load %arg13[%get3A_426, %get3A_427] {strides = array<i32>} : memref<128x80xi32, #tpu.memory_space<vmem>>, vector<16xi32>,
      %gather3A_429 = tpu.vector_load_idx %arg26[%get3A_425] : memref<10000xf32, #tpu.memory_space<vmem>>[vector<16xi32>], vector<16xf32>,
      %gather3A_430 = tpu.vector_load_idx %arg26[%get3A_428] : memref<10000xf32, #tpu.memory_space<vmem>>[vector<16xi32>], vector<16xf32>,
      %sub3A_431 = arith.subf %gather3A_429, %gather3A_430 : vector<16xf32>
      %gather3A_432 = tpu.vector_load_idx %arg27[%get3A_425] : memref<10000xf32, #tpu.memory_space<vmem>>[vector<16xi32>], vector<16xf32>,
      %gather3A_433 = tpu.vector_load_idx %arg27[%get3A_428] : memref<10000xf32, #tpu.memory_space<vmem>>[vector<16xi32>], vector<16xf32>,
      %sub3A_434 = arith.subf %gather3A_432, %gather3A_433 : vector<16xf32>
      %gather3A_435 = tpu.vector_load_idx %arg28[%get3A_425] : memref<10000xf32, #tpu.memory_space<vmem>>[vector<16xi32>], vector<16xf32>,
      %gather3A_436 = tpu.vector_load_idx %arg28[%get3A_428] : memref<10000xf32, #tpu.memory_space<vmem>>[vector<16xi32>], vector<16xf32>,
      %sub3A_437 = arith.subf %gather3A_435, %gather3A_436 : vector<16xf32>
      %mul3A_438 = arith.mulf %sub3A_431, %sub3A_431 : vector<16xf32>
      %mul3A_439 = arith.mulf %sub3A_434, %sub3A_434 : vector<16xf32>
      %add3A_440 = arith.addf %mul3A_438, %mul3A_439 : vector<16xf32>
      %mul3A_441 = arith.mulf %sub3A_437, %sub3A_437 : vector<16xf32>
      %add3A_442 = arith.addf %add3A_440, %mul3A_441 : vector<16xf32>
      %swap3A_443 = arith.index_cast %add3A_353 : i32 to index
      %swap3A_444 = arith.constant 48 : index
      %swap3A_445 = tpu.vector_load %arg29[%swap3A_443, %swap3A_444] {strides = array<i32>} : memref<128x80xf32, #tpu.memory_space<vmem>>, vector<16xf32>,
      tpu.vector_store %arg29[%swap3A_443, %swap3A_444], %add3A_442 {strides = array<i32>} : memref<128x80xf32, #tpu.memory_space<vmem>>, vector<16xf32>,
      %get3A_446 = arith.index_cast %add3A_353 : i32 to index
      %get3A_447 = arith.constant 64 : index
      %get3A_448 = tpu.vector_load %arg12[%get3A_446, %get3A_447] {strides = array<i32>} : memref<128x80xi32, #tpu.memory_space<vmem>>, vector<16xi32>,
      %get3A_449 = arith.index_cast %add3A_353 : i32 to index
      %get3A_450 = arith.constant 64 : index
      %get3A_451 = tpu.vector_load %arg13[%get3A_449, %get3A_450] {strides = array<i32>} : memref<128x80xi32, #tpu.memory_space<vmem>>, vector<16xi32>,
      %gather3A_452 = tpu.vector_load_idx %arg26[%get3A_448] : memref<10000xf32, #tpu.memory_space<vmem>>[vector<16xi32>], vector<16xf32>,
      %gather3A_453 = tpu.vector_load_idx %arg26[%get3A_451] : memref<10000xf32, #tpu.memory_space<vmem>>[vector<16xi32>], vector<16xf32>,
      %sub3A_454 = arith.subf %gather3A_452, %gather3A_453 : vector<16xf32>
      %gather3A_455 = tpu.vector_load_idx %arg27[%get3A_448] : memref<10000xf32, #tpu.memory_space<vmem>>[vector<16xi32>], vector<16xf32>,
      %gather3A_456 = tpu.vector_load_idx %arg27[%get3A_451] : memref<10000xf32, #tpu.memory_space<vmem>>[vector<16xi32>], vector<16xf32>,
      %sub3A_457 = arith.subf %gather3A_455, %gather3A_456 : vector<16xf32>
      %gather3A_458 = tpu.vector_load_idx %arg28[%get3A_448] : memref<10000xf32, #tpu.memory_space<vmem>>[vector<16xi32>], vector<16xf32>,
      %gather3A_459 = tpu.vector_load_idx %arg28[%get3A_451] : memref<10000xf32, #tpu.memory_space<vmem>>[vector<16xi32>], vector<16xf32>,
      %sub3A_460 = arith.subf %gather3A_458, %gather3A_459 : vector<16xf32>
      %mul3A_461 = arith.mulf %sub3A_454, %sub3A_454 : vector<16xf32>
      %mul3A_462 = arith.mulf %sub3A_457, %sub3A_457 : vector<16xf32>
      %add3A_463 = arith.addf %mul3A_461, %mul3A_462 : vector<16xf32>
      %mul3A_464 = arith.mulf %sub3A_460, %sub3A_460 : vector<16xf32>
      %add3A_465 = arith.addf %add3A_463, %mul3A_464 : vector<16xf32>
      %swap3A_466 = arith.index_cast %add3A_353 : i32 to index
      %swap3A_467 = arith.constant 64 : index
      %swap3A_468 = tpu.vector_load %arg29[%swap3A_466, %swap3A_467] {strides = array<i32>} : memref<128x80xf32, #tpu.memory_space<vmem>>, vector<16xf32>,
      tpu.vector_store %arg29[%swap3A_466, %swap3A_467], %add3A_465 {strides = array<i32>} : memref<128x80xf32, #tpu.memory_space<vmem>>, vector<16xf32>,
      %dma_wait3A_469 = arith.constant 0 : i32
      %dma_wait3A_470 = tpu.memref_slice %arg12[%add3A_353, %dma_wait3A_469] : memref<128x80xi32, #tpu.memory_space<vmem>> -> memref<1x80xi32, #tpu.memory_space<vmem>>
      %dma_wait3A_471 = tpu.memref_squeeze %dma_wait3A_470 : memref<1x80xi32, #tpu.memory_space<vmem>> -> memref<80xi32, #tpu.memory_space<vmem>>
      %dma_wait3A_472 = arith.constant 0 : i32
      %dma_wait3A_473 = arith.constant 0 : i32
      %dma_wait3A_474 = tpu.memref_slice %arg2[%dma_wait3A_472, %dma_wait3A_473] : memref<10000x128xf32, #tpu.memory_space<hbm>> -> memref<10000x128xf32, #tpu.memory_space<hbm>>
      tpu.wait_indirect_dma semaphore(%arg19 : memref<!tpu.dma_semaphore, #tpu.memory_space<semaphore_mem>>) src(%dma_wait3A_474 : memref<10000x128xf32, #tpu.memory_space<hbm>>) dst(%arg15 : memref<80x128xf32, #tpu.memory_space<vmem>>)
      %dma_wait3A_475 = arith.constant 0 : i32
      %dma_wait3A_476 = tpu.memref_slice %arg13[%add3A_353, %dma_wait3A_475] : memref<128x80xi32, #tpu.memory_space<vmem>> -> memref<1x80xi32, #tpu.memory_space<vmem>>
      %dma_wait3A_477 = tpu.memref_squeeze %dma_wait3A_476 : memref<1x80xi32, #tpu.memory_space<vmem>> -> memref<80xi32, #tpu.memory_space<vmem>>
      %dma_wait3A_478 = arith.constant 0 : i32
      %dma_wait3A_479 = arith.constant 0 : i32
      %dma_wait3A_480 = tpu.memref_slice %arg3[%dma_wait3A_478, %dma_wait3A_479] : memref<10000x128xf32, #tpu.memory_space<hbm>> -> memref<10000x128xf32, #tpu.memory_space<hbm>>
      tpu.wait_indirect_dma semaphore(%arg21 : memref<!tpu.dma_semaphore, #tpu.memory_space<semaphore_mem>>) src(%dma_wait3A_480 : memref<10000x128xf32, #tpu.memory_space<hbm>>) dst(%arg17 : memref<80x128xf32, #tpu.memory_space<vmem>>)
      %mul3A_481 = arith.constant 80 : i32
      %mul3A_482 = arith.muli %add3A_353, %mul3A_481 : i32
      %add3A_483 = arith.addi %mul3A_4, %mul3A_482 : i32
      %dma_start3A_484 = arith.constant 0 : i32
      %dma_start3A_485 = tpu.memref_slice %arg9[%add3A_483, %dma_start3A_484] : memref<320000x128xf32, #tpu.memory_space<hbm>> -> memref<80x128xf32, #tpu.memory_space<hbm>>
      %dma_start3A_486 = arith.constant 0 : i32
      %dma_start3A_487 = tpu.memref_slice %arg9[%add3A_483, %dma_start3A_486] : memref<320000x128xf32, #tpu.memory_space<hbm>> -> memref<80x128xf32, #tpu.memory_space<hbm>>
      tpu.enqueue_dma source(%arg15 : memref<80x128xf32, #tpu.memory_space<vmem>>) target(%dma_start3A_487 : memref<80x128xf32, #tpu.memory_space<hbm>>) target_semaphore(%arg23 : memref<!tpu.dma_semaphore, #tpu.memory_space<semaphore_mem>>)
      %dma_start3A_488 = arith.constant 0 : i32
      %dma_start3A_489 = tpu.memref_slice %arg10[%add3A_483, %dma_start3A_488] : memref<320000x128xf32, #tpu.memory_space<hbm>> -> memref<80x128xf32, #tpu.memory_space<hbm>>
      %dma_start3A_490 = arith.constant 0 : i32
      %dma_start3A_491 = tpu.memref_slice %arg10[%add3A_483, %dma_start3A_490] : memref<320000x128xf32, #tpu.memory_space<hbm>> -> memref<80x128xf32, #tpu.memory_space<hbm>>
      tpu.enqueue_dma source(%arg17 : memref<80x128xf32, #tpu.memory_space<vmem>>) target(%dma_start3A_491 : memref<80x128xf32, #tpu.memory_space<hbm>>) target_semaphore(%arg25 : memref<!tpu.dma_semaphore, #tpu.memory_space<semaphore_mem>>)
      %dma_wait3A_492 = arith.constant 0 : i32
      %dma_wait3A_493 = tpu.memref_slice %arg9[%add3A_483, %dma_wait3A_492] : memref<320000x128xf32, #tpu.memory_space<hbm>> -> memref<80x128xf32, #tpu.memory_space<hbm>>
      %dma_wait3A_494 = arith.constant 0 : i32
      %dma_wait3A_495 = tpu.memref_slice %arg9[%add3A_483, %dma_wait3A_494] : memref<320000x128xf32, #tpu.memory_space<hbm>> -> memref<80x128xf32, #tpu.memory_space<hbm>>
      tpu.wait_dma2 semaphore(%arg23 : memref<!tpu.dma_semaphore, #tpu.memory_space<semaphore_mem>>) src(%arg15 : memref<80x128xf32, #tpu.memory_space<vmem>>) dst(%dma_wait3A_495 : memref<80x128xf32, #tpu.memory_space<hbm>>)
      %dma_wait3A_496 = arith.constant 0 : i32
      %dma_wait3A_497 = tpu.memref_slice %arg10[%add3A_483, %dma_wait3A_496] : memref<320000x128xf32, #tpu.memory_space<hbm>> -> memref<80x128xf32, #tpu.memory_space<hbm>>
      %dma_wait3A_498 = arith.constant 0 : i32
      %dma_wait3A_499 = tpu.memref_slice %arg10[%add3A_483, %dma_wait3A_498] : memref<320000x128xf32, #tpu.memory_space<hbm>> -> memref<80x128xf32, #tpu.memory_space<hbm>>
      tpu.wait_dma2 semaphore(%arg25 : memref<!tpu.dma_semaphore, #tpu.memory_space<semaphore_mem>>) src(%arg17 : memref<80x128xf32, #tpu.memory_space<vmem>>) dst(%dma_wait3A_499 : memref<80x128xf32, #tpu.memory_space<hbm>>)
      %add3A_500 = arith.constant 2 : i32
      %add3A_501 = arith.addi %add3A_353, %add3A_500 : i32
      %lt3A_502 = arith.constant 125 : i32
      %lt3A_503 = arith.cmpi slt, %add3A_501, %lt3A_502 : i32
      %convert_element_type3A_504 = arith.extui %lt3A_503 : i1 to i32
      %cond3A_505 = arith.constant 0 : i32
      %cond3A_506 = arith.cmpi ne, %convert_element_type3A_504, %cond3A_505 : i32
      scf.if %cond3A_506 {
        %add3A_507 = arith.constant 2 : i32
        %add3A_508 = arith.addi %add3A_353, %add3A_507 : i32
        %dma_start3A_509 = arith.constant 0 : i32
        %dma_start3A_510 = tpu.memref_slice %arg12[%add3A_508, %dma_start3A_509] : memref<128x80xi32, #tpu.memory_space<vmem>> -> memref<1x80xi32, #tpu.memory_space<vmem>>
        %dma_start3A_511 = tpu.memref_squeeze %dma_start3A_510 : memref<1x80xi32, #tpu.memory_space<vmem>> -> memref<80xi32, #tpu.memory_space<vmem>>
        %dma_start3A_512 = arith.constant 0 : i32
        %dma_start3A_513 = arith.constant 0 : i32
        %dma_start3A_514 = tpu.memref_slice %arg2[%dma_start3A_512, %dma_start3A_513] : memref<10000x128xf32, #tpu.memory_space<hbm>> -> memref<10000x128xf32, #tpu.memory_space<hbm>>
        tpu.enqueue_indirect_dma source(%dma_start3A_514 : memref<10000x128xf32, #tpu.memory_space<hbm>>) target(%arg15 : memref<80x128xf32, #tpu.memory_space<vmem>>) offsets(%dma_start3A_511 : memref<80xi32, #tpu.memory_space<vmem>>) semaphore(%arg19 : memref<!tpu.dma_semaphore, #tpu.memory_space<semaphore_mem>>)
        %dma_start3A_515 = arith.constant 0 : i32
        %dma_start3A_516 = tpu.memref_slice %arg13[%add3A_508, %dma_start3A_515] : memref<128x80xi32, #tpu.memory_space<vmem>> -> memref<1x80xi32, #tpu.memory_space<vmem>>
        %dma_start3A_517 = tpu.memref_squeeze %dma_start3A_516 : memref<1x80xi32, #tpu.memory_space<vmem>> -> memref<80xi32, #tpu.memory_space<vmem>>
        %dma_start3A_518 = arith.constant 0 : i32
        %dma_start3A_519 = arith.constant 0 : i32
        %dma_start3A_520 = tpu.memref_slice %arg3[%dma_start3A_518, %dma_start3A_519] : memref<10000x128xf32, #tpu.memory_space<hbm>> -> memref<10000x128xf32, #tpu.memory_space<hbm>>
        tpu.enqueue_indirect_dma source(%dma_start3A_520 : memref<10000x128xf32, #tpu.memory_space<hbm>>) target(%arg17 : memref<80x128xf32, #tpu.memory_space<vmem>>) offsets(%dma_start3A_517 : memref<80xi32, #tpu.memory_space<vmem>>) semaphore(%arg21 : memref<!tpu.dma_semaphore, #tpu.memory_space<semaphore_mem>>)
      } else {
      }
    }
    %scan3A_35 = arith.constant 62 : i32
    %get3A = arith.constant 124 : i32
    %get3A_36 = arith.index_cast %get3A : i32 to index
    %get3A_37 = arith.constant 0 : index
    %get3A_38 = tpu.vector_load %arg12[%get3A_36, %get3A_37] {strides = array<i32>} : memref<128x80xi32, #tpu.memory_space<vmem>>, vector<16xi32>,
    %get3A_39 = arith.constant 124 : i32
    %get3A_40 = arith.index_cast %get3A_39 : i32 to index
    %get3A_41 = arith.constant 0 : index
    %get3A_42 = tpu.vector_load %arg13[%get3A_40, %get3A_41] {strides = array<i32>} : memref<128x80xi32, #tpu.memory_space<vmem>>, vector<16xi32>,
    %gather3A = tpu.vector_load_idx %arg26[%get3A_38] : memref<10000xf32, #tpu.memory_space<vmem>>[vector<16xi32>], vector<16xf32>,
    %gather3A_43 = tpu.vector_load_idx %arg26[%get3A_42] : memref<10000xf32, #tpu.memory_space<vmem>>[vector<16xi32>], vector<16xf32>,
    %sub3A = arith.subf %gather3A, %gather3A_43 : vector<16xf32>
    %gather3A_44 = tpu.vector_load_idx %arg27[%get3A_38] : memref<10000xf32, #tpu.memory_space<vmem>>[vector<16xi32>], vector<16xf32>,
    %gather3A_45 = tpu.vector_load_idx %arg27[%get3A_42] : memref<10000xf32, #tpu.memory_space<vmem>>[vector<16xi32>], vector<16xf32>,
    %sub3A_46 = arith.subf %gather3A_44, %gather3A_45 : vector<16xf32>
    %gather3A_47 = tpu.vector_load_idx %arg28[%get3A_38] : memref<10000xf32, #tpu.memory_space<vmem>>[vector<16xi32>], vector<16xf32>,
    %gather3A_48 = tpu.vector_load_idx %arg28[%get3A_42] : memref<10000xf32, #tpu.memory_space<vmem>>[vector<16xi32>], vector<16xf32>,
    %sub3A_49 = arith.subf %gather3A_47, %gather3A_48 : vector<16xf32>
    %mul3A_50 = arith.mulf %sub3A, %sub3A : vector<16xf32>
    %mul3A_51 = arith.mulf %sub3A_46, %sub3A_46 : vector<16xf32>
    %add3A_52 = arith.addf %mul3A_50, %mul3A_51 : vector<16xf32>
    %mul3A_53 = arith.mulf %sub3A_49, %sub3A_49 : vector<16xf32>
    %add3A_54 = arith.addf %add3A_52, %mul3A_53 : vector<16xf32>
    %swap3A = arith.constant 124 : i32
    %swap3A_55 = arith.index_cast %swap3A : i32 to index
    %swap3A_56 = arith.constant 0 : index
    %swap3A_57 = tpu.vector_load %arg29[%swap3A_55, %swap3A_56] {strides = array<i32>} : memref<128x80xf32, #tpu.memory_space<vmem>>, vector<16xf32>,
    tpu.vector_store %arg29[%swap3A_55, %swap3A_56], %add3A_54 {strides = array<i32>} : memref<128x80xf32, #tpu.memory_space<vmem>>, vector<16xf32>,
    %get3A_58 = arith.constant 124 : i32
    %get3A_59 = arith.index_cast %get3A_58 : i32 to index
    %get3A_60 = arith.constant 16 : index
    %get3A_61 = tpu.vector_load %arg12[%get3A_59, %get3A_60] {strides = array<i32>} : memref<128x80xi32, #tpu.memory_space<vmem>>, vector<16xi32>,
    %get3A_62 = arith.constant 124 : i32
    %get3A_63 = arith.index_cast %get3A_62 : i32 to index
    %get3A_64 = arith.constant 16 : index
    %get3A_65 = tpu.vector_load %arg13[%get3A_63, %get3A_64] {strides = array<i32>} : memref<128x80xi32, #tpu.memory_space<vmem>>, vector<16xi32>,
    %gather3A_66 = tpu.vector_load_idx %arg26[%get3A_61] : memref<10000xf32, #tpu.memory_space<vmem>>[vector<16xi32>], vector<16xf32>,
    %gather3A_67 = tpu.vector_load_idx %arg26[%get3A_65] : memref<10000xf32, #tpu.memory_space<vmem>>[vector<16xi32>], vector<16xf32>,
    %sub3A_68 = arith.subf %gather3A_66, %gather3A_67 : vector<16xf32>
    %gather3A_69 = tpu.vector_load_idx %arg27[%get3A_61] : memref<10000xf32, #tpu.memory_space<vmem>>[vector<16xi32>], vector<16xf32>,
    %gather3A_70 = tpu.vector_load_idx %arg27[%get3A_65] : memref<10000xf32, #tpu.memory_space<vmem>>[vector<16xi32>], vector<16xf32>,
    %sub3A_71 = arith.subf %gather3A_69, %gather3A_70 : vector<16xf32>
    %gather3A_72 = tpu.vector_load_idx %arg28[%get3A_61] : memref<10000xf32, #tpu.memory_space<vmem>>[vector<16xi32>], vector<16xf32>,
    %gather3A_73 = tpu.vector_load_idx %arg28[%get3A_65] : memref<10000xf32, #tpu.memory_space<vmem>>[vector<16xi32>], vector<16xf32>,
    %sub3A_74 = arith.subf %gather3A_72, %gather3A_73 : vector<16xf32>
    %mul3A_75 = arith.mulf %sub3A_68, %sub3A_68 : vector<16xf32>
    %mul3A_76 = arith.mulf %sub3A_71, %sub3A_71 : vector<16xf32>
    %add3A_77 = arith.addf %mul3A_75, %mul3A_76 : vector<16xf32>
    %mul3A_78 = arith.mulf %sub3A_74, %sub3A_74 : vector<16xf32>
    %add3A_79 = arith.addf %add3A_77, %mul3A_78 : vector<16xf32>
    %swap3A_80 = arith.constant 124 : i32
    %swap3A_81 = arith.index_cast %swap3A_80 : i32 to index
    %swap3A_82 = arith.constant 16 : index
    %swap3A_83 = tpu.vector_load %arg29[%swap3A_81, %swap3A_82] {strides = array<i32>} : memref<128x80xf32, #tpu.memory_space<vmem>>, vector<16xf32>,
    tpu.vector_store %arg29[%swap3A_81, %swap3A_82], %add3A_79 {strides = array<i32>} : memref<128x80xf32, #tpu.memory_space<vmem>>, vector<16xf32>,
    %get3A_84 = arith.constant 124 : i32
    %get3A_85 = arith.index_cast %get3A_84 : i32 to index
    %get3A_86 = arith.constant 32 : index
    %get3A_87 = tpu.vector_load %arg12[%get3A_85, %get3A_86] {strides = array<i32>} : memref<128x80xi32, #tpu.memory_space<vmem>>, vector<16xi32>,
    %get3A_88 = arith.constant 124 : i32
    %get3A_89 = arith.index_cast %get3A_88 : i32 to index
    %get3A_90 = arith.constant 32 : index
    %get3A_91 = tpu.vector_load %arg13[%get3A_89, %get3A_90] {strides = array<i32>} : memref<128x80xi32, #tpu.memory_space<vmem>>, vector<16xi32>,
    %gather3A_92 = tpu.vector_load_idx %arg26[%get3A_87] : memref<10000xf32, #tpu.memory_space<vmem>>[vector<16xi32>], vector<16xf32>,
    %gather3A_93 = tpu.vector_load_idx %arg26[%get3A_91] : memref<10000xf32, #tpu.memory_space<vmem>>[vector<16xi32>], vector<16xf32>,
    %sub3A_94 = arith.subf %gather3A_92, %gather3A_93 : vector<16xf32>
    %gather3A_95 = tpu.vector_load_idx %arg27[%get3A_87] : memref<10000xf32, #tpu.memory_space<vmem>>[vector<16xi32>], vector<16xf32>,
    %gather3A_96 = tpu.vector_load_idx %arg27[%get3A_91] : memref<10000xf32, #tpu.memory_space<vmem>>[vector<16xi32>], vector<16xf32>,
    %sub3A_97 = arith.subf %gather3A_95, %gather3A_96 : vector<16xf32>
    %gather3A_98 = tpu.vector_load_idx %arg28[%get3A_87] : memref<10000xf32, #tpu.memory_space<vmem>>[vector<16xi32>], vector<16xf32>,
    %gather3A_99 = tpu.vector_load_idx %arg28[%get3A_91] : memref<10000xf32, #tpu.memory_space<vmem>>[vector<16xi32>], vector<16xf32>,
    %sub3A_100 = arith.subf %gather3A_98, %gather3A_99 : vector<16xf32>
    %mul3A_101 = arith.mulf %sub3A_94, %sub3A_94 : vector<16xf32>
    %mul3A_102 = arith.mulf %sub3A_97, %sub3A_97 : vector<16xf32>
    %add3A_103 = arith.addf %mul3A_101, %mul3A_102 : vector<16xf32>
    %mul3A_104 = arith.mulf %sub3A_100, %sub3A_100 : vector<16xf32>
    %add3A_105 = arith.addf %add3A_103, %mul3A_104 : vector<16xf32>
    %swap3A_106 = arith.constant 124 : i32
    %swap3A_107 = arith.index_cast %swap3A_106 : i32 to index
    %swap3A_108 = arith.constant 32 : index
    %swap3A_109 = tpu.vector_load %arg29[%swap3A_107, %swap3A_108] {strides = array<i32>} : memref<128x80xf32, #tpu.memory_space<vmem>>, vector<16xf32>,
    tpu.vector_store %arg29[%swap3A_107, %swap3A_108], %add3A_105 {strides = array<i32>} : memref<128x80xf32, #tpu.memory_space<vmem>>, vector<16xf32>,
    %get3A_110 = arith.constant 124 : i32
    %get3A_111 = arith.index_cast %get3A_110 : i32 to index
    %get3A_112 = arith.constant 48 : index
    %get3A_113 = tpu.vector_load %arg12[%get3A_111, %get3A_112] {strides = array<i32>} : memref<128x80xi32, #tpu.memory_space<vmem>>, vector<16xi32>,
    %get3A_114 = arith.constant 124 : i32
    %get3A_115 = arith.index_cast %get3A_114 : i32 to index
    %get3A_116 = arith.constant 48 : index
    %get3A_117 = tpu.vector_load %arg13[%get3A_115, %get3A_116] {strides = array<i32>} : memref<128x80xi32, #tpu.memory_space<vmem>>, vector<16xi32>,
    %gather3A_118 = tpu.vector_load_idx %arg26[%get3A_113] : memref<10000xf32, #tpu.memory_space<vmem>>[vector<16xi32>], vector<16xf32>,
    %gather3A_119 = tpu.vector_load_idx %arg26[%get3A_117] : memref<10000xf32, #tpu.memory_space<vmem>>[vector<16xi32>], vector<16xf32>,
    %sub3A_120 = arith.subf %gather3A_118, %gather3A_119 : vector<16xf32>
    %gather3A_121 = tpu.vector_load_idx %arg27[%get3A_113] : memref<10000xf32, #tpu.memory_space<vmem>>[vector<16xi32>], vector<16xf32>,
    %gather3A_122 = tpu.vector_load_idx %arg27[%get3A_117] : memref<10000xf32, #tpu.memory_space<vmem>>[vector<16xi32>], vector<16xf32>,
    %sub3A_123 = arith.subf %gather3A_121, %gather3A_122 : vector<16xf32>
    %gather3A_124 = tpu.vector_load_idx %arg28[%get3A_113] : memref<10000xf32, #tpu.memory_space<vmem>>[vector<16xi32>], vector<16xf32>,
    %gather3A_125 = tpu.vector_load_idx %arg28[%get3A_117] : memref<10000xf32, #tpu.memory_space<vmem>>[vector<16xi32>], vector<16xf32>,
    %sub3A_126 = arith.subf %gather3A_124, %gather3A_125 : vector<16xf32>
    %mul3A_127 = arith.mulf %sub3A_120, %sub3A_120 : vector<16xf32>
    %mul3A_128 = arith.mulf %sub3A_123, %sub3A_123 : vector<16xf32>
    %add3A_129 = arith.addf %mul3A_127, %mul3A_128 : vector<16xf32>
    %mul3A_130 = arith.mulf %sub3A_126, %sub3A_126 : vector<16xf32>
    %add3A_131 = arith.addf %add3A_129, %mul3A_130 : vector<16xf32>
    %swap3A_132 = arith.constant 124 : i32
    %swap3A_133 = arith.index_cast %swap3A_132 : i32 to index
    %swap3A_134 = arith.constant 48 : index
    %swap3A_135 = tpu.vector_load %arg29[%swap3A_133, %swap3A_134] {strides = array<i32>} : memref<128x80xf32, #tpu.memory_space<vmem>>, vector<16xf32>,
    tpu.vector_store %arg29[%swap3A_133, %swap3A_134], %add3A_131 {strides = array<i32>} : memref<128x80xf32, #tpu.memory_space<vmem>>, vector<16xf32>,
    %get3A_136 = arith.constant 124 : i32
    %get3A_137 = arith.index_cast %get3A_136 : i32 to index
    %get3A_138 = arith.constant 64 : index
    %get3A_139 = tpu.vector_load %arg12[%get3A_137, %get3A_138] {strides = array<i32>} : memref<128x80xi32, #tpu.memory_space<vmem>>, vector<16xi32>,
    %get3A_140 = arith.constant 124 : i32
    %get3A_141 = arith.index_cast %get3A_140 : i32 to index
    %get3A_142 = arith.constant 64 : index
    %get3A_143 = tpu.vector_load %arg13[%get3A_141, %get3A_142] {strides = array<i32>} : memref<128x80xi32, #tpu.memory_space<vmem>>, vector<16xi32>,
    %gather3A_144 = tpu.vector_load_idx %arg26[%get3A_139] : memref<10000xf32, #tpu.memory_space<vmem>>[vector<16xi32>], vector<16xf32>,
    %gather3A_145 = tpu.vector_load_idx %arg26[%get3A_143] : memref<10000xf32, #tpu.memory_space<vmem>>[vector<16xi32>], vector<16xf32>,
    %sub3A_146 = arith.subf %gather3A_144, %gather3A_145 : vector<16xf32>
    %gather3A_147 = tpu.vector_load_idx %arg27[%get3A_139] : memref<10000xf32, #tpu.memory_space<vmem>>[vector<16xi32>], vector<16xf32>,
    %gather3A_148 = tpu.vector_load_idx %arg27[%get3A_143] : memref<10000xf32, #tpu.memory_space<vmem>>[vector<16xi32>], vector<16xf32>,
    %sub3A_149 = arith.subf %gather3A_147, %gather3A_148 : vector<16xf32>
    %gather3A_150 = tpu.vector_load_idx %arg28[%get3A_139] : memref<10000xf32, #tpu.memory_space<vmem>>[vector<16xi32>], vector<16xf32>,
    %gather3A_151 = tpu.vector_load_idx %arg28[%get3A_143] : memref<10000xf32, #tpu.memory_space<vmem>>[vector<16xi32>], vector<16xf32>,
    %sub3A_152 = arith.subf %gather3A_150, %gather3A_151 : vector<16xf32>
    %mul3A_153 = arith.mulf %sub3A_146, %sub3A_146 : vector<16xf32>
    %mul3A_154 = arith.mulf %sub3A_149, %sub3A_149 : vector<16xf32>
    %add3A_155 = arith.addf %mul3A_153, %mul3A_154 : vector<16xf32>
    %mul3A_156 = arith.mulf %sub3A_152, %sub3A_152 : vector<16xf32>
    %add3A_157 = arith.addf %add3A_155, %mul3A_156 : vector<16xf32>
    %swap3A_158 = arith.constant 124 : i32
    %swap3A_159 = arith.index_cast %swap3A_158 : i32 to index
    %swap3A_160 = arith.constant 64 : index
    %swap3A_161 = tpu.vector_load %arg29[%swap3A_159, %swap3A_160] {strides = array<i32>} : memref<128x80xf32, #tpu.memory_space<vmem>>, vector<16xf32>,
    tpu.vector_store %arg29[%swap3A_159, %swap3A_160], %add3A_157 {strides = array<i32>} : memref<128x80xf32, #tpu.memory_space<vmem>>, vector<16xf32>,
    %dma_wait3A = arith.constant 124 : i32
    %dma_wait3A_162 = arith.constant 0 : i32
    %dma_wait3A_163 = tpu.memref_slice %arg12[%dma_wait3A, %dma_wait3A_162] : memref<128x80xi32, #tpu.memory_space<vmem>> -> memref<1x80xi32, #tpu.memory_space<vmem>>
    %dma_wait3A_164 = tpu.memref_squeeze %dma_wait3A_163 : memref<1x80xi32, #tpu.memory_space<vmem>> -> memref<80xi32, #tpu.memory_space<vmem>>
    %dma_wait3A_165 = arith.constant 0 : i32
    %dma_wait3A_166 = arith.constant 0 : i32
    %dma_wait3A_167 = tpu.memref_slice %arg2[%dma_wait3A_165, %dma_wait3A_166] : memref<10000x128xf32, #tpu.memory_space<hbm>> -> memref<10000x128xf32, #tpu.memory_space<hbm>>
    tpu.wait_indirect_dma semaphore(%arg18 : memref<!tpu.dma_semaphore, #tpu.memory_space<semaphore_mem>>) src(%dma_wait3A_167 : memref<10000x128xf32, #tpu.memory_space<hbm>>) dst(%arg14 : memref<80x128xf32, #tpu.memory_space<vmem>>)
    %dma_wait3A_168 = arith.constant 124 : i32
    %dma_wait3A_169 = arith.constant 0 : i32
    %dma_wait3A_170 = tpu.memref_slice %arg13[%dma_wait3A_168, %dma_wait3A_169] : memref<128x80xi32, #tpu.memory_space<vmem>> -> memref<1x80xi32, #tpu.memory_space<vmem>>
    %dma_wait3A_171 = tpu.memref_squeeze %dma_wait3A_170 : memref<1x80xi32, #tpu.memory_space<vmem>> -> memref<80xi32, #tpu.memory_space<vmem>>
    %dma_wait3A_172 = arith.constant 0 : i32
    %dma_wait3A_173 = arith.constant 0 : i32
    %dma_wait3A_174 = tpu.memref_slice %arg3[%dma_wait3A_172, %dma_wait3A_173] : memref<10000x128xf32, #tpu.memory_space<hbm>> -> memref<10000x128xf32, #tpu.memory_space<hbm>>
    tpu.wait_indirect_dma semaphore(%arg20 : memref<!tpu.dma_semaphore, #tpu.memory_space<semaphore_mem>>) src(%dma_wait3A_174 : memref<10000x128xf32, #tpu.memory_space<hbm>>) dst(%arg16 : memref<80x128xf32, #tpu.memory_space<vmem>>)
    %add3A_175 = arith.constant 9920 : i32
    %add3A_176 = arith.addi %mul3A_4, %add3A_175 : i32
    %dma_start3A_177 = arith.constant 0 : i32
    %dma_start3A_178 = tpu.memref_slice %arg9[%add3A_176, %dma_start3A_177] : memref<320000x128xf32, #tpu.memory_space<hbm>> -> memref<80x128xf32, #tpu.memory_space<hbm>>
    %dma_start3A_179 = arith.constant 0 : i32
    %dma_start3A_180 = tpu.memref_slice %arg9[%add3A_176, %dma_start3A_179] : memref<320000x128xf32, #tpu.memory_space<hbm>> -> memref<80x128xf32, #tpu.memory_space<hbm>>
    tpu.enqueue_dma source(%arg14 : memref<80x128xf32, #tpu.memory_space<vmem>>) target(%dma_start3A_180 : memref<80x128xf32, #tpu.memory_space<hbm>>) target_semaphore(%arg22 : memref<!tpu.dma_semaphore, #tpu.memory_space<semaphore_mem>>)
    %dma_start3A_181 = arith.constant 0 : i32
    %dma_start3A_182 = tpu.memref_slice %arg10[%add3A_176, %dma_start3A_181] : memref<320000x128xf32, #tpu.memory_space<hbm>> -> memref<80x128xf32, #tpu.memory_space<hbm>>
    %dma_start3A_183 = arith.constant 0 : i32
    %dma_start3A_184 = tpu.memref_slice %arg10[%add3A_176, %dma_start3A_183] : memref<320000x128xf32, #tpu.memory_space<hbm>> -> memref<80x128xf32, #tpu.memory_space<hbm>>
    tpu.enqueue_dma source(%arg16 : memref<80x128xf32, #tpu.memory_space<vmem>>) target(%dma_start3A_184 : memref<80x128xf32, #tpu.memory_space<hbm>>) target_semaphore(%arg24 : memref<!tpu.dma_semaphore, #tpu.memory_space<semaphore_mem>>)
    %dma_wait3A_185 = arith.constant 0 : i32
    %dma_wait3A_186 = tpu.memref_slice %arg9[%add3A_176, %dma_wait3A_185] : memref<320000x128xf32, #tpu.memory_space<hbm>> -> memref<80x128xf32, #tpu.memory_space<hbm>>
    %dma_wait3A_187 = arith.constant 0 : i32
    %dma_wait3A_188 = tpu.memref_slice %arg9[%add3A_176, %dma_wait3A_187] : memref<320000x128xf32, #tpu.memory_space<hbm>> -> memref<80x128xf32, #tpu.memory_space<hbm>>
    tpu.wait_dma2 semaphore(%arg22 : memref<!tpu.dma_semaphore, #tpu.memory_space<semaphore_mem>>) src(%arg14 : memref<80x128xf32, #tpu.memory_space<vmem>>) dst(%dma_wait3A_188 : memref<80x128xf32, #tpu.memory_space<hbm>>)
    %dma_wait3A_189 = arith.constant 0 : i32
    %dma_wait3A_190 = tpu.memref_slice %arg10[%add3A_176, %dma_wait3A_189] : memref<320000x128xf32, #tpu.memory_space<hbm>> -> memref<80x128xf32, #tpu.memory_space<hbm>>
    %dma_wait3A_191 = arith.constant 0 : i32
    %dma_wait3A_192 = tpu.memref_slice %arg10[%add3A_176, %dma_wait3A_191] : memref<320000x128xf32, #tpu.memory_space<hbm>> -> memref<80x128xf32, #tpu.memory_space<hbm>>
    tpu.wait_dma2 semaphore(%arg24 : memref<!tpu.dma_semaphore, #tpu.memory_space<semaphore_mem>>) src(%arg16 : memref<80x128xf32, #tpu.memory_space<vmem>>) dst(%dma_wait3A_192 : memref<80x128xf32, #tpu.memory_space<hbm>>)
    "tpu.region"() ({
      %run_scoped3A = tpu.sem_alloc : memref<!tpu.dma_semaphore, #tpu.memory_space<semaphore_mem>>
      %dma_start3A_193 = arith.constant 0 : i32
      %dma_start3A_194 = tpu.memref_slice %arg11[%mul3A_2, %dma_start3A_193] : memref<4096x80xf32, #tpu.memory_space<hbm>> -> memref<128x80xf32, #tpu.memory_space<hbm>>
      %dma_start3A_195 = arith.constant 0 : i32
      %dma_start3A_196 = tpu.memref_slice %arg11[%mul3A_2, %dma_start3A_195] : memref<4096x80xf32, #tpu.memory_space<hbm>> -> memref<128x80xf32, #tpu.memory_space<hbm>>
      tpu.enqueue_dma source(%arg29 : memref<128x80xf32, #tpu.memory_space<vmem>>) target(%dma_start3A_196 : memref<128x80xf32, #tpu.memory_space<hbm>>) target_semaphore(%run_scoped3A : memref<!tpu.dma_semaphore, #tpu.memory_space<semaphore_mem>>)
      %dma_wait3A_197 = arith.constant 0 : i32
      %dma_wait3A_198 = tpu.memref_slice %arg11[%mul3A_2, %dma_wait3A_197] : memref<4096x80xf32, #tpu.memory_space<hbm>> -> memref<128x80xf32, #tpu.memory_space<hbm>>
      %dma_wait3A_199 = arith.constant 0 : i32
      %dma_wait3A_200 = tpu.memref_slice %arg11[%mul3A_2, %dma_wait3A_199] : memref<4096x80xf32, #tpu.memory_space<hbm>> -> memref<128x80xf32, #tpu.memory_space<hbm>>
      tpu.wait_dma2 semaphore(%run_scoped3A : memref<!tpu.dma_semaphore, #tpu.memory_space<semaphore_mem>>) src(%arg29 : memref<128x80xf32, #tpu.memory_space<vmem>>) dst(%dma_wait3A_200 : memref<128x80xf32, #tpu.memory_space<hbm>>)
      tpu.yield
    }) : () -> ()
    return
  }
}

#map = affine_map<(d0, d1) -> (0, 0)>
#map1 = affine_map<(d0, d1) -> (0, 0, 0)>
module attributes {stable_mosaic.version = 14 : i64} {
  func.func @_sc_segsum_body(%arg0: i32, %arg1: i32, %arg2: memref<320000x128xf32, #tpu.memory_space<hbm>>, %arg3: memref<4096x80xi32, #tpu.memory_space<hbm>>, %arg4: memref<640x128xf32, #tpu.memory_space<hbm>>, %arg5: memref<2x10000x128xf32, #tpu.memory_space<hbm>>, %arg6: memref<128x80xi32, #tpu.memory_space<vmem>>, %arg7: memref<80x128xf32, #tpu.memory_space<vmem>>, %arg8: memref<80x128xf32, #tpu.memory_space<vmem>>, %arg9: memref<10000x128xf32, #tpu.memory_space<vmem_shared>>, %arg10: memref<!tpu.dma_semaphore, #tpu.memory_space<semaphore_mem>>, %arg11: memref<!tpu.dma_semaphore, #tpu.memory_space<semaphore_mem>>, %arg12: memref<!tpu.dma_semaphore, #tpu.memory_space<semaphore_mem>>, %arg13: memref<!tpu.dma_semaphore, #tpu.memory_space<semaphore_mem>>) attributes {dimension_semantics = [#tpu.dimension_semantics<core_parallel>, #tpu.dimension_semantics<subcore_parallel>], iteration_bounds = array<i64: 2, 16>, scalar_prefetch = 0 : i64, scratch_operands = 8 : i64, tpu.core_type = #tpu.core_type<sc_vector_subcore>, window_params = [{transform_indices = #map}, {transform_indices = #map}, {transform_indices = #map}, {transform_indices = #map1}]} {
    %mul3A = arith.constant 16 : i32
    %mul3A_0 = arith.muli %arg0, %mul3A : i32
    %add3A = arith.addi %mul3A_0, %arg1 : i32
    %mul3A_1 = arith.constant 128 : i32
    %mul3A_2 = arith.muli %add3A, %mul3A_1 : i32
    %mul3A_3 = arith.constant 10000 : i32
    %mul3A_4 = arith.muli %add3A, %mul3A_3 : i32
    "tpu.region"() ({
      %run_scoped3A = tpu.sem_alloc : memref<!tpu.dma_semaphore, #tpu.memory_space<semaphore_mem>>
      %dma_start3A_56 = arith.constant 0 : i32
      %dma_start3A_57 = tpu.memref_slice %arg3[%mul3A_2, %dma_start3A_56] : memref<4096x80xi32, #tpu.memory_space<hbm>> -> memref<128x80xi32, #tpu.memory_space<hbm>>
      %dma_start3A_58 = arith.constant 0 : i32
      %dma_start3A_59 = tpu.memref_slice %arg3[%mul3A_2, %dma_start3A_58] : memref<4096x80xi32, #tpu.memory_space<hbm>> -> memref<128x80xi32, #tpu.memory_space<hbm>>
      tpu.enqueue_dma source(%dma_start3A_59 : memref<128x80xi32, #tpu.memory_space<hbm>>) target(%arg6 : memref<128x80xi32, #tpu.memory_space<vmem>>) target_semaphore(%run_scoped3A : memref<!tpu.dma_semaphore, #tpu.memory_space<semaphore_mem>>)
      %dma_wait3A_60 = arith.constant 0 : i32
      %dma_wait3A_61 = tpu.memref_slice %arg3[%mul3A_2, %dma_wait3A_60] : memref<4096x80xi32, #tpu.memory_space<hbm>> -> memref<128x80xi32, #tpu.memory_space<hbm>>
      %dma_wait3A_62 = arith.constant 0 : i32
      %dma_wait3A_63 = tpu.memref_slice %arg3[%mul3A_2, %dma_wait3A_62] : memref<4096x80xi32, #tpu.memory_space<hbm>> -> memref<128x80xi32, #tpu.memory_space<hbm>>
      tpu.wait_dma2 semaphore(%run_scoped3A : memref<!tpu.dma_semaphore, #tpu.memory_space<semaphore_mem>>) src(%dma_wait3A_63 : memref<128x80xi32, #tpu.memory_space<hbm>>) dst(%arg6 : memref<128x80xi32, #tpu.memory_space<vmem>>)
      tpu.yield
    }) : () -> ()
    %lt3A = arith.constant 15 : i32
    %lt3A_5 = arith.cmpi slt, %arg1, %lt3A : i32
    %convert_element_type3A = arith.extui %lt3A_5 : i1 to i32
    %cond3A = arith.constant 0 : i32
    %cond3A_6 = arith.cmpi ne, %convert_element_type3A, %cond3A : i32
    scf.if %cond3A_6 {
      %mul3A_56 = arith.constant 624 : i32
      %mul3A_57 = arith.muli %arg1, %mul3A_56 : i32
      "tpu.region"() ({
        %run_scoped3A = tpu.sem_alloc : memref<!tpu.dma_semaphore, #tpu.memory_space<semaphore_mem>>
        %dma_start3A_58 = arith.constant 0 : i32
        %dma_start3A_59 = tpu.memref_slice %arg9[%mul3A_57, %dma_start3A_58] : memref<10000x128xf32, #tpu.memory_space<vmem_shared>> -> memref<624x128xf32, #tpu.memory_space<vmem_shared>>
        %dma_start3A_60 = arith.constant 0 : i32
        %dma_start3A_61 = arith.constant 0 : i32
        %dma_start3A_62 = tpu.memref_slice %arg4[%dma_start3A_60, %dma_start3A_61] : memref<640x128xf32, #tpu.memory_space<hbm>> -> memref<624x128xf32, #tpu.memory_space<hbm>>
        tpu.enqueue_dma source(%dma_start3A_62 : memref<624x128xf32, #tpu.memory_space<hbm>>) target(%dma_start3A_59 : memref<624x128xf32, #tpu.memory_space<vmem_shared>>) target_semaphore(%run_scoped3A : memref<!tpu.dma_semaphore, #tpu.memory_space<semaphore_mem>>)
        %dma_wait3A_63 = arith.constant 0 : i32
        %dma_wait3A_64 = tpu.memref_slice %arg9[%mul3A_57, %dma_wait3A_63] : memref<10000x128xf32, #tpu.memory_space<vmem_shared>> -> memref<624x128xf32, #tpu.memory_space<vmem_shared>>
        %dma_wait3A_65 = arith.constant 0 : i32
        %dma_wait3A_66 = arith.constant 0 : i32
        %dma_wait3A_67 = tpu.memref_slice %arg4[%dma_wait3A_65, %dma_wait3A_66] : memref<640x128xf32, #tpu.memory_space<hbm>> -> memref<624x128xf32, #tpu.memory_space<hbm>>
        tpu.wait_dma2 semaphore(%run_scoped3A : memref<!tpu.dma_semaphore, #tpu.memory_space<semaphore_mem>>) src(%dma_wait3A_67 : memref<624x128xf32, #tpu.memory_space<hbm>>) dst(%dma_wait3A_64 : memref<624x128xf32, #tpu.memory_space<vmem_shared>>)
        tpu.yield
      }) : () -> ()
    } else {
    }
    %eq3A = arith.constant 15 : i32
    %eq3A_7 = arith.cmpi eq, %arg1, %eq3A : i32
    %convert_element_type3A_8 = arith.extui %eq3A_7 : i1 to i32
    %cond3A_9 = arith.constant 0 : i32
    %cond3A_10 = arith.cmpi ne, %convert_element_type3A_8, %cond3A_9 : i32
    scf.if %cond3A_10 {
      "tpu.region"() ({
        %run_scoped3A = tpu.sem_alloc : memref<!tpu.dma_semaphore, #tpu.memory_space<semaphore_mem>>
        %dma_start3A_56 = arith.constant 9360 : i32
        %dma_start3A_57 = arith.constant 0 : i32
        %dma_start3A_58 = tpu.memref_slice %arg9[%dma_start3A_56, %dma_start3A_57] : memref<10000x128xf32, #tpu.memory_space<vmem_shared>> -> memref<640x128xf32, #tpu.memory_space<vmem_shared>>
        tpu.enqueue_dma source(%arg4 : memref<640x128xf32, #tpu.memory_space<hbm>>) target(%dma_start3A_58 : memref<640x128xf32, #tpu.memory_space<vmem_shared>>) target_semaphore(%run_scoped3A : memref<!tpu.dma_semaphore, #tpu.memory_space<semaphore_mem>>)
        %dma_wait3A_59 = arith.constant 9360 : i32
        %dma_wait3A_60 = arith.constant 0 : i32
        %dma_wait3A_61 = tpu.memref_slice %arg9[%dma_wait3A_59, %dma_wait3A_60] : memref<10000x128xf32, #tpu.memory_space<vmem_shared>> -> memref<640x128xf32, #tpu.memory_space<vmem_shared>>
        tpu.wait_dma2 semaphore(%run_scoped3A : memref<!tpu.dma_semaphore, #tpu.memory_space<semaphore_mem>>) src(%arg4 : memref<640x128xf32, #tpu.memory_space<hbm>>) dst(%dma_wait3A_61 : memref<640x128xf32, #tpu.memory_space<vmem_shared>>)
        tpu.yield
      }) : () -> ()
    } else {
    }
    %barrier3A = arith.constant 0 : index
    tpu.barrier barrier_id(%barrier3A)
    %add3A_11 = arith.constant 0 : i32
    %add3A_12 = arith.addi %mul3A_4, %add3A_11 : i32
    %dma_start3A = arith.constant 0 : i32
    %dma_start3A_13 = tpu.memref_slice %arg2[%add3A_12, %dma_start3A] : memref<320000x128xf32, #tpu.memory_space<hbm>> -> memref<80x128xf32, #tpu.memory_space<hbm>>
    %dma_start3A_14 = arith.constant 0 : i32
    %dma_start3A_15 = tpu.memref_slice %arg2[%add3A_12, %dma_start3A_14] : memref<320000x128xf32, #tpu.memory_space<hbm>> -> memref<80x128xf32, #tpu.memory_space<hbm>>
    tpu.enqueue_dma source(%dma_start3A_15 : memref<80x128xf32, #tpu.memory_space<hbm>>) target(%arg7 : memref<80x128xf32, #tpu.memory_space<vmem>>) target_semaphore(%arg10 : memref<!tpu.dma_semaphore, #tpu.memory_space<semaphore_mem>>)
    %add3A_16 = arith.constant 80 : i32
    %add3A_17 = arith.addi %mul3A_4, %add3A_16 : i32
    %dma_start3A_18 = arith.constant 0 : i32
    %dma_start3A_19 = tpu.memref_slice %arg2[%add3A_17, %dma_start3A_18] : memref<320000x128xf32, #tpu.memory_space<hbm>> -> memref<80x128xf32, #tpu.memory_space<hbm>>
    %dma_start3A_20 = arith.constant 0 : i32
    %dma_start3A_21 = tpu.memref_slice %arg2[%add3A_17, %dma_start3A_20] : memref<320000x128xf32, #tpu.memory_space<hbm>> -> memref<80x128xf32, #tpu.memory_space<hbm>>
    tpu.enqueue_dma source(%dma_start3A_21 : memref<80x128xf32, #tpu.memory_space<hbm>>) target(%arg8 : memref<80x128xf32, #tpu.memory_space<vmem>>) target_semaphore(%arg11 : memref<!tpu.dma_semaphore, #tpu.memory_space<semaphore_mem>>)
    %scan3A = arith.constant 0 : i32
    %scan3A_22 = arith.constant 62 : i32
    %scan3A_23 = arith.addi %scan3A, %scan3A_22 : i32
    %scan3A_24 = arith.constant 1 : i32
    scf.for %scan3A_56 = %scan3A to %scan3A_23 step %scan3A_24  : i32 {
      %mul3A_57 = arith.constant 1 : i32
      %mul3A_58 = arith.muli %scan3A_56, %mul3A_57 : i32
      %add3A_59 = arith.constant 0 : i32
      %add3A_60 = arith.addi %add3A_59, %mul3A_58 : i32
      %mul3A_61 = arith.constant 2 : i32
      %mul3A_62 = arith.muli %mul3A_61, %add3A_60 : i32
      %mul3A_63 = arith.constant 80 : i32
      %mul3A_64 = arith.muli %mul3A_62, %mul3A_63 : i32
      %add3A_65 = arith.addi %mul3A_4, %mul3A_64 : i32
      %dma_wait3A_66 = arith.constant 0 : i32
      %dma_wait3A_67 = tpu.memref_slice %arg2[%add3A_65, %dma_wait3A_66] : memref<320000x128xf32, #tpu.memory_space<hbm>> -> memref<80x128xf32, #tpu.memory_space<hbm>>
      %dma_wait3A_68 = arith.constant 0 : i32
      %dma_wait3A_69 = tpu.memref_slice %arg2[%add3A_65, %dma_wait3A_68] : memref<320000x128xf32, #tpu.memory_space<hbm>> -> memref<80x128xf32, #tpu.memory_space<hbm>>
      tpu.wait_dma2 semaphore(%arg10 : memref<!tpu.dma_semaphore, #tpu.memory_space<semaphore_mem>>) src(%dma_wait3A_69 : memref<80x128xf32, #tpu.memory_space<hbm>>) dst(%arg7 : memref<80x128xf32, #tpu.memory_space<vmem>>)
      %dma_start3A_70 = arith.constant 0 : i32
      %dma_start3A_71 = tpu.memref_slice %arg6[%mul3A_62, %dma_start3A_70] : memref<128x80xi32, #tpu.memory_space<vmem>> -> memref<1x80xi32, #tpu.memory_space<vmem>>
      %dma_start3A_72 = tpu.memref_squeeze %dma_start3A_71 : memref<1x80xi32, #tpu.memory_space<vmem>> -> memref<80xi32, #tpu.memory_space<vmem>>
      %dma_start3A_73 = arith.constant 0 : i32
      %dma_start3A_74 = arith.constant 0 : i32
      %dma_start3A_75 = tpu.memref_slice %arg9[%dma_start3A_73, %dma_start3A_74] : memref<10000x128xf32, #tpu.memory_space<vmem_shared>> -> memref<10000x128xf32, #tpu.memory_space<vmem_shared>>
      tpu.enqueue_indirect_dma source(%arg7 : memref<80x128xf32, #tpu.memory_space<vmem>>) target(%dma_start3A_75 : memref<10000x128xf32, #tpu.memory_space<vmem_shared>>) offsets(%dma_start3A_72 : memref<80xi32, #tpu.memory_space<vmem>>) semaphore(%arg12 : memref<!tpu.dma_semaphore, #tpu.memory_space<semaphore_mem>>) {add = true}
      %dma_wait3A_76 = arith.constant 0 : i32
      %dma_wait3A_77 = tpu.memref_slice %arg6[%mul3A_62, %dma_wait3A_76] : memref<128x80xi32, #tpu.memory_space<vmem>> -> memref<1x80xi32, #tpu.memory_space<vmem>>
      %dma_wait3A_78 = tpu.memref_squeeze %dma_wait3A_77 : memref<1x80xi32, #tpu.memory_space<vmem>> -> memref<80xi32, #tpu.memory_space<vmem>>
      %dma_wait3A_79 = arith.constant 0 : i32
      %dma_wait3A_80 = arith.constant 0 : i32
      %dma_wait3A_81 = tpu.memref_slice %arg9[%dma_wait3A_79, %dma_wait3A_80] : memref<10000x128xf32, #tpu.memory_space<vmem_shared>> -> memref<10000x128xf32, #tpu.memory_space<vmem_shared>>
      tpu.wait_indirect_dma semaphore(%arg12 : memref<!tpu.dma_semaphore, #tpu.memory_space<semaphore_mem>>) src(%arg7 : memref<80x128xf32, #tpu.memory_space<vmem>>) dst(%dma_wait3A_81 : memref<10000x128xf32, #tpu.memory_space<vmem_shared>>)
      %add3A_82 = arith.constant 2 : i32
      %add3A_83 = arith.addi %mul3A_62, %add3A_82 : i32
      %lt3A_84 = arith.constant 125 : i32
      %lt3A_85 = arith.cmpi slt, %add3A_83, %lt3A_84 : i32
      %convert_element_type3A_86 = arith.extui %lt3A_85 : i1 to i32
      %cond3A_87 = arith.constant 0 : i32
      %cond3A_88 = arith.cmpi ne, %convert_element_type3A_86, %cond3A_87 : i32
      scf.if %cond3A_88 {
        %add3A_119 = arith.constant 2 : i32
        %add3A_120 = arith.addi %mul3A_62, %add3A_119 : i32
        %mul3A_121 = arith.constant 80 : i32
        %mul3A_122 = arith.muli %add3A_120, %mul3A_121 : i32
        %add3A_123 = arith.addi %mul3A_4, %mul3A_122 : i32
        %dma_start3A_124 = arith.constant 0 : i32
        %dma_start3A_125 = tpu.memref_slice %arg2[%add3A_123, %dma_start3A_124] : memref<320000x128xf32, #tpu.memory_space<hbm>> -> memref<80x128xf32, #tpu.memory_space<hbm>>
        %dma_start3A_126 = arith.constant 0 : i32
        %dma_start3A_127 = tpu.memref_slice %arg2[%add3A_123, %dma_start3A_126] : memref<320000x128xf32, #tpu.memory_space<hbm>> -> memref<80x128xf32, #tpu.memory_space<hbm>>
        tpu.enqueue_dma source(%dma_start3A_127 : memref<80x128xf32, #tpu.memory_space<hbm>>) target(%arg7 : memref<80x128xf32, #tpu.memory_space<vmem>>) target_semaphore(%arg10 : memref<!tpu.dma_semaphore, #tpu.memory_space<semaphore_mem>>)
      } else {
      }
      %mul3A_89 = arith.constant 2 : i32
      %mul3A_90 = arith.muli %mul3A_89, %add3A_60 : i32
      %add3A_91 = arith.constant 1 : i32
      %add3A_92 = arith.addi %mul3A_90, %add3A_91 : i32
      %mul3A_93 = arith.constant 80 : i32
      %mul3A_94 = arith.muli %add3A_92, %mul3A_93 : i32
      %add3A_95 = arith.addi %mul3A_4, %mul3A_94 : i32
      %dma_wait3A_96 = arith.constant 0 : i32
      %dma_wait3A_97 = tpu.memref_slice %arg2[%add3A_95, %dma_wait3A_96] : memref<320000x128xf32, #tpu.memory_space<hbm>> -> memref<80x128xf32, #tpu.memory_space<hbm>>
      %dma_wait3A_98 = arith.constant 0 : i32
      %dma_wait3A_99 = tpu.memref_slice %arg2[%add3A_95, %dma_wait3A_98] : memref<320000x128xf32, #tpu.memory_space<hbm>> -> memref<80x128xf32, #tpu.memory_space<hbm>>
      tpu.wait_dma2 semaphore(%arg11 : memref<!tpu.dma_semaphore, #tpu.memory_space<semaphore_mem>>) src(%dma_wait3A_99 : memref<80x128xf32, #tpu.memory_space<hbm>>) dst(%arg8 : memref<80x128xf32, #tpu.memory_space<vmem>>)
      %dma_start3A_100 = arith.constant 0 : i32
      %dma_start3A_101 = tpu.memref_slice %arg6[%add3A_92, %dma_start3A_100] : memref<128x80xi32, #tpu.memory_space<vmem>> -> memref<1x80xi32, #tpu.memory_space<vmem>>
      %dma_start3A_102 = tpu.memref_squeeze %dma_start3A_101 : memref<1x80xi32, #tpu.memory_space<vmem>> -> memref<80xi32, #tpu.memory_space<vmem>>
      %dma_start3A_103 = arith.constant 0 : i32
      %dma_start3A_104 = arith.constant 0 : i32
      %dma_start3A_105 = tpu.memref_slice %arg9[%dma_start3A_103, %dma_start3A_104] : memref<10000x128xf32, #tpu.memory_space<vmem_shared>> -> memref<10000x128xf32, #tpu.memory_space<vmem_shared>>
      tpu.enqueue_indirect_dma source(%arg8 : memref<80x128xf32, #tpu.memory_space<vmem>>) target(%dma_start3A_105 : memref<10000x128xf32, #tpu.memory_space<vmem_shared>>) offsets(%dma_start3A_102 : memref<80xi32, #tpu.memory_space<vmem>>) semaphore(%arg13 : memref<!tpu.dma_semaphore, #tpu.memory_space<semaphore_mem>>) {add = true}
      %dma_wait3A_106 = arith.constant 0 : i32
      %dma_wait3A_107 = tpu.memref_slice %arg6[%add3A_92, %dma_wait3A_106] : memref<128x80xi32, #tpu.memory_space<vmem>> -> memref<1x80xi32, #tpu.memory_space<vmem>>
      %dma_wait3A_108 = tpu.memref_squeeze %dma_wait3A_107 : memref<1x80xi32, #tpu.memory_space<vmem>> -> memref<80xi32, #tpu.memory_space<vmem>>
      %dma_wait3A_109 = arith.constant 0 : i32
      %dma_wait3A_110 = arith.constant 0 : i32
      %dma_wait3A_111 = tpu.memref_slice %arg9[%dma_wait3A_109, %dma_wait3A_110] : memref<10000x128xf32, #tpu.memory_space<vmem_shared>> -> memref<10000x128xf32, #tpu.memory_space<vmem_shared>>
      tpu.wait_indirect_dma semaphore(%arg13 : memref<!tpu.dma_semaphore, #tpu.memory_space<semaphore_mem>>) src(%arg8 : memref<80x128xf32, #tpu.memory_space<vmem>>) dst(%dma_wait3A_111 : memref<10000x128xf32, #tpu.memory_space<vmem_shared>>)
      %add3A_112 = arith.constant 2 : i32
      %add3A_113 = arith.addi %add3A_92, %add3A_112 : i32
      %lt3A_114 = arith.constant 125 : i32
      %lt3A_115 = arith.cmpi slt, %add3A_113, %lt3A_114 : i32
      %convert_element_type3A_116 = arith.extui %lt3A_115 : i1 to i32
      %cond3A_117 = arith.constant 0 : i32
      %cond3A_118 = arith.cmpi ne, %convert_element_type3A_116, %cond3A_117 : i32
      scf.if %cond3A_118 {
        %add3A_119 = arith.constant 2 : i32
        %add3A_120 = arith.addi %add3A_92, %add3A_119 : i32
        %mul3A_121 = arith.constant 80 : i32
        %mul3A_122 = arith.muli %add3A_120, %mul3A_121 : i32
        %add3A_123 = arith.addi %mul3A_4, %mul3A_122 : i32
        %dma_start3A_124 = arith.constant 0 : i32
        %dma_start3A_125 = tpu.memref_slice %arg2[%add3A_123, %dma_start3A_124] : memref<320000x128xf32, #tpu.memory_space<hbm>> -> memref<80x128xf32, #tpu.memory_space<hbm>>
        %dma_start3A_126 = arith.constant 0 : i32
        %dma_start3A_127 = tpu.memref_slice %arg2[%add3A_123, %dma_start3A_126] : memref<320000x128xf32, #tpu.memory_space<hbm>> -> memref<80x128xf32, #tpu.memory_space<hbm>>
        tpu.enqueue_dma source(%dma_start3A_127 : memref<80x128xf32, #tpu.memory_space<hbm>>) target(%arg8 : memref<80x128xf32, #tpu.memory_space<vmem>>) target_semaphore(%arg11 : memref<!tpu.dma_semaphore, #tpu.memory_space<semaphore_mem>>)
      } else {
      }
    }
    %scan3A_25 = arith.constant 62 : i32
    %add3A_26 = arith.constant 9920 : i32
    %add3A_27 = arith.addi %mul3A_4, %add3A_26 : i32
    %dma_wait3A = arith.constant 0 : i32
    %dma_wait3A_28 = tpu.memref_slice %arg2[%add3A_27, %dma_wait3A] : memref<320000x128xf32, #tpu.memory_space<hbm>> -> memref<80x128xf32, #tpu.memory_space<hbm>>
    %dma_wait3A_29 = arith.constant 0 : i32
    %dma_wait3A_30 = tpu.memref_slice %arg2[%add3A_27, %dma_wait3A_29] : memref<320000x128xf32, #tpu.memory_space<hbm>> -> memref<80x128xf32, #tpu.memory_space<hbm>>
    tpu.wait_dma2 semaphore(%arg10 : memref<!tpu.dma_semaphore, #tpu.memory_space<semaphore_mem>>) src(%dma_wait3A_30 : memref<80x128xf32, #tpu.memory_space<hbm>>) dst(%arg7 : memref<80x128xf32, #tpu.memory_space<vmem>>)
    %dma_start3A_31 = arith.constant 124 : i32
    %dma_start3A_32 = arith.constant 0 : i32
    %dma_start3A_33 = tpu.memref_slice %arg6[%dma_start3A_31, %dma_start3A_32] : memref<128x80xi32, #tpu.memory_space<vmem>> -> memref<1x80xi32, #tpu.memory_space<vmem>>
    %dma_start3A_34 = tpu.memref_squeeze %dma_start3A_33 : memref<1x80xi32, #tpu.memory_space<vmem>> -> memref<80xi32, #tpu.memory_space<vmem>>
    %dma_start3A_35 = arith.constant 0 : i32
    %dma_start3A_36 = arith.constant 0 : i32
    %dma_start3A_37 = tpu.memref_slice %arg9[%dma_start3A_35, %dma_start3A_36] : memref<10000x128xf32, #tpu.memory_space<vmem_shared>> -> memref<10000x128xf32, #tpu.memory_space<vmem_shared>>
    tpu.enqueue_indirect_dma source(%arg7 : memref<80x128xf32, #tpu.memory_space<vmem>>) target(%dma_start3A_37 : memref<10000x128xf32, #tpu.memory_space<vmem_shared>>) offsets(%dma_start3A_34 : memref<80xi32, #tpu.memory_space<vmem>>) semaphore(%arg12 : memref<!tpu.dma_semaphore, #tpu.memory_space<semaphore_mem>>) {add = true}
    %dma_wait3A_38 = arith.constant 124 : i32
    %dma_wait3A_39 = arith.constant 0 : i32
    %dma_wait3A_40 = tpu.memref_slice %arg6[%dma_wait3A_38, %dma_wait3A_39] : memref<128x80xi32, #tpu.memory_space<vmem>> -> memref<1x80xi32, #tpu.memory_space<vmem>>
    %dma_wait3A_41 = tpu.memref_squeeze %dma_wait3A_40 : memref<1x80xi32, #tpu.memory_space<vmem>> -> memref<80xi32, #tpu.memory_space<vmem>>
    %dma_wait3A_42 = arith.constant 0 : i32
    %dma_wait3A_43 = arith.constant 0 : i32
    %dma_wait3A_44 = tpu.memref_slice %arg9[%dma_wait3A_42, %dma_wait3A_43] : memref<10000x128xf32, #tpu.memory_space<vmem_shared>> -> memref<10000x128xf32, #tpu.memory_space<vmem_shared>>
    tpu.wait_indirect_dma semaphore(%arg12 : memref<!tpu.dma_semaphore, #tpu.memory_space<semaphore_mem>>) src(%arg7 : memref<80x128xf32, #tpu.memory_space<vmem>>) dst(%dma_wait3A_44 : memref<10000x128xf32, #tpu.memory_space<vmem_shared>>)
    %barrier3A_45 = arith.constant 0 : index
    tpu.barrier barrier_id(%barrier3A_45)
    %lt3A_46 = arith.constant 15 : i32
    %lt3A_47 = arith.cmpi slt, %arg1, %lt3A_46 : i32
    %convert_element_type3A_48 = arith.extui %lt3A_47 : i1 to i32
    %cond3A_49 = arith.constant 0 : i32
    %cond3A_50 = arith.cmpi ne, %convert_element_type3A_48, %cond3A_49 : i32
    scf.if %cond3A_50 {
      %mul3A_56 = arith.constant 624 : i32
      %mul3A_57 = arith.muli %arg1, %mul3A_56 : i32
      %mul3A_58 = arith.constant 624 : i32
      %mul3A_59 = arith.muli %arg1, %mul3A_58 : i32
      "tpu.region"() ({
        %run_scoped3A = tpu.sem_alloc : memref<!tpu.dma_semaphore, #tpu.memory_space<semaphore_mem>>
        %dma_start3A_60 = arith.constant 0 : i32
        %dma_start3A_61 = tpu.memref_slice %arg5[%arg0, %mul3A_59, %dma_start3A_60] : memref<2x10000x128xf32, #tpu.memory_space<hbm>> -> memref<1x624x128xf32, #tpu.memory_space<hbm>>
        %dma_start3A_62 = tpu.memref_squeeze %dma_start3A_61 : memref<1x624x128xf32, #tpu.memory_space<hbm>> -> memref<624x128xf32, #tpu.memory_space<hbm>>
        %dma_start3A_63 = arith.constant 0 : i32
        %dma_start3A_64 = tpu.memref_slice %arg9[%mul3A_57, %dma_start3A_63] : memref<10000x128xf32, #tpu.memory_space<vmem_shared>> -> memref<624x128xf32, #tpu.memory_space<vmem_shared>>
        tpu.enqueue_dma source(%dma_start3A_64 : memref<624x128xf32, #tpu.memory_space<vmem_shared>>) target(%dma_start3A_62 : memref<624x128xf32, #tpu.memory_space<hbm>>) target_semaphore(%run_scoped3A : memref<!tpu.dma_semaphore, #tpu.memory_space<semaphore_mem>>)
        %dma_wait3A_65 = arith.constant 0 : i32
        %dma_wait3A_66 = tpu.memref_slice %arg5[%arg0, %mul3A_59, %dma_wait3A_65] : memref<2x10000x128xf32, #tpu.memory_space<hbm>> -> memref<1x624x128xf32, #tpu.memory_space<hbm>>
        %dma_wait3A_67 = tpu.memref_squeeze %dma_wait3A_66 : memref<1x624x128xf32, #tpu.memory_space<hbm>> -> memref<624x128xf32, #tpu.memory_space<hbm>>
        %dma_wait3A_68 = arith.constant 0 : i32
        %dma_wait3A_69 = tpu.memref_slice %arg9[%mul3A_57, %dma_wait3A_68] : memref<10000x128xf32, #tpu.memory_space<vmem_shared>> -> memref<624x128xf32, #tpu.memory_space<vmem_shared>>
        tpu.wait_dma2 semaphore(%run_scoped3A : memref<!tpu.dma_semaphore, #tpu.memory_space<semaphore_mem>>) src(%dma_wait3A_69 : memref<624x128xf32, #tpu.memory_space<vmem_shared>>) dst(%dma_wait3A_67 : memref<624x128xf32, #tpu.memory_space<hbm>>)
        tpu.yield
      }) : () -> ()
    } else {
    }
    %eq3A_51 = arith.constant 15 : i32
    %eq3A_52 = arith.cmpi eq, %arg1, %eq3A_51 : i32
    %convert_element_type3A_53 = arith.extui %eq3A_52 : i1 to i32
    %cond3A_54 = arith.constant 0 : i32
    %cond3A_55 = arith.cmpi ne, %convert_element_type3A_53, %cond3A_54 : i32
    scf.if %cond3A_55 {
      "tpu.region"() ({
        %run_scoped3A = tpu.sem_alloc : memref<!tpu.dma_semaphore, #tpu.memory_space<semaphore_mem>>
        %dma_start3A_56 = arith.constant 9360 : i32
        %dma_start3A_57 = arith.constant 0 : i32
        %dma_start3A_58 = tpu.memref_slice %arg5[%arg0, %dma_start3A_56, %dma_start3A_57] : memref<2x10000x128xf32, #tpu.memory_space<hbm>> -> memref<1x640x128xf32, #tpu.memory_space<hbm>>
        %dma_start3A_59 = tpu.memref_squeeze %dma_start3A_58 : memref<1x640x128xf32, #tpu.memory_space<hbm>> -> memref<640x128xf32, #tpu.memory_space<hbm>>
        %dma_start3A_60 = arith.constant 9360 : i32
        %dma_start3A_61 = arith.constant 0 : i32
        %dma_start3A_62 = tpu.memref_slice %arg9[%dma_start3A_60, %dma_start3A_61] : memref<10000x128xf32, #tpu.memory_space<vmem_shared>> -> memref<640x128xf32, #tpu.memory_space<vmem_shared>>
        tpu.enqueue_dma source(%dma_start3A_62 : memref<640x128xf32, #tpu.memory_space<vmem_shared>>) target(%dma_start3A_59 : memref<640x128xf32, #tpu.memory_space<hbm>>) target_semaphore(%run_scoped3A : memref<!tpu.dma_semaphore, #tpu.memory_space<semaphore_mem>>)
        %dma_wait3A_63 = arith.constant 9360 : i32
        %dma_wait3A_64 = arith.constant 0 : i32
        %dma_wait3A_65 = tpu.memref_slice %arg5[%arg0, %dma_wait3A_63, %dma_wait3A_64] : memref<2x10000x128xf32, #tpu.memory_space<hbm>> -> memref<1x640x128xf32, #tpu.memory_space<hbm>>
        %dma_wait3A_66 = tpu.memref_squeeze %dma_wait3A_65 : memref<1x640x128xf32, #tpu.memory_space<hbm>> -> memref<640x128xf32, #tpu.memory_space<hbm>>
        %dma_wait3A_67 = arith.constant 9360 : i32
        %dma_wait3A_68 = arith.constant 0 : i32
        %dma_wait3A_69 = tpu.memref_slice %arg9[%dma_wait3A_67, %dma_wait3A_68] : memref<10000x128xf32, #tpu.memory_space<vmem_shared>> -> memref<640x128xf32, #tpu.memory_space<vmem_shared>>
        tpu.wait_dma2 semaphore(%run_scoped3A : memref<!tpu.dma_semaphore, #tpu.memory_space<semaphore_mem>>) src(%dma_wait3A_69 : memref<640x128xf32, #tpu.memory_space<vmem_shared>>) dst(%dma_wait3A_66 : memref<640x128xf32, #tpu.memory_space<hbm>>)
        tpu.yield
      }) : () -> ()
    } else {
    }
    return
  }
}

module attributes {stable_mosaic.version = 14 : i64} {
  func.func @_prep_body(%arg0: i32, %arg1: memref<2000x1xi32, #tpu.memory_space<vmem>>, %arg2: memref<32x128xf32, #tpu.memory_space<vmem>>, %arg3: memref<128x128xf32, #tpu.memory_space<vmem>>, %arg4: memref<128x128xf32, #tpu.memory_space<vmem>>, %arg5: memref<2000x128xf32, #tpu.memory_space<vmem>>, %arg6: memref<2000x128xf32, #tpu.memory_space<vmem>>, %arg7: memref<2000x128xf32, #tpu.memory_space<vmem>>) attributes {dimension_semantics = [#tpu.dimension_semantics<arbitrary>], iteration_bounds = array<i64: 5>, scalar_prefetch = 0 : i64, scratch_operands = 0 : i64, tpu.core_type = #tpu.core_type<tc>, window_params = [{transform_indices = @transform_0, window_bounds = array<i64: 2000, 1>}, {pipeline_mode = #tpu.pipeline_mode<synchronous>, transform_indices = @transform_1, window_bounds = array<i64: 32, 128>}, {pipeline_mode = #tpu.pipeline_mode<synchronous>, transform_indices = @transform_2, window_bounds = array<i64: 128, 128>}, {pipeline_mode = #tpu.pipeline_mode<synchronous>, transform_indices = @transform_3, window_bounds = array<i64: 128, 128>}, {transform_indices = @transform_4, window_bounds = array<i64: 2000, 128>}, {transform_indices = @transform_5, window_bounds = array<i64: 2000, 128>}, {transform_indices = @transform_6, window_bounds = array<i64: 2000, 128>}]} {
    %iota3A = tpu.iota {dimensions = array<i32: 1>} : vector<2000x32xi32>
    %get3A = arith.constant 0 : index
    %get3A_0 = arith.constant 0 : index
    %get3A_1 = vector.load %arg1[%get3A, %get3A_0] : memref<2000x1xi32, #tpu.memory_space<vmem>>, vector<2000x1xi32>
    %eq3A = vector.broadcast %get3A_1 : vector<2000x1xi32> to vector<2000x32xi32>
    %eq3A_2 = arith.cmpi eq, %eq3A, %iota3A : vector<2000x32xi32>
    %convert_element_type3A = arith.extui %eq3A_2 : vector<2000x32xi1> to vector<2000x32xi32>
    %convert_element_type3A_3 = arith.sitofp %convert_element_type3A : vector<2000x32xi32> to vector<2000x32xf32>
    %get3A_4 = arith.constant 0 : index
    %get3A_5 = arith.constant 0 : index
    %get3A_6 = vector.load %arg2[%get3A_4, %get3A_5] : memref<32x128xf32, #tpu.memory_space<vmem>>, vector<32x128xf32>
    %dot_general3A = arith.constant dense<0.000000e+00> : vector<2000x128xf32>
    %dot_general3A_7 = tpu.matmul %convert_element_type3A_3, %get3A_6, %dot_general3A {dimension_numbers = #tpu.dot_dimension_numbers<[1], [0], [0], [1], [0, 0, 1, 1], [], []>, precision = #tpu.contract_precision<fp32>, transpose_lhs_hint = false} : vector<2000x32xf32>, vector<32x128xf32>, vector<2000x128xf32> -> vector<2000x128xf32>
    %swap3A = arith.constant 0 : index
    %swap3A_8 = arith.constant 0 : index
    %swap3A_9 = vector.load %arg5[%swap3A, %swap3A_8] : memref<2000x128xf32, #tpu.memory_space<vmem>>, vector<2000x128xf32>
    tpu.vector_store %arg5[%swap3A, %swap3A_8], %dot_general3A_7 {strides = array<i32>} : memref<2000x128xf32, #tpu.memory_space<vmem>>, vector<2000x128xf32>,
    %get3A_10 = arith.constant 0 : index
    %get3A_11 = arith.constant 0 : index
    %get3A_12 = vector.load %arg3[%get3A_10, %get3A_11] : memref<128x128xf32, #tpu.memory_space<vmem>>, vector<128x128xf32>
    %dot_general3A_13 = arith.constant dense<0.000000e+00> : vector<2000x128xf32>
    %dot_general3A_14 = tpu.matmul %dot_general3A_7, %get3A_12, %dot_general3A_13 {dimension_numbers = #tpu.dot_dimension_numbers<[1], [0], [0], [1], [0, 0, 1, 1], [], []>, precision = #tpu.contract_precision<fp32>, transpose_lhs_hint = false} : vector<2000x128xf32>, vector<128x128xf32>, vector<2000x128xf32> -> vector<2000x128xf32>
    %swap3A_15 = arith.constant 0 : index
    %swap3A_16 = arith.constant 0 : index
    %swap3A_17 = vector.load %arg6[%swap3A_15, %swap3A_16] : memref<2000x128xf32, #tpu.memory_space<vmem>>, vector<2000x128xf32>
    tpu.vector_store %arg6[%swap3A_15, %swap3A_16], %dot_general3A_14 {strides = array<i32>} : memref<2000x128xf32, #tpu.memory_space<vmem>>, vector<2000x128xf32>,
    %get3A_18 = arith.constant 0 : index
    %get3A_19 = arith.constant 0 : index
    %get3A_20 = vector.load %arg4[%get3A_18, %get3A_19] : memref<128x128xf32, #tpu.memory_space<vmem>>, vector<128x128xf32>
    %dot_general3A_21 = arith.constant dense<0.000000e+00> : vector<2000x128xf32>
    %dot_general3A_22 = tpu.matmul %dot_general3A_7, %get3A_20, %dot_general3A_21 {dimension_numbers = #tpu.dot_dimension_numbers<[1], [0], [0], [1], [0, 0, 1, 1], [], []>, precision = #tpu.contract_precision<fp32>, transpose_lhs_hint = false} : vector<2000x128xf32>, vector<128x128xf32>, vector<2000x128xf32> -> vector<2000x128xf32>
    %swap3A_23 = arith.constant 0 : index
    %swap3A_24 = arith.constant 0 : index
    %swap3A_25 = vector.load %arg7[%swap3A_23, %swap3A_24] : memref<2000x128xf32, #tpu.memory_space<vmem>>, vector<2000x128xf32>
    tpu.vector_store %arg7[%swap3A_23, %swap3A_24], %dot_general3A_22 {strides = array<i32>} : memref<2000x128xf32, #tpu.memory_space<vmem>>, vector<2000x128xf32>,
    return
  }
  func.func @transform_0(%arg0: i32) -> (i32, i32) {
    %c0_i32 = arith.constant 0 : i32
    %c0_i32_0 = arith.constant 0 : i32
    return %arg0, %c0_i32 : i32, i32
  }
  func.func @transform_1(%arg0: i32) -> (i32, i32) {
    %c0_i32 = arith.constant 0 : i32
    %c0_i32_0 = arith.constant 0 : i32
    %c0_i32_1 = arith.constant 0 : i32
    return %c0_i32, %c0_i32_0 : i32, i32
  }
  func.func @transform_2(%arg0: i32) -> (i32, i32) {
    %c0_i32 = arith.constant 0 : i32
    %c0_i32_0 = arith.constant 0 : i32
    %c0_i32_1 = arith.constant 0 : i32
    return %c0_i32, %c0_i32_0 : i32, i32
  }
  func.func @transform_3(%arg0: i32) -> (i32, i32) {
    %c0_i32 = arith.constant 0 : i32
    %c0_i32_0 = arith.constant 0 : i32
    %c0_i32_1 = arith.constant 0 : i32
    return %c0_i32, %c0_i32_0 : i32, i32
  }
  func.func @transform_4(%arg0: i32) -> (i32, i32) {
    %c0_i32 = arith.constant 0 : i32
    %c0_i32_0 = arith.constant 0 : i32
    return %arg0, %c0_i32 : i32, i32
  }
  func.func @transform_5(%arg0: i32) -> (i32, i32) {
    %c0_i32 = arith.constant 0 : i32
    %c0_i32_0 = arith.constant 0 : i32
    return %arg0, %c0_i32 : i32, i32
  }
  func.func @transform_6(%arg0: i32) -> (i32, i32) {
    %c0_i32 = arith.constant 0 : i32
    %c0_i32_0 = arith.constant 0 : i32
    return %arg0, %c0_i32 : i32, i32
  }
}

module attributes {stable_mosaic.version = 14 : i64} {
  func.func @_edge_body(%arg0: i32, %arg1: memref<4000x128xf32, #tpu.memory_space<vmem>>, %arg2: memref<4000x128xf32, #tpu.memory_space<vmem>>, %arg3: memref<4000x1xf32, #tpu.memory_space<vmem>>, %arg4: memref<1x128xf32, #tpu.memory_space<vmem>>, %arg5: memref<1x128xf32, #tpu.memory_space<vmem>>, %arg6: memref<128x128xf32, #tpu.memory_space<vmem>>, %arg7: memref<1x128xf32, #tpu.memory_space<vmem>>, %arg8: memref<1x128xf32, #tpu.memory_space<vmem>>, %arg9: memref<1x1xf32, #tpu.memory_space<smem>>, %arg10: memref<4000x128xf32, #tpu.memory_space<vmem>>) attributes {dimension_semantics = [#tpu.dimension_semantics<arbitrary>], iteration_bounds = array<i64: 80>, scalar_prefetch = 0 : i64, scratch_operands = 0 : i64, tpu.core_type = #tpu.core_type<tc>, window_params = [{transform_indices = @transform_0, window_bounds = array<i64: 4000, 128>}, {transform_indices = @transform_1, window_bounds = array<i64: 4000, 128>}, {transform_indices = @transform_2, window_bounds = array<i64: 4000, 1>}, {pipeline_mode = #tpu.pipeline_mode<synchronous>, transform_indices = @transform_3, window_bounds = array<i64: 1, 128>}, {pipeline_mode = #tpu.pipeline_mode<synchronous>, transform_indices = @transform_4, window_bounds = array<i64: 1, 128>}, {pipeline_mode = #tpu.pipeline_mode<synchronous>, transform_indices = @transform_5, window_bounds = array<i64: 128, 128>}, {pipeline_mode = #tpu.pipeline_mode<synchronous>, transform_indices = @transform_6, window_bounds = array<i64: 1, 128>}, {pipeline_mode = #tpu.pipeline_mode<synchronous>, transform_indices = @transform_7, window_bounds = array<i64: 1, 128>}, {transform_indices = @transform_8, window_bounds = array<i64: 1, 1>}, {transform_indices = @transform_9, window_bounds = array<i64: 4000, 128>}]} {
    %get3A = arith.constant 0 : index
    %get3A_0 = arith.constant 0 : index
    %get3A_1 = vector.load %arg1[%get3A, %get3A_0] : memref<4000x128xf32, #tpu.memory_space<vmem>>, vector<4000x128xf32>
    %get3A_2 = arith.constant 0 : index
    %get3A_3 = arith.constant 0 : index
    %get3A_4 = vector.load %arg2[%get3A_2, %get3A_3] : memref<4000x128xf32, #tpu.memory_space<vmem>>, vector<4000x128xf32>
    %add3A = arith.addf %get3A_1, %get3A_4 : vector<4000x128xf32>
    %get3A_5 = arith.constant 0 : index
    %get3A_6 = arith.constant 0 : index
    %get3A_7 = vector.load %arg3[%get3A_5, %get3A_6] : memref<4000x1xf32, #tpu.memory_space<vmem>>, vector<4000x1xf32>
    %get3A_8 = arith.constant 0 : index
    %get3A_9 = arith.constant 0 : index
    %get3A_10 = vector.load %arg4[%get3A_8, %get3A_9] : memref<1x128xf32, #tpu.memory_space<vmem>>, vector<1x128xf32>
    %mul3A = vector.broadcast %get3A_7 : vector<4000x1xf32> to vector<4000x128xf32>
    %mul3A_11 = vector.broadcast %get3A_10 : vector<1x128xf32> to vector<4000x128xf32>
    %mul3A_12 = arith.mulf %mul3A, %mul3A_11 : vector<4000x128xf32>
    %add3A_13 = arith.addf %add3A, %mul3A_12 : vector<4000x128xf32>
    %get3A_14 = arith.constant 0 : index
    %get3A_15 = arith.constant 0 : index
    %get3A_16 = vector.load %arg5[%get3A_14, %get3A_15] : memref<1x128xf32, #tpu.memory_space<vmem>>, vector<1x128xf32>
    %add3A_17 = vector.broadcast %get3A_16 : vector<1x128xf32> to vector<4000x128xf32>
    %add3A_18 = arith.addf %add3A_13, %add3A_17 : vector<4000x128xf32>
    %logistic3A = arith.negf %add3A_18 : vector<4000x128xf32>
    %logistic3A_19 = math.exp %logistic3A : vector<4000x128xf32>
    %logistic3A_20 = arith.constant 1.000000e+00 : f32
    %logistic3A_21 = vector.broadcast %logistic3A_20 : f32 to vector<4000x128xf32>
    %logistic3A_22 = arith.addf %logistic3A_21, %logistic3A_19 : vector<4000x128xf32>
    %logistic3A_23 = arith.divf %logistic3A_21, %logistic3A_22 : vector<4000x128xf32>
    %mul3A_24 = arith.mulf %add3A_18, %logistic3A_23 : vector<4000x128xf32>
    %get3A_25 = arith.constant 0 : index
    %get3A_26 = arith.constant 0 : index
    %get3A_27 = vector.load %arg6[%get3A_25, %get3A_26] : memref<128x128xf32, #tpu.memory_space<vmem>>, vector<128x128xf32>
    %dot_general3A = arith.constant dense<0.000000e+00> : vector<4000x128xf32>
    %dot_general3A_28 = tpu.matmul %mul3A_24, %get3A_27, %dot_general3A {dimension_numbers = #tpu.dot_dimension_numbers<[1], [0], [0], [1], [0, 0, 1, 1], [], []>, precision = #tpu.contract_precision<fp32>, transpose_lhs_hint = false} : vector<4000x128xf32>, vector<128x128xf32>, vector<4000x128xf32> -> vector<4000x128xf32>
    %get3A_29 = arith.constant 0 : index
    %get3A_30 = arith.constant 0 : index
    %get3A_31 = vector.load %arg7[%get3A_29, %get3A_30] : memref<1x128xf32, #tpu.memory_space<vmem>>, vector<1x128xf32>
    %add3A_32 = vector.broadcast %get3A_31 : vector<1x128xf32> to vector<4000x128xf32>
    %add3A_33 = arith.addf %dot_general3A_28, %add3A_32 : vector<4000x128xf32>
    %logistic3A_34 = arith.negf %add3A_33 : vector<4000x128xf32>
    %logistic3A_35 = math.exp %logistic3A_34 : vector<4000x128xf32>
    %logistic3A_36 = arith.constant 1.000000e+00 : f32
    %logistic3A_37 = vector.broadcast %logistic3A_36 : f32 to vector<4000x128xf32>
    %logistic3A_38 = arith.addf %logistic3A_37, %logistic3A_35 : vector<4000x128xf32>
    %logistic3A_39 = arith.divf %logistic3A_37, %logistic3A_38 : vector<4000x128xf32>
    %mul3A_40 = arith.mulf %add3A_33, %logistic3A_39 : vector<4000x128xf32>
    %get3A_41 = arith.constant 0 : index
    %get3A_42 = arith.constant 0 : index
    %get3A_43 = vector.load %arg8[%get3A_41, %get3A_42] : memref<1x128xf32, #tpu.memory_space<vmem>>, vector<1x128xf32>
    %mul3A_44 = vector.broadcast %get3A_43 : vector<1x128xf32> to vector<4000x128xf32>
    %mul3A_45 = arith.mulf %mul3A_40, %mul3A_44 : vector<4000x128xf32>
    %reduce_sum3A = arith.constant dense<0.000000e+00> : vector<4000xf32>
    %reduce_sum3A_46 = vector.multi_reduction <add>, %mul3A_45, %reduce_sum3A [1] : vector<4000x128xf32> to vector<4000xf32>
    %broadcast_in_dim3A = vector.shape_cast %reduce_sum3A_46 : vector<4000xf32> to vector<4000x1xf32>
    %get3A_47 = arith.constant 0 : index
    %get3A_48 = arith.constant 0 : index
    %get3A_49 = memref.load %arg9[%get3A_47, %get3A_48] : memref<1x1xf32, #tpu.memory_space<smem>>
    %add3A_50 = vector.broadcast %get3A_49 : f32 to vector<4000x1xf32>
    %add3A_51 = arith.addf %broadcast_in_dim3A, %add3A_50 : vector<4000x1xf32>
    %neg3A = arith.constant 0.000000e+00 : f32
    %neg3A_52 = vector.broadcast %neg3A : f32 to vector<4000x1xf32>
    %neg3A_53 = arith.subf %neg3A_52, %add3A_51 : vector<4000x1xf32>
    %exp3A = math.exp %neg3A_53 : vector<4000x1xf32>
    %add3A_54 = arith.constant 1.000000e+00 : f32
    %add3A_55 = vector.broadcast %add3A_54 : f32 to vector<4000x1xf32>
    %add3A_56 = arith.addf %add3A_55, %exp3A : vector<4000x1xf32>
    %div3A = arith.constant 1.000000e+00 : f32
    %div3A_57 = vector.broadcast %div3A : f32 to vector<4000x1xf32>
    %div3A_58 = arith.divf %div3A_57, %add3A_56 : vector<4000x1xf32>
    %mul3A_59 = vector.broadcast %div3A_58 : vector<4000x1xf32> to vector<4000x128xf32>
    %mul3A_60 = arith.mulf %mul3A_40, %mul3A_59 : vector<4000x128xf32>
    %swap3A = arith.constant 0 : index
    %swap3A_61 = arith.constant 0 : index
    %swap3A_62 = vector.load %arg10[%swap3A, %swap3A_61] : memref<4000x128xf32, #tpu.memory_space<vmem>>, vector<4000x128xf32>
    tpu.vector_store %arg10[%swap3A, %swap3A_61], %mul3A_60 {strides = array<i32>} : memref<4000x128xf32, #tpu.memory_space<vmem>>, vector<4000x128xf32>,
    return
  }
  func.func @transform_0(%arg0: i32) -> (i32, i32) {
    %c0_i32 = arith.constant 0 : i32
    %c0_i32_0 = arith.constant 0 : i32
    return %arg0, %c0_i32 : i32, i32
  }
  func.func @transform_1(%arg0: i32) -> (i32, i32) {
    %c0_i32 = arith.constant 0 : i32
    %c0_i32_0 = arith.constant 0 : i32
    return %arg0, %c0_i32 : i32, i32
  }
  func.func @transform_2(%arg0: i32) -> (i32, i32) {
    %c0_i32 = arith.constant 0 : i32
    %c0_i32_0 = arith.constant 0 : i32
    return %arg0, %c0_i32 : i32, i32
  }
  func.func @transform_3(%arg0: i32) -> (i32, i32) {
    %c0_i32 = arith.constant 0 : i32
    %c0_i32_0 = arith.constant 0 : i32
    %c0_i32_1 = arith.constant 0 : i32
    return %c0_i32, %c0_i32_0 : i32, i32
  }
  func.func @transform_4(%arg0: i32) -> (i32, i32) {
    %c0_i32 = arith.constant 0 : i32
    %c0_i32_0 = arith.constant 0 : i32
    %c0_i32_1 = arith.constant 0 : i32
    return %c0_i32, %c0_i32_0 : i32, i32
  }
  func.func @transform_5(%arg0: i32) -> (i32, i32) {
    %c0_i32 = arith.constant 0 : i32
    %c0_i32_0 = arith.constant 0 : i32
    %c0_i32_1 = arith.constant 0 : i32
    return %c0_i32, %c0_i32_0 : i32, i32
  }
  func.func @transform_6(%arg0: i32) -> (i32, i32) {
    %c0_i32 = arith.constant 0 : i32
    %c0_i32_0 = arith.constant 0 : i32
    %c0_i32_1 = arith.constant 0 : i32
    return %c0_i32, %c0_i32_0 : i32, i32
  }
  func.func @transform_7(%arg0: i32) -> (i32, i32) {
    %c0_i32 = arith.constant 0 : i32
    %c0_i32_0 = arith.constant 0 : i32
    %c0_i32_1 = arith.constant 0 : i32
    return %c0_i32, %c0_i32_0 : i32, i32
  }
  func.func @transform_8(%arg0: i32) -> (i32, i32) {
    %c0_i32 = arith.constant 0 : i32
    %c0_i32_0 = arith.constant 0 : i32
    %c0_i32_1 = arith.constant 0 : i32
    return %c0_i32, %c0_i32_0 : i32, i32
  }
  func.func @transform_9(%arg0: i32) -> (i32, i32) {
    %c0_i32 = arith.constant 0 : i32
    %c0_i32_0 = arith.constant 0 : i32
    return %arg0, %c0_i32 : i32, i32
  }
}

module attributes {stable_mosaic.version = 14 : i64} {
  func.func @_node_body(%arg0: i32, %arg1: memref<2000x128xf32, #tpu.memory_space<vmem>>, %arg2: memref<2000x128xf32, #tpu.memory_space<vmem>>, %arg3: memref<2000x128xf32, #tpu.memory_space<vmem>>, %arg4: memref<128x128xf32, #tpu.memory_space<vmem>>, %arg5: memref<128x128xf32, #tpu.memory_space<vmem>>, %arg6: memref<1x128xf32, #tpu.memory_space<vmem>>, %arg7: memref<128x128xf32, #tpu.memory_space<vmem>>, %arg8: memref<1x128xf32, #tpu.memory_space<vmem>>, %arg9: memref<128x128xf32, #tpu.memory_space<vmem>>, %arg10: memref<128x128xf32, #tpu.memory_space<vmem>>, %arg11: memref<2000x128xf32, #tpu.memory_space<vmem>>, %arg12: memref<2000x128xf32, #tpu.memory_space<vmem>>, %arg13: memref<2000x128xf32, #tpu.memory_space<vmem>>) attributes {dimension_semantics = [#tpu.dimension_semantics<arbitrary>], iteration_bounds = array<i64: 5>, scalar_prefetch = 0 : i64, scratch_operands = 0 : i64, tpu.core_type = #tpu.core_type<tc>, window_params = [{transform_indices = @transform_0, window_bounds = array<i64: 2000, 128>}, {transform_indices = @transform_1, window_bounds = array<i64: 2000, 128>}, {transform_indices = @transform_2, window_bounds = array<i64: 2000, 128>}, {pipeline_mode = #tpu.pipeline_mode<synchronous>, transform_indices = @transform_3, window_bounds = array<i64: 128, 128>}, {pipeline_mode = #tpu.pipeline_mode<synchronous>, transform_indices = @transform_4, window_bounds = array<i64: 128, 128>}, {pipeline_mode = #tpu.pipeline_mode<synchronous>, transform_indices = @transform_5, window_bounds = array<i64: 1, 128>}, {pipeline_mode = #tpu.pipeline_mode<synchronous>, transform_indices = @transform_6, window_bounds = array<i64: 128, 128>}, {pipeline_mode = #tpu.pipeline_mode<synchronous>, transform_indices = @transform_7, window_bounds = array<i64: 1, 128>}, {pipeline_mode = #tpu.pipeline_mode<synchronous>, transform_indices = @transform_8, window_bounds = array<i64: 128, 128>}, {pipeline_mode = #tpu.pipeline_mode<synchronous>, transform_indices = @transform_9, window_bounds = array<i64: 128, 128>}, {transform_indices = @transform_10, window_bounds = array<i64: 2000, 128>}, {transform_indices = @transform_11, window_bounds = array<i64: 2000, 128>}, {transform_indices = @transform_12, window_bounds = array<i64: 2000, 128>}]} {
    %get3A = arith.constant 0 : index
    %get3A_0 = arith.constant 0 : index
    %get3A_1 = vector.load %arg2[%get3A, %get3A_0] : memref<2000x128xf32, #tpu.memory_space<vmem>>, vector<2000x128xf32>
    %get3A_2 = arith.constant 0 : index
    %get3A_3 = arith.constant 0 : index
    %get3A_4 = vector.load %arg3[%get3A_2, %get3A_3] : memref<2000x128xf32, #tpu.memory_space<vmem>>, vector<2000x128xf32>
    %add3A = arith.addf %get3A_1, %get3A_4 : vector<2000x128xf32>
    %get3A_5 = arith.constant 0 : index
    %get3A_6 = arith.constant 0 : index
    %get3A_7 = vector.load %arg1[%get3A_5, %get3A_6] : memref<2000x128xf32, #tpu.memory_space<vmem>>, vector<2000x128xf32>
    %get3A_8 = arith.constant 0 : index
    %get3A_9 = arith.constant 0 : index
    %get3A_10 = vector.load %arg4[%get3A_8, %get3A_9] : memref<128x128xf32, #tpu.memory_space<vmem>>, vector<128x128xf32>
    %dot_general3A = arith.constant dense<0.000000e+00> : vector<2000x128xf32>
    %dot_general3A_11 = tpu.matmul %get3A_7, %get3A_10, %dot_general3A {dimension_numbers = #tpu.dot_dimension_numbers<[1], [0], [0], [1], [0, 0, 1, 1], [], []>, precision = #tpu.contract_precision<fp32>, transpose_lhs_hint = false} : vector<2000x128xf32>, vector<128x128xf32>, vector<2000x128xf32> -> vector<2000x128xf32>
    %get3A_12 = arith.constant 0 : index
    %get3A_13 = arith.constant 0 : index
    %get3A_14 = vector.load %arg5[%get3A_12, %get3A_13] : memref<128x128xf32, #tpu.memory_space<vmem>>, vector<128x128xf32>
    %dot_general3A_15 = arith.constant dense<0.000000e+00> : vector<2000x128xf32>
    %dot_general3A_16 = tpu.matmul %add3A, %get3A_14, %dot_general3A_15 {dimension_numbers = #tpu.dot_dimension_numbers<[1], [0], [0], [1], [0, 0, 1, 1], [], []>, precision = #tpu.contract_precision<fp32>, transpose_lhs_hint = false} : vector<2000x128xf32>, vector<128x128xf32>, vector<2000x128xf32> -> vector<2000x128xf32>
    %add3A_17 = arith.addf %dot_general3A_11, %dot_general3A_16 : vector<2000x128xf32>
    %get3A_18 = arith.constant 0 : index
    %get3A_19 = arith.constant 0 : index
    %get3A_20 = vector.load %arg6[%get3A_18, %get3A_19] : memref<1x128xf32, #tpu.memory_space<vmem>>, vector<1x128xf32>
    %add3A_21 = vector.broadcast %get3A_20 : vector<1x128xf32> to vector<2000x128xf32>
    %add3A_22 = arith.addf %add3A_17, %add3A_21 : vector<2000x128xf32>
    %logistic3A = arith.negf %add3A_22 : vector<2000x128xf32>
    %logistic3A_23 = math.exp %logistic3A : vector<2000x128xf32>
    %logistic3A_24 = arith.constant 1.000000e+00 : f32
    %logistic3A_25 = vector.broadcast %logistic3A_24 : f32 to vector<2000x128xf32>
    %logistic3A_26 = arith.addf %logistic3A_25, %logistic3A_23 : vector<2000x128xf32>
    %logistic3A_27 = arith.divf %logistic3A_25, %logistic3A_26 : vector<2000x128xf32>
    %mul3A = arith.mulf %add3A_22, %logistic3A_27 : vector<2000x128xf32>
    %get3A_28 = arith.constant 0 : index
    %get3A_29 = arith.constant 0 : index
    %get3A_30 = vector.load %arg7[%get3A_28, %get3A_29] : memref<128x128xf32, #tpu.memory_space<vmem>>, vector<128x128xf32>
    %dot_general3A_31 = arith.constant dense<0.000000e+00> : vector<2000x128xf32>
    %dot_general3A_32 = tpu.matmul %mul3A, %get3A_30, %dot_general3A_31 {dimension_numbers = #tpu.dot_dimension_numbers<[1], [0], [0], [1], [0, 0, 1, 1], [], []>, precision = #tpu.contract_precision<fp32>, transpose_lhs_hint = false} : vector<2000x128xf32>, vector<128x128xf32>, vector<2000x128xf32> -> vector<2000x128xf32>
    %get3A_33 = arith.constant 0 : index
    %get3A_34 = arith.constant 0 : index
    %get3A_35 = vector.load %arg8[%get3A_33, %get3A_34] : memref<1x128xf32, #tpu.memory_space<vmem>>, vector<1x128xf32>
    %add3A_36 = vector.broadcast %get3A_35 : vector<1x128xf32> to vector<2000x128xf32>
    %add3A_37 = arith.addf %dot_general3A_32, %add3A_36 : vector<2000x128xf32>
    %swap3A = arith.constant 0 : index
    %swap3A_38 = arith.constant 0 : index
    %swap3A_39 = vector.load %arg11[%swap3A, %swap3A_38] : memref<2000x128xf32, #tpu.memory_space<vmem>>, vector<2000x128xf32>
    tpu.vector_store %arg11[%swap3A, %swap3A_38], %add3A_37 {strides = array<i32>} : memref<2000x128xf32, #tpu.memory_space<vmem>>, vector<2000x128xf32>,
    %get3A_40 = arith.constant 0 : index
    %get3A_41 = arith.constant 0 : index
    %get3A_42 = vector.load %arg9[%get3A_40, %get3A_41] : memref<128x128xf32, #tpu.memory_space<vmem>>, vector<128x128xf32>
    %dot_general3A_43 = arith.constant dense<0.000000e+00> : vector<2000x128xf32>
    %dot_general3A_44 = tpu.matmul %add3A_37, %get3A_42, %dot_general3A_43 {dimension_numbers = #tpu.dot_dimension_numbers<[1], [0], [0], [1], [0, 0, 1, 1], [], []>, precision = #tpu.contract_precision<fp32>, transpose_lhs_hint = false} : vector<2000x128xf32>, vector<128x128xf32>, vector<2000x128xf32> -> vector<2000x128xf32>
    %swap3A_45 = arith.constant 0 : index
    %swap3A_46 = arith.constant 0 : index
    %swap3A_47 = vector.load %arg12[%swap3A_45, %swap3A_46] : memref<2000x128xf32, #tpu.memory_space<vmem>>, vector<2000x128xf32>
    tpu.vector_store %arg12[%swap3A_45, %swap3A_46], %dot_general3A_44 {strides = array<i32>} : memref<2000x128xf32, #tpu.memory_space<vmem>>, vector<2000x128xf32>,
    %get3A_48 = arith.constant 0 : index
    %get3A_49 = arith.constant 0 : index
    %get3A_50 = vector.load %arg10[%get3A_48, %get3A_49] : memref<128x128xf32, #tpu.memory_space<vmem>>, vector<128x128xf32>
    %dot_general3A_51 = arith.constant dense<0.000000e+00> : vector<2000x128xf32>
    %dot_general3A_52 = tpu.matmul %add3A_37, %get3A_50, %dot_general3A_51 {dimension_numbers = #tpu.dot_dimension_numbers<[1], [0], [0], [1], [0, 0, 1, 1], [], []>, precision = #tpu.contract_precision<fp32>, transpose_lhs_hint = false} : vector<2000x128xf32>, vector<128x128xf32>, vector<2000x128xf32> -> vector<2000x128xf32>
    %swap3A_53 = arith.constant 0 : index
    %swap3A_54 = arith.constant 0 : index
    %swap3A_55 = vector.load %arg13[%swap3A_53, %swap3A_54] : memref<2000x128xf32, #tpu.memory_space<vmem>>, vector<2000x128xf32>
    tpu.vector_store %arg13[%swap3A_53, %swap3A_54], %dot_general3A_52 {strides = array<i32>} : memref<2000x128xf32, #tpu.memory_space<vmem>>, vector<2000x128xf32>,
    return
  }
  func.func @transform_0(%arg0: i32) -> (i32, i32) {
    %c0_i32 = arith.constant 0 : i32
    %c0_i32_0 = arith.constant 0 : i32
    return %arg0, %c0_i32 : i32, i32
  }
  func.func @transform_1(%arg0: i32) -> (i32, i32) {
    %c0_i32 = arith.constant 0 : i32
    %c0_i32_0 = arith.constant 0 : i32
    return %arg0, %c0_i32 : i32, i32
  }
  func.func @transform_2(%arg0: i32) -> (i32, i32) {
    %c0_i32 = arith.constant 0 : i32
    %c0_i32_0 = arith.constant 0 : i32
    return %arg0, %c0_i32 : i32, i32
  }
  func.func @transform_3(%arg0: i32) -> (i32, i32) {
    %c0_i32 = arith.constant 0 : i32
    %c0_i32_0 = arith.constant 0 : i32
    %c0_i32_1 = arith.constant 0 : i32
    return %c0_i32, %c0_i32_0 : i32, i32
  }
  func.func @transform_4(%arg0: i32) -> (i32, i32) {
    %c0_i32 = arith.constant 0 : i32
    %c0_i32_0 = arith.constant 0 : i32
    %c0_i32_1 = arith.constant 0 : i32
    return %c0_i32, %c0_i32_0 : i32, i32
  }
  func.func @transform_5(%arg0: i32) -> (i32, i32) {
    %c0_i32 = arith.constant 0 : i32
    %c0_i32_0 = arith.constant 0 : i32
    %c0_i32_1 = arith.constant 0 : i32
    return %c0_i32, %c0_i32_0 : i32, i32
  }
  func.func @transform_6(%arg0: i32) -> (i32, i32) {
    %c0_i32 = arith.constant 0 : i32
    %c0_i32_0 = arith.constant 0 : i32
    %c0_i32_1 = arith.constant 0 : i32
    return %c0_i32, %c0_i32_0 : i32, i32
  }
  func.func @transform_7(%arg0: i32) -> (i32, i32) {
    %c0_i32 = arith.constant 0 : i32
    %c0_i32_0 = arith.constant 0 : i32
    %c0_i32_1 = arith.constant 0 : i32
    return %c0_i32, %c0_i32_0 : i32, i32
  }
  func.func @transform_8(%arg0: i32) -> (i32, i32) {
    %c0_i32 = arith.constant 0 : i32
    %c0_i32_0 = arith.constant 0 : i32
    %c0_i32_1 = arith.constant 0 : i32
    return %c0_i32, %c0_i32_0 : i32, i32
  }
  func.func @transform_9(%arg0: i32) -> (i32, i32) {
    %c0_i32 = arith.constant 0 : i32
    %c0_i32_0 = arith.constant 0 : i32
    %c0_i32_1 = arith.constant 0 : i32
    return %c0_i32, %c0_i32_0 : i32, i32
  }
  func.func @transform_10(%arg0: i32) -> (i32, i32) {
    %c0_i32 = arith.constant 0 : i32
    %c0_i32_0 = arith.constant 0 : i32
    return %arg0, %c0_i32 : i32, i32
  }
  func.func @transform_11(%arg0: i32) -> (i32, i32) {
    %c0_i32 = arith.constant 0 : i32
    %c0_i32_0 = arith.constant 0 : i32
    return %arg0, %c0_i32 : i32, i32
  }
  func.func @transform_12(%arg0: i32) -> (i32, i32) {
    %c0_i32 = arith.constant 0 : i32
    %c0_i32_0 = arith.constant 0 : i32
    return %arg0, %c0_i32 : i32, i32
  }
}

module attributes {stable_mosaic.version = 14 : i64} {
  func.func @_node1_body(%arg0: i32, %arg1: memref<2000x128xf32, #tpu.memory_space<vmem>>, %arg2: memref<2000x128xf32, #tpu.memory_space<vmem>>, %arg3: memref<2000x128xf32, #tpu.memory_space<vmem>>, %arg4: memref<128x128xf32, #tpu.memory_space<vmem>>, %arg5: memref<128x128xf32, #tpu.memory_space<vmem>>, %arg6: memref<1x128xf32, #tpu.memory_space<vmem>>, %arg7: memref<128x128xf32, #tpu.memory_space<vmem>>, %arg8: memref<1x128xf32, #tpu.memory_space<vmem>>, %arg9: memref<128x128xf32, #tpu.memory_space<vmem>>, %arg10: memref<1x128xf32, #tpu.memory_space<vmem>>, %arg11: memref<128x128xf32, #tpu.memory_space<vmem>>, %arg12: memref<1x128xf32, #tpu.memory_space<vmem>>, %arg13: memref<2000x128xf32, #tpu.memory_space<vmem>>) attributes {dimension_semantics = [#tpu.dimension_semantics<arbitrary>], iteration_bounds = array<i64: 5>, scalar_prefetch = 0 : i64, scratch_operands = 0 : i64, tpu.core_type = #tpu.core_type<tc>, window_params = [{transform_indices = @transform_0, window_bounds = array<i64: 2000, 128>}, {transform_indices = @transform_1, window_bounds = array<i64: 2000, 128>}, {transform_indices = @transform_2, window_bounds = array<i64: 2000, 128>}, {pipeline_mode = #tpu.pipeline_mode<synchronous>, transform_indices = @transform_3, window_bounds = array<i64: 128, 128>}, {pipeline_mode = #tpu.pipeline_mode<synchronous>, transform_indices = @transform_4, window_bounds = array<i64: 128, 128>}, {pipeline_mode = #tpu.pipeline_mode<synchronous>, transform_indices = @transform_5, window_bounds = array<i64: 1, 128>}, {pipeline_mode = #tpu.pipeline_mode<synchronous>, transform_indices = @transform_6, window_bounds = array<i64: 128, 128>}, {pipeline_mode = #tpu.pipeline_mode<synchronous>, transform_indices = @transform_7, window_bounds = array<i64: 1, 128>}, {pipeline_mode = #tpu.pipeline_mode<synchronous>, transform_indices = @transform_8, window_bounds = array<i64: 128, 128>}, {pipeline_mode = #tpu.pipeline_mode<synchronous>, transform_indices = @transform_9, window_bounds = array<i64: 1, 128>}, {pipeline_mode = #tpu.pipeline_mode<synchronous>, transform_indices = @transform_10, window_bounds = array<i64: 128, 128>}, {pipeline_mode = #tpu.pipeline_mode<synchronous>, transform_indices = @transform_11, window_bounds = array<i64: 1, 128>}, {transform_indices = @transform_12, window_bounds = array<i64: 2000, 128>}]} {
    %get3A = arith.constant 0 : index
    %get3A_0 = arith.constant 0 : index
    %get3A_1 = vector.load %arg2[%get3A, %get3A_0] : memref<2000x128xf32, #tpu.memory_space<vmem>>, vector<2000x128xf32>
    %get3A_2 = arith.constant 0 : index
    %get3A_3 = arith.constant 0 : index
    %get3A_4 = vector.load %arg3[%get3A_2, %get3A_3] : memref<2000x128xf32, #tpu.memory_space<vmem>>, vector<2000x128xf32>
    %add3A = arith.addf %get3A_1, %get3A_4 : vector<2000x128xf32>
    %get3A_5 = arith.constant 0 : index
    %get3A_6 = arith.constant 0 : index
    %get3A_7 = vector.load %arg1[%get3A_5, %get3A_6] : memref<2000x128xf32, #tpu.memory_space<vmem>>, vector<2000x128xf32>
    %get3A_8 = arith.constant 0 : index
    %get3A_9 = arith.constant 0 : index
    %get3A_10 = vector.load %arg4[%get3A_8, %get3A_9] : memref<128x128xf32, #tpu.memory_space<vmem>>, vector<128x128xf32>
    %dot_general3A = arith.constant dense<0.000000e+00> : vector<2000x128xf32>
    %dot_general3A_11 = tpu.matmul %get3A_7, %get3A_10, %dot_general3A {dimension_numbers = #tpu.dot_dimension_numbers<[1], [0], [0], [1], [0, 0, 1, 1], [], []>, precision = #tpu.contract_precision<fp32>, transpose_lhs_hint = false} : vector<2000x128xf32>, vector<128x128xf32>, vector<2000x128xf32> -> vector<2000x128xf32>
    %get3A_12 = arith.constant 0 : index
    %get3A_13 = arith.constant 0 : index
    %get3A_14 = vector.load %arg5[%get3A_12, %get3A_13] : memref<128x128xf32, #tpu.memory_space<vmem>>, vector<128x128xf32>
    %dot_general3A_15 = arith.constant dense<0.000000e+00> : vector<2000x128xf32>
    %dot_general3A_16 = tpu.matmul %add3A, %get3A_14, %dot_general3A_15 {dimension_numbers = #tpu.dot_dimension_numbers<[1], [0], [0], [1], [0, 0, 1, 1], [], []>, precision = #tpu.contract_precision<fp32>, transpose_lhs_hint = false} : vector<2000x128xf32>, vector<128x128xf32>, vector<2000x128xf32> -> vector<2000x128xf32>
    %add3A_17 = arith.addf %dot_general3A_11, %dot_general3A_16 : vector<2000x128xf32>
    %get3A_18 = arith.constant 0 : index
    %get3A_19 = arith.constant 0 : index
    %get3A_20 = vector.load %arg6[%get3A_18, %get3A_19] : memref<1x128xf32, #tpu.memory_space<vmem>>, vector<1x128xf32>
    %add3A_21 = vector.broadcast %get3A_20 : vector<1x128xf32> to vector<2000x128xf32>
    %add3A_22 = arith.addf %add3A_17, %add3A_21 : vector<2000x128xf32>
    %logistic3A = arith.negf %add3A_22 : vector<2000x128xf32>
    %logistic3A_23 = math.exp %logistic3A : vector<2000x128xf32>
    %logistic3A_24 = arith.constant 1.000000e+00 : f32
    %logistic3A_25 = vector.broadcast %logistic3A_24 : f32 to vector<2000x128xf32>
    %logistic3A_26 = arith.addf %logistic3A_25, %logistic3A_23 : vector<2000x128xf32>
    %logistic3A_27 = arith.divf %logistic3A_25, %logistic3A_26 : vector<2000x128xf32>
    %mul3A = arith.mulf %add3A_22, %logistic3A_27 : vector<2000x128xf32>
    %get3A_28 = arith.constant 0 : index
    %get3A_29 = arith.constant 0 : index
    %get3A_30 = vector.load %arg7[%get3A_28, %get3A_29] : memref<128x128xf32, #tpu.memory_space<vmem>>, vector<128x128xf32>
    %dot_general3A_31 = arith.constant dense<0.000000e+00> : vector<2000x128xf32>
    %dot_general3A_32 = tpu.matmul %mul3A, %get3A_30, %dot_general3A_31 {dimension_numbers = #tpu.dot_dimension_numbers<[1], [0], [0], [1], [0, 0, 1, 1], [], []>, precision = #tpu.contract_precision<fp32>, transpose_lhs_hint = false} : vector<2000x128xf32>, vector<128x128xf32>, vector<2000x128xf32> -> vector<2000x128xf32>
    %get3A_33 = arith.constant 0 : index
    %get3A_34 = arith.constant 0 : index
    %get3A_35 = vector.load %arg8[%get3A_33, %get3A_34] : memref<1x128xf32, #tpu.memory_space<vmem>>, vector<1x128xf32>
    %add3A_36 = vector.broadcast %get3A_35 : vector<1x128xf32> to vector<2000x128xf32>
    %add3A_37 = arith.addf %dot_general3A_32, %add3A_36 : vector<2000x128xf32>
    %get3A_38 = arith.constant 0 : index
    %get3A_39 = arith.constant 0 : index
    %get3A_40 = vector.load %arg9[%get3A_38, %get3A_39] : memref<128x128xf32, #tpu.memory_space<vmem>>, vector<128x128xf32>
    %dot_general3A_41 = arith.constant dense<0.000000e+00> : vector<2000x128xf32>
    %dot_general3A_42 = tpu.matmul %add3A_37, %get3A_40, %dot_general3A_41 {dimension_numbers = #tpu.dot_dimension_numbers<[1], [0], [0], [1], [0, 0, 1, 1], [], []>, precision = #tpu.contract_precision<fp32>, transpose_lhs_hint = false} : vector<2000x128xf32>, vector<128x128xf32>, vector<2000x128xf32> -> vector<2000x128xf32>
    %get3A_43 = arith.constant 0 : index
    %get3A_44 = arith.constant 0 : index
    %get3A_45 = vector.load %arg10[%get3A_43, %get3A_44] : memref<1x128xf32, #tpu.memory_space<vmem>>, vector<1x128xf32>
    %add3A_46 = vector.broadcast %get3A_45 : vector<1x128xf32> to vector<2000x128xf32>
    %add3A_47 = arith.addf %dot_general3A_42, %add3A_46 : vector<2000x128xf32>
    %logistic3A_48 = arith.negf %add3A_47 : vector<2000x128xf32>
    %logistic3A_49 = math.exp %logistic3A_48 : vector<2000x128xf32>
    %logistic3A_50 = arith.constant 1.000000e+00 : f32
    %logistic3A_51 = vector.broadcast %logistic3A_50 : f32 to vector<2000x128xf32>
    %logistic3A_52 = arith.addf %logistic3A_51, %logistic3A_49 : vector<2000x128xf32>
    %logistic3A_53 = arith.divf %logistic3A_51, %logistic3A_52 : vector<2000x128xf32>
    %mul3A_54 = arith.mulf %add3A_47, %logistic3A_53 : vector<2000x128xf32>
    %get3A_55 = arith.constant 0 : index
    %get3A_56 = arith.constant 0 : index
    %get3A_57 = vector.load %arg11[%get3A_55, %get3A_56] : memref<128x128xf32, #tpu.memory_space<vmem>>, vector<128x128xf32>
    %dot_general3A_58 = arith.constant dense<0.000000e+00> : vector<2000x128xf32>
    %dot_general3A_59 = tpu.matmul %mul3A_54, %get3A_57, %dot_general3A_58 {dimension_numbers = #tpu.dot_dimension_numbers<[1], [0], [0], [1], [0, 0, 1, 1], [], []>, precision = #tpu.contract_precision<fp32>, transpose_lhs_hint = false} : vector<2000x128xf32>, vector<128x128xf32>, vector<2000x128xf32> -> vector<2000x128xf32>
    %get3A_60 = arith.constant 0 : index
    %get3A_61 = arith.constant 0 : index
    %get3A_62 = vector.load %arg12[%get3A_60, %get3A_61] : memref<1x128xf32, #tpu.memory_space<vmem>>, vector<1x128xf32>
    %add3A_63 = vector.broadcast %get3A_62 : vector<1x128xf32> to vector<2000x128xf32>
    %add3A_64 = arith.addf %dot_general3A_59, %add3A_63 : vector<2000x128xf32>
    %swap3A = arith.constant 0 : index
    %swap3A_65 = arith.constant 0 : index
    %swap3A_66 = vector.load %arg13[%swap3A, %swap3A_65] : memref<2000x128xf32, #tpu.memory_space<vmem>>, vector<2000x128xf32>
    tpu.vector_store %arg13[%swap3A, %swap3A_65], %add3A_64 {strides = array<i32>} : memref<2000x128xf32, #tpu.memory_space<vmem>>, vector<2000x128xf32>,
    return
  }
  func.func @transform_0(%arg0: i32) -> (i32, i32) {
    %c0_i32 = arith.constant 0 : i32
    %c0_i32_0 = arith.constant 0 : i32
    return %arg0, %c0_i32 : i32, i32
  }
  func.func @transform_1(%arg0: i32) -> (i32, i32) {
    %c0_i32 = arith.constant 0 : i32
    %c0_i32_0 = arith.constant 0 : i32
    return %arg0, %c0_i32 : i32, i32
  }
  func.func @transform_2(%arg0: i32) -> (i32, i32) {
    %c0_i32 = arith.constant 0 : i32
    %c0_i32_0 = arith.constant 0 : i32
    return %arg0, %c0_i32 : i32, i32
  }
  func.func @transform_3(%arg0: i32) -> (i32, i32) {
    %c0_i32 = arith.constant 0 : i32
    %c0_i32_0 = arith.constant 0 : i32
    %c0_i32_1 = arith.constant 0 : i32
    return %c0_i32, %c0_i32_0 : i32, i32
  }
  func.func @transform_4(%arg0: i32) -> (i32, i32) {
    %c0_i32 = arith.constant 0 : i32
    %c0_i32_0 = arith.constant 0 : i32
    %c0_i32_1 = arith.constant 0 : i32
    return %c0_i32, %c0_i32_0 : i32, i32
  }
  func.func @transform_5(%arg0: i32) -> (i32, i32) {
    %c0_i32 = arith.constant 0 : i32
    %c0_i32_0 = arith.constant 0 : i32
    %c0_i32_1 = arith.constant 0 : i32
    return %c0_i32, %c0_i32_0 : i32, i32
  }
  func.func @transform_6(%arg0: i32) -> (i32, i32) {
    %c0_i32 = arith.constant 0 : i32
    %c0_i32_0 = arith.constant 0 : i32
    %c0_i32_1 = arith.constant 0 : i32
    return %c0_i32, %c0_i32_0 : i32, i32
  }
  func.func @transform_7(%arg0: i32) -> (i32, i32) {
    %c0_i32 = arith.constant 0 : i32
    %c0_i32_0 = arith.constant 0 : i32
    %c0_i32_1 = arith.constant 0 : i32
    return %c0_i32, %c0_i32_0 : i32, i32
  }
  func.func @transform_8(%arg0: i32) -> (i32, i32) {
    %c0_i32 = arith.constant 0 : i32
    %c0_i32_0 = arith.constant 0 : i32
    %c0_i32_1 = arith.constant 0 : i32
    return %c0_i32, %c0_i32_0 : i32, i32
  }
  func.func @transform_9(%arg0: i32) -> (i32, i32) {
    %c0_i32 = arith.constant 0 : i32
    %c0_i32_0 = arith.constant 0 : i32
    %c0_i32_1 = arith.constant 0 : i32
    return %c0_i32, %c0_i32_0 : i32, i32
  }
  func.func @transform_10(%arg0: i32) -> (i32, i32) {
    %c0_i32 = arith.constant 0 : i32
    %c0_i32_0 = arith.constant 0 : i32
    %c0_i32_1 = arith.constant 0 : i32
    return %c0_i32, %c0_i32_0 : i32, i32
  }
  func.func @transform_11(%arg0: i32) -> (i32, i32) {
    %c0_i32 = arith.constant 0 : i32
    %c0_i32_0 = arith.constant 0 : i32
    %c0_i32_1 = arith.constant 0 : i32
    return %c0_i32, %c0_i32_0 : i32, i32
  }
  func.func @transform_12(%arg0: i32) -> (i32, i32) {
    %c0_i32 = arith.constant 0 : i32
    %c0_i32_0 = arith.constant 0 : i32
    return %arg0, %c0_i32 : i32, i32
  }
}

module attributes {stable_mosaic.version = 14 : i64} {
  func.func @_head_body(%arg0: i32, %arg1: memref<2000x128xf32, #tpu.memory_space<vmem>>, %arg2: memref<2000x1xi32, #tpu.memory_space<vmem>>, %arg3: memref<128x128xf32, #tpu.memory_space<vmem>>, %arg4: memref<1x128xf32, #tpu.memory_space<vmem>>, %arg5: memref<1x128xf32, #tpu.memory_space<vmem>>, %arg6: memref<1x1xf32, #tpu.memory_space<smem>>, %arg7: memref<64x1xf32, #tpu.memory_space<vmem>>, %arg8: memref<128x128xf32, #tpu.memory_space<vmem>>) attributes {dimension_semantics = [#tpu.dimension_semantics<arbitrary>], iteration_bounds = array<i64: 5>, scalar_prefetch = 0 : i64, scratch_operands = 1 : i64, tpu.core_type = #tpu.core_type<tc>, window_params = [{transform_indices = @transform_0, window_bounds = array<i64: 2000, 128>}, {transform_indices = @transform_1, window_bounds = array<i64: 2000, 1>}, {pipeline_mode = #tpu.pipeline_mode<synchronous>, transform_indices = @transform_2, window_bounds = array<i64: 128, 128>}, {pipeline_mode = #tpu.pipeline_mode<synchronous>, transform_indices = @transform_3, window_bounds = array<i64: 1, 128>}, {pipeline_mode = #tpu.pipeline_mode<synchronous>, transform_indices = @transform_4, window_bounds = array<i64: 1, 128>}, {transform_indices = @transform_5, window_bounds = array<i64: 1, 1>}, {pipeline_mode = #tpu.pipeline_mode<synchronous>, transform_indices = @transform_6, window_bounds = array<i64: 64, 1>}]} {
    %eq3A = arith.constant 0 : i32
    %eq3A_0 = arith.cmpi eq, %arg0, %eq3A : i32
    %convert_element_type3A = arith.extui %eq3A_0 : i1 to i32
    %cond3A = arith.constant 0 : i32
    %cond3A_1 = arith.cmpi ne, %convert_element_type3A, %cond3A : i32
    scf.if %cond3A_1 {
      %broadcast_in_dim3A = arith.constant 0.000000e+00 : f32
      %broadcast_in_dim3A_22 = vector.broadcast %broadcast_in_dim3A : f32 to vector<128x128xf32>
      %swap3A_23 = arith.constant 0 : index
      %swap3A_24 = arith.constant 0 : index
      %swap3A_25 = vector.load %arg8[%swap3A_23, %swap3A_24] : memref<128x128xf32, #tpu.memory_space<vmem>>, vector<128x128xf32>
      tpu.vector_store %arg8[%swap3A_23, %swap3A_24], %broadcast_in_dim3A_22 {strides = array<i32>} : memref<128x128xf32, #tpu.memory_space<vmem>>, vector<128x128xf32>,
    } else {
    }
    %iota3A = tpu.iota {dimensions = array<i32: 1>} : vector<2000x128xi32>
    %get3A = arith.constant 0 : index
    %get3A_2 = arith.constant 0 : index
    %get3A_3 = vector.load %arg2[%get3A, %get3A_2] : memref<2000x1xi32, #tpu.memory_space<vmem>>, vector<2000x1xi32>
    %eq3A_4 = vector.broadcast %get3A_3 : vector<2000x1xi32> to vector<2000x128xi32>
    %eq3A_5 = arith.cmpi eq, %eq3A_4, %iota3A : vector<2000x128xi32>
    %convert_element_type3A_6 = arith.extui %eq3A_5 : vector<2000x128xi1> to vector<2000x128xi32>
    %convert_element_type3A_7 = arith.sitofp %convert_element_type3A_6 : vector<2000x128xi32> to vector<2000x128xf32>
    %get3A_8 = arith.constant 0 : index
    %get3A_9 = arith.constant 0 : index
    %get3A_10 = vector.load %arg8[%get3A_8, %get3A_9] : memref<128x128xf32, #tpu.memory_space<vmem>>, vector<128x128xf32>
    %get3A_11 = arith.constant 0 : index
    %get3A_12 = arith.constant 0 : index
    %get3A_13 = vector.load %arg1[%get3A_11, %get3A_12] : memref<2000x128xf32, #tpu.memory_space<vmem>>, vector<2000x128xf32>
    %dot_general3A = arith.constant dense<0.000000e+00> : vector<128x128xf32>
    %dot_general3A_14 = tpu.matmul %convert_element_type3A_7, %get3A_13, %dot_general3A {dimension_numbers = #tpu.dot_dimension_numbers<[0], [0], [1], [1], [0, 1, 1, 1], [], []>, precision = #tpu.contract_precision<fp32>, transpose_lhs_hint = false} : vector<2000x128xf32>, vector<2000x128xf32>, vector<128x128xf32> -> vector<128x128xf32>
    %add3A = arith.addf %get3A_10, %dot_general3A_14 : vector<128x128xf32>
    %swap3A = arith.constant 0 : index
    %swap3A_15 = arith.constant 0 : index
    %swap3A_16 = vector.load %arg8[%swap3A, %swap3A_15] : memref<128x128xf32, #tpu.memory_space<vmem>>, vector<128x128xf32>
    tpu.vector_store %arg8[%swap3A, %swap3A_15], %add3A {strides = array<i32>} : memref<128x128xf32, #tpu.memory_space<vmem>>, vector<128x128xf32>,
    %eq3A_17 = arith.constant 4 : i32
    %eq3A_18 = arith.cmpi eq, %arg0, %eq3A_17 : i32
    %convert_element_type3A_19 = arith.extui %eq3A_18 : i1 to i32
    %cond3A_20 = arith.constant 0 : i32
    %cond3A_21 = arith.cmpi ne, %convert_element_type3A_19, %cond3A_20 : i32
    scf.if %cond3A_21 {
      %get3A_22 = arith.constant 0 : index
      %get3A_23 = arith.constant 0 : index
      %get3A_24 = vector.load %arg8[%get3A_22, %get3A_23] : memref<128x128xf32, #tpu.memory_space<vmem>>, vector<64x128xf32>
      %get3A_25 = arith.constant 0 : index
      %get3A_26 = arith.constant 0 : index
      %get3A_27 = vector.load %arg3[%get3A_25, %get3A_26] : memref<128x128xf32, #tpu.memory_space<vmem>>, vector<128x128xf32>
      %dot_general3A_28 = arith.constant dense<0.000000e+00> : vector<64x128xf32>
      %dot_general3A_29 = tpu.matmul %get3A_24, %get3A_27, %dot_general3A_28 {dimension_numbers = #tpu.dot_dimension_numbers<[1], [0], [0], [1], [0, 0, 1, 1], [], []>, precision = #tpu.contract_precision<fp32>, transpose_lhs_hint = false} : vector<64x128xf32>, vector<128x128xf32>, vector<64x128xf32> -> vector<64x128xf32>
      %get3A_30 = arith.constant 0 : index
      %get3A_31 = arith.constant 0 : index
      %get3A_32 = vector.load %arg4[%get3A_30, %get3A_31] : memref<1x128xf32, #tpu.memory_space<vmem>>, vector<1x128xf32>
      %add3A_33 = vector.broadcast %get3A_32 : vector<1x128xf32> to vector<64x128xf32>
      %add3A_34 = arith.addf %dot_general3A_29, %add3A_33 : vector<64x128xf32>
      %logistic3A = arith.negf %add3A_34 : vector<64x128xf32>
      %logistic3A_35 = math.exp %logistic3A : vector<64x128xf32>
      %logistic3A_36 = arith.constant 1.000000e+00 : f32
      %logistic3A_37 = vector.broadcast %logistic3A_36 : f32 to vector<64x128xf32>
      %logistic3A_38 = arith.addf %logistic3A_37, %logistic3A_35 : vector<64x128xf32>
      %logistic3A_39 = arith.divf %logistic3A_37, %logistic3A_38 : vector<64x128xf32>
      %mul3A = arith.mulf %add3A_34, %logistic3A_39 : vector<64x128xf32>
      %get3A_40 = arith.constant 0 : index
      %get3A_41 = arith.constant 0 : index
      %get3A_42 = vector.load %arg5[%get3A_40, %get3A_41] : memref<1x128xf32, #tpu.memory_space<vmem>>, vector<1x128xf32>
      %mul3A_43 = vector.broadcast %get3A_42 : vector<1x128xf32> to vector<64x128xf32>
      %mul3A_44 = arith.mulf %mul3A, %mul3A_43 : vector<64x128xf32>
      %reduce_sum3A = arith.constant dense<0.000000e+00> : vector<64xf32>
      %reduce_sum3A_45 = vector.multi_reduction <add>, %mul3A_44, %reduce_sum3A [1] : vector<64x128xf32> to vector<64xf32>
      %broadcast_in_dim3A = vector.shape_cast %reduce_sum3A_45 : vector<64xf32> to vector<64x1xf32>
      %get3A_46 = arith.constant 0 : index
      %get3A_47 = arith.constant 0 : index
      %get3A_48 = memref.load %arg6[%get3A_46, %get3A_47] : memref<1x1xf32, #tpu.memory_space<smem>>
      %add3A_49 = vector.broadcast %get3A_48 : f32 to vector<64x1xf32>
      %add3A_50 = arith.addf %broadcast_in_dim3A, %add3A_49 : vector<64x1xf32>
      %swap3A_51 = arith.constant 0 : index
      %swap3A_52 = arith.constant 0 : index
      %swap3A_53 = vector.load %arg7[%swap3A_51, %swap3A_52] : memref<64x1xf32, #tpu.memory_space<vmem>>, vector<64x1xf32>
      tpu.vector_store %arg7[%swap3A_51, %swap3A_52], %add3A_50 {strides = array<i32>} : memref<64x1xf32, #tpu.memory_space<vmem>>, vector<64x1xf32>,
    } else {
    }
    return
  }
  func.func @transform_0(%arg0: i32) -> (i32, i32) {
    %c0_i32 = arith.constant 0 : i32
    %c0_i32_0 = arith.constant 0 : i32
    return %arg0, %c0_i32 : i32, i32
  }
  func.func @transform_1(%arg0: i32) -> (i32, i32) {
    %c0_i32 = arith.constant 0 : i32
    %c0_i32_0 = arith.constant 0 : i32
    return %arg0, %c0_i32 : i32, i32
  }
  func.func @transform_2(%arg0: i32) -> (i32, i32) {
    %c0_i32 = arith.constant 0 : i32
    %c0_i32_0 = arith.constant 0 : i32
    %c0_i32_1 = arith.constant 0 : i32
    return %c0_i32, %c0_i32_0 : i32, i32
  }
  func.func @transform_3(%arg0: i32) -> (i32, i32) {
    %c0_i32 = arith.constant 0 : i32
    %c0_i32_0 = arith.constant 0 : i32
    %c0_i32_1 = arith.constant 0 : i32
    return %c0_i32, %c0_i32_0 : i32, i32
  }
  func.func @transform_4(%arg0: i32) -> (i32, i32) {
    %c0_i32 = arith.constant 0 : i32
    %c0_i32_0 = arith.constant 0 : i32
    %c0_i32_1 = arith.constant 0 : i32
    return %c0_i32, %c0_i32_0 : i32, i32
  }
  func.func @transform_5(%arg0: i32) -> (i32, i32) {
    %c0_i32 = arith.constant 0 : i32
    %c0_i32_0 = arith.constant 0 : i32
    %c0_i32_1 = arith.constant 0 : i32
    return %c0_i32, %c0_i32_0 : i32, i32
  }
  func.func @transform_6(%arg0: i32) -> (i32, i32) {
    %c0_i32 = arith.constant 0 : i32
    %c0_i32_0 = arith.constant 0 : i32
    %c0_i32_1 = arith.constant 0 : i32
    return %c0_i32, %c0_i32_0 : i32, i32
  }
}

</mosaic_0001>

<sc_bundles>
// kernel: kernel.12.cloned.1.call-start
scs
__scs_entry_jumppad:
0x0: {  	(pc) =	sbr.rel $0x88, $3  }
0x1: {  	(tag) =	ssettag $0x0;
	lr =	simm.s32 $0x1  }
0x2: {  	[smem:$0x3F80] =	sst lr;
	_ =	strace $0xD0000000  }
0x3: {  	_ = 	snop  }
0x4: {  	_ = 	snop  }
0x5: {  	_ = 	snop  }
0x6: {  	_ = 	snop  }
0x7: {  	_ = 	snop  }
__scs_overlays_trampoline_lowered:
0x8: {  	[smem:$0x3F8F] =	sst s0  }
0x9: {  	[smem:$0x3F90] =	sst s1  }
0xa: {  	[smem:$0x3F91] =	sst s2  }
0xb: {  	[smem:$0x3F92] =	sst s3  }
0xc: {  	[smem:$0x3F93] =	sst s4  }
0xd: {  	[smem:$0x3F94] =	sst s5  }
0xe: {  	[smem:$0x3F95] =	sst s6  }
0xf: {  	[smem:$0x3F96] =	sst s7  }
0x10: {  	[smem:$0x3F97] =	sst s8  }
0x11: {  	[smem:$0x3F98] =	sst s9;
	s0 =	simm.s32 @!p0 $0x0  }
0x12: {  	s1 =	sld [smem:$0x3F7E];
	s0 =	simm.s32 @p0 $0x1  }
0x13: {  	[smem:$0x3F99] =	sst s0;
	s0 =	simm.s32 @!p1 $0x0  }
0x14: {  	s2 =	sld [smem:$0x3F7D];
	s0 =	simm.s32 @p1 $0x1  }
0x15: {  	[smem:$0x3F9A] =	sst s0;
	s0 =	simm.s32 @!p2 $0x0  }
0x16: {  	s3 =	sld [smem:$0x3FDB];
	s0 =	simm.s32 @p2 $0x1  }
0x17: {  	s4 =	simm.s32 $0x1BF5;
	[smem:$0x3F9C] =	sst s0  }
0x18: {  	s0 =	sld [smem:$0x3F7F];
	_ =	swait.ge [sflag:s4], $0x0  }
0x19: {  	s7 =	sld [smem:$0x3F80]  }
0x1a: {  	s8 =	sadd.s32 $0xFFFFE003, lr  }
0x1b: {  	s9 =	sadd.s32 $0xFFFFFEF7, lr;
	s5 =	simm.s32 $0xFFFFFFFF;
	p2 =	slt.u32 s8, $0xFFFFF086  }
0x1c: {  	p1 =	slt.u32 s9, $0xF7A;
	s5 =	simm.s32 @!p2 $0x0  }
0x1d: {  	s5 =	simm.s32 @p1 $0x1;
	p0 =	seq.s32 s7, s2  }
0x1e: {  	s7 =	smul.u32 @!p0 $0xF7A, s2;
	p2 =	seq.s32 @!p0 s5, $0x0  }
0x1f: {  	s9 =	smul.u32 $0xF7A, s1;
	s8 =	simm.s32 @!p0 $0x1BF5;
	p2 =	por !p2, p0  }
0x20: {  	[sflag:s8] =	ssyncset.s32 @!p0 $0xFFFFF086;
	s6 =	sadd.s32 @!p0 s3, s7;
	s7 =	simm.s32 @!p0 $0x108  }
0x21: {  	s3 =	sadd.s32 s3, s9;
	s6 =	sadd.s32 @!p0 $0x88, s6;
	s7 =	simm.s32 @p2 $0x1082  }
0x22: {  	[simem:s7], [sflag:s8] =	dma.local @!p0 [hbm:s6], $0xF7A  }
0x23: {  	s9 =	sor.u32 $0xD0000000, s2;
	s6 =	simm.s32 $0x108;
	_ =	swait.ge @!p0 [sflag:s8], $0x0  }
0x24: {  	s3 =	sadd.s32 $0x88, s3;
	s6 =	simm.s32 @!p1 $0x1082;
	[sflag:s4] =	ssyncset.s32 $0xFFFFF086  }
0x25: {  	[simem:s6], [sflag:s4] =	dma.local [hbm:s3], $0xF7A  }
0x26: {  	[smem:$0x3F80] =	sst s1;
	(tag) =	ssettag s2;
	_ =	strace s9  }
0x27: {  	s1 =	sld [smem:$0x3F90]  }
0x28: {  	s2 =	sld [smem:$0x3F91]  }
0x29: {  	s4 =	sld [smem:$0x3F93]  }
0x2a: {  	p0 =	seq.s32 s5, $0x0;
	s5 =	sld [smem:$0x3F94]  }
0x2b: {  	s6 =	sld [smem:$0x3F95]  }
0x2c: {  	s7 =	sld [smem:$0x3F96]  }
0x2d: {  	s3 =	simm.s32 $0x108;
	s8 =	sld [smem:$0x3F97]  }
0x2e: {  	s3 =	simm.s32 @!p0 $0x1082;
	s9 =	sld [smem:$0x3F98]  }
0x2f: {  	lr =	sadd.s32 s0, s3;
	s0 =	sld [smem:$0x3F8F]  }
0x30: {  	s3 =	sld [smem:$0x3F92]  }
0x31: {  	[smem:$0x3F9B] =	sst s10  }
0x32: {  	s10 =	sld [smem:$0x3F99];
	_ =	sdelay $0x3  }
0x33: {  	p0 =	seq.s32 s10, $0x1;
	s10 =	sld [smem:$0x3F9B];
	_ =	sdelay $0x3  }
0x34: {  	[smem:$0x3F9B] =	sst s10  }
0x35: {  	s10 =	sld [smem:$0x3F9A];
	_ =	sdelay $0x3  }
0x36: {  	p1 =	seq.s32 s10, $0x1;
	s10 =	sld [smem:$0x3F9B];
	_ =	sdelay $0x3  }
0x37: {  	[smem:$0x3F9B] =	sst s10  }
0x38: {  	s10 =	sld [smem:$0x3F9C]  }
0x39: {  	_ = 	snop;
	(pc) =	sbr.ind lr, $3  }
0x3a: {  	_ = 	snop  }
0x3b: {  	_ = 	snop  }
0x3c: {  	p2 =	seq.s32 s10, $0x1;
	s10 =	sld [smem:$0x3F9B]  }
0x3d: {  	_ =	shalt  }
0x3e: {  	_ =	shalt  }
0x3f: {  	_ =	shalt  }
0x40: {  	_ =	shalt  }
0x41: {  	_ =	shalt  }
0x42: {  	_ =	shalt  }
0x43: {  	_ =	shalt  }
0x44: {  	_ =	shalt  }
0x45: {  	_ =	shalt  }
0x46: {  	_ =	shalt  }
0x47: {  	_ =	shalt  }
0x48: {  	_ =	shalt  }
0x49: {  	_ =	shalt  }
0x4a: {  	_ =	shalt  }
0x4b: {  	_ =	shalt  }
0x4c: {  	_ =	shalt  }
0x4d: {  	_ =	shalt  }
0x4e: {  	_ =	shalt  }
0x4f: {  	_ =	shalt  }
0x50: {  	_ =	shalt  }
0x51: {  	_ =	shalt  }
0x52: {  	_ =	shalt  }
0x53: {  	_ =	shalt  }
0x54: {  	_ =	shalt  }
0x55: {  	_ =	shalt  }
0x56: {  	_ =	shalt  }
0x57: {  	_ =	shalt  }
0x58: {  	_ =	shalt  }
0x59: {  	_ =	shalt  }
0x5a: {  	_ =	shalt  }
0x5b: {  	_ =	shalt  }
0x5c: {  	_ =	shalt  }
0x5d: {  	_ =	shalt  }
0x5e: {  	_ =	shalt  }
0x5f: {  	_ =	shalt  }
0x60: {  	_ =	shalt  }
0x61: {  	_ =	shalt  }
0x62: {  	_ =	shalt  }
0x63: {  	_ =	shalt  }
0x64: {  	_ =	shalt  }
0x65: {  	_ =	shalt  }
0x66: {  	_ =	shalt  }
0x67: {  	_ =	shalt  }
0x68: {  	_ =	shalt  }
0x69: {  	_ =	shalt  }
0x6a: {  	_ =	shalt  }
0x6b: {  	_ =	shalt  }
0x6c: {  	_ =	shalt  }
0x6d: {  	_ =	shalt  }
0x6e: {  	_ =	shalt  }
0x6f: {  	_ =	shalt  }
0x70: {  	_ =	shalt  }
0x71: {  	_ =	shalt  }
0x72: {  	_ =	shalt  }
0x73: {  	_ =	shalt  }
0x74: {  	_ =	shalt  }
0x75: {  	_ =	shalt  }
0x76: {  	_ =	shalt  }
0x77: {  	_ =	shalt  }
0x78: {  	_ =	shalt  }
0x79: {  	_ =	shalt  }
0x7a: {  	_ =	shalt  }
0x7b: {  	_ =	shalt  }
0x7c: {  	_ =	shalt  }
0x7d: {  	_ =	shalt  }
0x7e: {  	_ =	shalt  }
0x7f: {  	_ =	shalt  }
0x80: {  	_ =	shalt  }
0x81: {  	_ =	shalt  }
0x82: {  	_ =	shalt  }
0x83: {  	_ =	shalt  }
0x84: {  	_ =	shalt  }
0x85: {  	_ =	shalt  }
0x86: {  	_ =	shalt  }
0x87: {  	_ =	shalt  }
.Lfunc_end0:
.L_simem_size_0:
called_computation_lowered:
.L_overlay_start_0:
0x88: {  	s2 =	sld [smem:$0x3FD9]  }
0x89: {  	s3 =	sld [smem:$0x3FFE];
	_ =	sdelay $0x1  }
0x8a: {  	s1 =	srdreg.scid  }
0x8b: {  	s0 =	sand.u32 $0x1, s1  }
0x8c: {  	s16 =	sshll.u32 s0, $0xA;
	s2 =	sadd.s32 s3, s2  }
0x8d: {  	s2 =	sadd.s32 s2, s16  }
0x8e: {  	[smem:$0x3FA7] =	sst s2  }
0x8f: {  	_ = 	snop  }
0x90: {  	(tm) =	ssettm $0x1  }
0x91: {  	s17 =	sld [smem:$0x3FFB];
	_ =	sdelay $0x3  }
0x92: {  	_ =	strace s17  }
0x93: {  	s2 =	sld [smem:$0x3FFC];
	_ =	sdelay $0x3  }
0x94: {  	_ =	strace s2  }
0x95: {  	s2 =	sld [smem:$0x3FFD];
	_ =	sdelay $0x3  }
0x96: {  	_ =	strace s2  }
0x97: {  	_ =	strace $0x8FFFFFFF  }
0x98: {  	s18 =	sld [smem:$0x3FDB];
	_ =	sdelay $0x1  }
0x99: {  	s19 =	simm.s32 $_scs_section_size  }
0x9a: {  	s4 =	simm.s32 $_size__tile_overlayer_lowered;
	s5 =	simm.s32 $_tile_overlayer_lowered  }
0x9b: {  	s22 =	simm.s32 $0x1BFF;
	s21 =	sshll.u32 s5, $0x1;
	s2 =	sadd.s32 s19, s18  }
0x9c: {  	s6 =	simm.s32 $0x0;
	s20 =	sshll.u32 s4, $0x1;
	s4 =	sadd.s32 s21, s2  }
0x9d: {  	[timem:s6], [sflag:s22] =	dma.local [hbm:s4], s20  }
0x9e: {  	_ =	swait.ge [sflag:s22], s20  }
0x9f: {  	s3 =	ssub.s32 $0x0, s20;
	[sflag:s22] =	ssyncset.done $0x0  }
0xa0: {  	[sflag:s22] =	ssyncadd.s32 s3;
	_ =	sdelay $0x1  }
0xa1: {  	s23 =	simm.s32 $0x1B8B  }
0xa2: {  	_ =	swait.ge [sflag:s23], $0x1  }
0xa3: {  	[sflag:s23] =	ssyncset.done $0x0  }
0xa4: {  	s25 =	simm.s32 $0x1B8E;
	s24 =	sld [smem:$0x3FFE];
	[sflag:s23] =	ssyncadd.s32 $0xFFFFFFFF  }
0xa5: {  	s26 =	simm.s32 $execute0_lowered;
	[smem:$0x3FD2] =	sst s25  }
0xa6: {  	s4 =	sshll.u32 s26, $0x1;
	_ =	strace $0x80000046;
	[dreg:$0x1] =	wrdreg $0xFFFFFFFF  }
0xa7: {  	s28 =	simm.s32 $_size_execute0_lowered;
	s2 =	sadd.s32 s2, s4;
	[dreg:$0x0] =	wrdreg $0x0  }
0xa8: {  	s4 =	sshll.u32 s28, $0x1;
	[dreg:$0x2] =	wrdreg s2  }
0xa9: {  	[dreg:$0x3] =	wrdreg s4  }
0xaa: {  	[dreg:$0x4] =	wrdreg $0xC0  }
0xab: {  	_ =	task [dreg:s6], $0x5FFFF  }
0xac: {  	[dreg:$0x1] =	wrdreg $0xFFFFFFFF  }
0xad: {  	[dreg:$0x0] =	wrdreg $0x60  }
0xae: {  	[dreg:$0x2] =	wrdreg s24  }
0xaf: {  	[dreg:$0x3] =	wrdreg $0x9  }
0xb0: {  	_ =	task.clear_ibuf [dreg:s6], $0x4FFFF;
	_ =	strace $0x90000046  }
0xb1: {  	s29 =	simm.s32 $0x9;
	_ =	strace $0x80000048  }
0xb2: {  	_ =	swait.ge [sflag:s29], $0x1  }
0xb3: {  	[sflag:s29] =	ssyncadd.s32 $0xFFFFFFFF  }
0xb4: {  	_ =	strace $0x90000048  }
0xb5: {  	_ =	sfence  }
0xb6: {  	s30 =	sld [smem:$0x0];
	_ =	sdelay $0x2  }
0xb7: {  	s31 =	sshll.u32 s1, $0xD;
	s1 =	sshrl.u32 s1, $0x2  }
0xb8: {  	s3 =	sand.u32 $0x4000, s31;
	s1 =	sadd.s32 s1, s30  }
0xb9: {  	s0 =	sor.u32 s3, s0;
	s1 =	sshll.u32 s1, $0x11  }
0xba: {  	s0 =	sor.u32 s1, s0  }
0xbb: {  	s0 =	sadd.s32 $0x8F2B, s0  }
0xbc: {  	[sflag:s0] =	ssyncadd.remote.s32 $0x1  }
0xbd: {  	_ =	sfence.sel $0xFFFF  }
0xbe: {  	[dreg:$0x0] =	wrdreg $0xFFFFFFFF;
	(pc) =	sbr.abs _section_cstart, $3  }
0xbf: {  	[dreg:$0x1] =	wrdreg $0xFFFFFFFF  }
0xc0: {  	_ =	task.clear_ibuf [dreg:s6], $0x2FFFF;
	_ =	strace $0x9FFFFFFF  }
0xc1: {  	(tm) =	ssettm $0x7FFFFFFF  }
tec
execute0_lowered:
.L_overlay_start_1:
0x0: {  	(tag) =	ssettag $0x1  }
0x1: {  	s0 =	rddreg [dreg:$0x0];
	s1 =	simm.s32 $0x0;
	s2 =	srdreg.scid  }
0x2: {  	s10 =	stileid.u32;
	s16 =	simm.s32 $0x9;
	s17 =	simm.s32 $0x4000  }
0x3: {  	s28 =	simm.s32 $0xF800;
	s29 =	simm.s32 $0x1;
	s30 =	simm.s32 $0x3  }
0x4: {  	s31 =	simm.s32 $0x5;
	[smem:$0x7FF] =	sst s1;
	s3 =	sadd.s32 $0x27600, s0  }
0x5: {  	s2 =	sand.u32 $0x1, s2;
	s4 =	sadd.s32 $0x4E800, s0;
	s6 =	sadd.s32 $0x27000, s0  }
0x6: {  	s18 =	sadd.s32 $0x26A00, s0;
	s19 =	sadd.s32 $0x26400, s0;
	s20 =	sadd.s32 $0xACC00, s0  }
0x7: {  	s8 =	sadd.s32 $0x58EC00, s0;
	_ =	strace $0x80000047;
	[dreg:$0x2] =	wrdreg s6  }
0x8: {  	s25 =	smul.u32 $0x27100, s10;
	s5 =	sshll.u32 s2, $0x4;
	[dreg:$0x3] =	wrdreg s18  }
0x9: {  	[dreg:$0x4] =	wrdreg s19;
	s9 =	ssub.s32 $0x2, s2;
	s2 =	smul.u32 $0x271000, s2  }
0xa: {  	s18 =	simm.s32 $0x12000;
	s19 =	simm.s32 $0x14780;
	s5 =	sor.u32 s10, s5  }
0xb: {  	s6 =	simm.s32 $0x0;
	s21 =	sshrl.u32 s9, $0x1;
	s7 =	smul.u32 $0x138800, s5  }
0xc: {  	s5 =	sshll.u32 s5, $0xB;
	s26 =	sadd.s32 s2, s20;
	s2 =	sadd.s32 s2, s8  }
0xd: {  	s0 =	sadd.s32 s5, s0;
	s5 =	ssub.s32 s9, s21;
	s9 =	sadd.s32 s25, s26  }
0xe: {  	s21 =	simm.s32 $0x50;
	s26 =	simm.s32 $0x6;
	s7 =	sshrl.u32 s7, $0x3  }
0xf: {  	s22 =	sadd.s32 $0x6400, s0;
	s23 =	sadd.s32 $0x16400, s0;
	s12 =	sadd.s32 $0x9CC00, s0  }
0x10: {  	s13 =	smax.u32 s5, $0x1;
	s0 =	simm.s32 $0x7;
	s5 =	simm.s32 $0x8  }
.Ltmp0:
0x11: {  	[dreg:$0x5] =	wrdreg s22;
	s7 =	sadd.s32 $0x26C00, s7;
	(pc) =	sbr.rel .LBB2_1-.Ltmp0, $4  }
0x12: {  	[dreg:$0x6] =	wrdreg s23;
	s22 =	simm.s32 $0x8000;
	s23 =	simm.s32 $0xD000  }
0x13: {  	s24 =	sadd.s32 s20, s7;
	s7 =	sadd.s32 s8, s7;
	s8 =	sadd.s32 s25, s2  }
0x14: {  	s20 =	simm.s32 $0x16F00;
	s25 =	simm.s32 $0xA800;
	[dreg:$0x7] =	wrdreg s24  }
0x15: {  	s2 =	simm.s32 $0x2;
	[dreg:$0x8] =	wrdreg s7;
	s24 =	simm.s32 $0x4  }
.LBB2_4:
0x16: {  	v0 =	vld [tilespmem:$0x3E00]  }
0x17: {  	v1 =	vld [tilespmem:$0x7E00];
	_ =	sdelay $0x6  }
0x18: {  	v2 =	vld.idx.msk [tilespmem:v0+s18+$0x0], $0xffff  }
0x19: {  	v3 =	vld.idx.msk [tilespmem:v1+s18+$0x0], $0xffff  }
0x1a: {  	v4 =	vld.idx.msk [tilespmem:v0+s19+$0x0], $0xffff  }
0x1b: {  	v5 =	vld.idx.msk [tilespmem:v1+s19+$0x0], $0xffff  }
0x1c: {  	v0 =	vld.idx.msk [tilespmem:v0+s20+$0x0], $0xffff  }
0x1d: {  	v1 =	vld.idx.msk [tilespmem:v1+s20+$0x0], $0xffff;
	_ =	sdelay $0x2  }
0x1e: {  	v2 =	vsub.f32 v2, v3;
	v33 =	vsub.f32 v4, v5  }
0x1f: {  	v34 =	vld [tilespmem:$0x3E10]  }
0x20: {  	v37 =	vld [tilespmem:$0x7E10];
	v0 =	vsub.f32 v0, v1;
	v35 =	vmul.f32 v2, v2;
	v36 =	vmul.f32 v33, v33;
	_ =	sdelay $0x1  }
0x21: {  	v0 =	vmul.f32 v0, v0;
	v1 =	vadd.f32 v36, v35;
	_ =	sdelay $0x1  }
0x22: {  	v0 =	vadd.f32 v0, v1;
	_ =	sdelay $0x1  }
0x23: {  	[tilespmem:$0x1D480] =	vst v0  }
0x24: {  	v0 =	vld.idx.msk [tilespmem:v34+s18+$0x0], $0xffff  }
0x25: {  	v38 =	vld.idx.msk [tilespmem:v37+s18+$0x0], $0xffff  }
0x26: {  	v39 =	vld.idx.msk [tilespmem:v34+s19+$0x0], $0xffff  }
0x27: {  	v40 =	vld.idx.msk [tilespmem:v37+s19+$0x0], $0xffff  }
0x28: {  	v4 =	vld.idx.msk [tilespmem:v34+s20+$0x0], $0xffff  }
0x29: {  	v3 =	vld.idx.msk [tilespmem:v37+s20+$0x0], $0xffff;
	_ =	sdelay $0x2  }
0x2a: {  	v0 =	vsub.f32 v0, v38;
	v41 =	vsub.f32 v39, v40  }
0x2b: {  	v42 =	vld [tilespmem:$0x3E20]  }
0x2c: {  	v43 =	vld [tilespmem:$0x7E20];
	v3 =	vsub.f32 v4, v3;
	v0 =	vmul.f32 v0, v0;
	v1 =	vmul.f32 v41, v41;
	_ =	sdelay $0x1  }
0x2d: {  	v44 =	vmul.f32 v3, v3;
	v0 =	vadd.f32 v1, v0;
	_ =	sdelay $0x1  }
0x2e: {  	v0 =	vadd.f32 v44, v0;
	_ =	sdelay $0x1  }
0x2f: {  	[tilespmem:$0x1D490] =	vst v0  }
0x30: {  	v0 =	vld.idx.msk [tilespmem:v42+s18+$0x0], $0xffff  }
0x31: {  	v45 =	vld.idx.msk [tilespmem:v43+s18+$0x0], $0xffff  }
0x32: {  	v46 =	vld.idx.msk [tilespmem:v42+s19+$0x0], $0xffff  }
0x33: {  	v47 =	vld.idx.msk [tilespmem:v43+s19+$0x0], $0xffff  }
0x34: {  	v2 =	vld.idx.msk [tilespmem:v42+s20+$0x0], $0xffff  }
0x35: {  	v4 =	vld.idx.msk [tilespmem:v43+s20+$0x0], $0xffff;
	_ =	sdelay $0x2  }
0x36: {  	v0 =	vsub.f32 v0, v45;
	v48 =	vsub.f32 v46, v47  }
0x37: {  	v49 =	vld [tilespmem:$0x3E30]  }
0x38: {  	v50 =	vld [tilespmem:$0x7E30];
	v2 =	vsub.f32 v2, v4;
	v0 =	vmul.f32 v0, v0;
	v1 =	vmul.f32 v48, v48;
	_ =	sdelay $0x1  }
0x39: {  	v51 =	vmul.f32 v2, v2;
	v0 =	vadd.f32 v1, v0;
	_ =	sdelay $0x1  }
0x3a: {  	v0 =	vadd.f32 v51, v0;
	_ =	sdelay $0x1  }
0x3b: {  	[tilespmem:$0x1D4A0] =	vst v0  }
0x3c: {  	v0 =	vld.idx.msk [tilespmem:v49+s18+$0x0], $0xffff  }
0x3d: {  	v52 =	vld.idx.msk [tilespmem:v50+s18+$0x0], $0xffff  }
0x3e: {  	v53 =	vld.idx.msk [tilespmem:v49+s19+$0x0], $0xffff  }
0x3f: {  	v54 =	vld.idx.msk [tilespmem:v50+s19+$0x0], $0xffff  }
0x40: {  	v3 =	vld.idx.msk [tilespmem:v49+s20+$0x0], $0xffff  }
0x41: {  	v4 =	vld.idx.msk [tilespmem:v50+s20+$0x0], $0xffff;
	_ =	sdelay $0x2  }
0x42: {  	v0 =	vsub.f32 v0, v52;
	v55 =	vsub.f32 v53, v54  }
0x43: {  	v56 =	vld [tilespmem:$0x3E40]  }
0x44: {  	v57 =	vld [tilespmem:$0x7E40];
	v3 =	vsub.f32 v3, v4;
	v0 =	vmul.f32 v0, v0;
	v1 =	vmul.f32 v55, v55;
	_ =	sdelay $0x1  }
0x45: {  	v58 =	vmul.f32 v3, v3;
	v0 =	vadd.f32 v1, v0;
	_ =	sdelay $0x1  }
0x46: {  	v0 =	vadd.f32 v58, v0;
	_ =	sdelay $0x1  }
0x47: {  	[tilespmem:$0x1D4B0] =	vst v0  }
0x48: {  	v0 =	vld.idx.msk [tilespmem:v56+s18+$0x0], $0xffff  }
0x49: {  	v59 =	vld.idx.msk [tilespmem:v57+s18+$0x0], $0xffff  }
0x4a: {  	v60 =	vld.idx.msk [tilespmem:v56+s19+$0x0], $0xffff  }
0x4b: {  	v61 =	vld.idx.msk [tilespmem:v57+s19+$0x0], $0xffff  }
0x4c: {  	v2 =	vld.idx.msk [tilespmem:v56+s20+$0x0], $0xffff  }
0x4d: {  	v4 =	vld.idx.msk [tilespmem:v57+s20+$0x0], $0xffff;
	_ =	sdelay $0x2  }
0x4e: {  	v0 =	vsub.f32 v0, v59;
	v62 =	vsub.f32 v60, v61;
	_ =	sdelay $0x1  }
0x4f: {  	v2 =	vsub.f32 v2, v4;
	v0 =	vmul.f32 v0, v0;
	v1 =	vmul.f32 v62, v62;
	_ =	sdelay $0x1  }
0x50: {  	v63 =	vmul.f32 v2, v2;
	v0 =	vadd.f32 v1, v0;
	_ =	sdelay $0x1  }
0x51: {  	v0 =	vadd.f32 v63, v0;
	_ =	sdelay $0x1  }
0x52: {  	[tilespmem:$0x1D4C0] =	vst v0  }
0x53: {  	_ =	swait.ge [sflag:s29], $0x2800  }
0x54: {  	[sflag:s29] =	ssyncset.done $0x0  }
0x55: {  	[sflag:s29] =	ssyncadd.s32 $0xFFFFD800  }
0x56: {  	_ =	swait.ge [sflag:s30], $0x2800  }
0x57: {  	[sflag:s30] =	ssyncset.done $0x0  }
0x58: {  	s7 =	rddreg [dreg:$0x7];
	[sflag:s30] =	ssyncadd.s32 $0xFFFFD800  }
0x59: {  	[hbm4b:s7+s1] =	stream.linear.scatter [tilespmem:s22], [sflag:$0x5], $0x2800, $0x38;
	[tilespmem:$0x1D680] =	vst v63  }
0x5a: {  	s14 =	rddreg [dreg:$0x8]  }
0x5b: {  	[hbm4b:s14+s1] =	stream.linear.scatter [tilespmem:s23], [sflag:$0x7], $0x2800, $0x38;
	[tilespmem:$0x1D680] =	vst v63  }
0x5c: {  	_ =	swait.ge [sflag:s31], $0x2800  }
0x5d: {  	[sflag:s31] =	ssyncset.done $0x0  }
0x5e: {  	[sflag:s31] =	ssyncadd.s32 $0xFFFFD800  }
0x5f: {  	s6 =	sadd.s32 $0x1, s6;
	_ =	swait.ge [sflag:s0], $0x2800  }
0x60: {  	p0 =	sne.s32 s6, s13;
	[sflag:s0] =	ssyncset.done $0x0  }
.Ltmp1:
0x61: {  	s15 =	simm.s32 $0x19680;
	[sflag:s0] =	ssyncadd.s32 $0xFFFFD800;
	(pc) =	sbr.rel @!p0 .LBB2_5-.Ltmp1, $4  }
0x62: {  	[hbm4b:s12+s1] =	stream.linear.scatter [tilespmem:s15], [sflag:$0x9], $0x4000, $0x38;
	[tilespmem:$0x1D680] =	vst v63  }
0x63: {  	_ =	swait.ge [sflag:s16], $0x4000  }
0x64: {  	[sflag:s16] =	ssyncset.done $0x0  }
0x65: {  	[sflag:s16] =	ssyncadd.s32 $0xFFFFC000  }
.LBB2_1:
0x66: {  	s7 =	rddreg [dreg:$0x5]  }
0x67: {  	[tilespmem:s1], [sflag:$0x9] =	stream.linear.gather [hbm4b:s7+s1], $0x4000, $0x38;
	[tilespmem:$0x1D680] =	vst v63  }
0x68: {  	_ =	swait.ge [sflag:s16], $0x4000  }
0x69: {  	[sflag:s16] =	ssyncset.done $0x0  }
0x6a: {  	s14 =	rddreg [dreg:$0x6];
	[sflag:s16] =	ssyncadd.s32 $0xFFFFC000  }
0x6b: {  	[tilespmem:s17], [sflag:$0x9] =	stream.linear.gather [hbm4b:s14+s1], $0x4000, $0x38;
	[tilespmem:$0x1D680] =	vst v63  }
0x6c: {  	_ =	swait.ge [sflag:s16], $0x4000  }
0x6d: {  	[sflag:s16] =	ssyncset.done $0x0  }
0x6e: {  	s15 =	rddreg [dreg:$0x2];
	[sflag:s16] =	ssyncadd.s32 $0xFFFFC000  }
0x6f: {  	[tilespmem:s18], [sflag:$0x9] =	stream.linear.gather [hbm4b:s15+s1], $0x2780, $0x38;
	[tilespmem:$0x1D680] =	vst v63  }
0x70: {  	_ =	swait.ge [sflag:s16], $0x2780  }
0x71: {  	[sflag:s16] =	ssyncset.done $0x0  }
0x72: {  	s10 =	rddreg [dreg:$0x3];
	[sflag:s16] =	ssyncadd.s32 $0xFFFFD880  }
0x73: {  	[tilespmem:s19], [sflag:$0x9] =	stream.linear.gather [hbm4b:s10+s1], $0x2780, $0x38;
	[tilespmem:$0x1D680] =	vst v63  }
0x74: {  	_ =	swait.ge [sflag:s16], $0x2780  }
0x75: {  	[sflag:s16] =	ssyncset.done $0x0  }
0x76: {  	s11 =	rddreg [dreg:$0x4];
	[sflag:s16] =	ssyncadd.s32 $0xFFFFD880  }
0x77: {  	[tilespmem:s20], [sflag:$0x9] =	stream.linear.gather [hbm4b:s11+s1], $0x2780, $0x38;
	[tilespmem:$0x1D680] =	vst v63  }
0x78: {  	_ =	swait.ge [sflag:s16], $0x2780  }
0x79: {  	[sflag:s16] =	ssyncset.done $0x0  }
0x7a: {  	[sflag:s16] =	ssyncadd.s32 $0xFFFFD880  }
0x7b: {  	[tilespmem:s22], [sflag:$0x1] =	stream.indirect.gather [hbm4b:s3+s21], $0x80, s1, s21, $0xb8;
	[tilespmem:$0x1D680] =	vst v63  }
0x7c: {  	_ = 	snop  }
0x7d: {  	[tilespmem:s23], [sflag:$0x3] =	stream.indirect.gather [hbm4b:s4+s21], $0x80, s17, s21, $0xb8;
	[tilespmem:$0x1D680] =	vst v63  }
0x7e: {  	s14 =	simm.s32 $0x80  }
0x7f: {  	[tilespmem:s25], [sflag:$0x2] =	stream.indirect.gather [hbm4b:s3+s21], $0x80, s14, s21, $0xb8;
	[tilespmem:$0x1D680] =	vst v63  }
0x80: {  	s15 =	simm.s32 $0x4080  }
0x81: {  	[tilespmem:s28], [sflag:$0x4] =	stream.indirect.gather [hbm4b:s4+s21], $0x80, s15, s21, $0xb8;
	[tilespmem:$0x1D680] =	vst v63  }
0x82: {  	s7 =	simm.s32 $0x0;
	s14 =	smov.u32 s9;
	s15 =	smov.u32 s8  }
.LBB2_2:
0x83: {  	s10 =	sshra.s32 s7, $0x2  }
0x84: {  	v0 =	vld [tilespmem:s10+$0x0]  }
0x85: {  	v1 =	vld [tilespmem:s10+$0x4000];
	_ =	sdelay $0x6  }
0x86: {  	v2 =	vld.idx.msk [tilespmem:v0+s18+$0x0], $0xffff  }
0x87: {  	v3 =	vld.idx.msk [tilespmem:v1+s18+$0x0], $0xffff  }
0x88: {  	v4 =	vld.idx.msk [tilespmem:v0+s19+$0x0], $0xffff  }
0x89: {  	v5 =	vld.idx.msk [tilespmem:v1+s19+$0x0], $0xffff  }
0x8a: {  	v0 =	vld.idx.msk [tilespmem:v0+s20+$0x0], $0xffff  }
0x8b: {  	v1 =	vld.idx.msk [tilespmem:v1+s20+$0x0], $0xffff;
	_ =	sdelay $0x2  }
0x8c: {  	v2 =	vsub.f32 v2, v3;
	v53 =	vsub.f32 v4, v5  }
0x8d: {  	v54 =	vld [tilespmem:s10+$0x10]  }
0x8e: {  	v57 =	vld [tilespmem:s10+$0x4010];
	v0 =	vsub.f32 v0, v1;
	v55 =	vmul.f32 v2, v2;
	v56 =	vmul.f32 v53, v53;
	_ =	sdelay $0x1  }
0x8f: {  	v0 =	vmul.f32 v0, v0;
	v1 =	vadd.f32 v56, v55;
	_ =	sdelay $0x1  }
0x90: {  	v0 =	vadd.f32 v0, v1;
	_ =	sdelay $0x1  }
0x91: {  	[tilespmem:s10+$0x19680] =	vst v0  }
0x92: {  	v0 =	vld.idx.msk [tilespmem:v54+s18+$0x0], $0xffff  }
0x93: {  	v58 =	vld.idx.msk [tilespmem:v57+s18+$0x0], $0xffff  }
0x94: {  	v59 =	vld.idx.msk [tilespmem:v54+s19+$0x0], $0xffff  }
0x95: {  	v60 =	vld.idx.msk [tilespmem:v57+s19+$0x0], $0xffff  }
0x96: {  	v4 =	vld.idx.msk [tilespmem:v54+s20+$0x0], $0xffff  }
0x97: {  	v3 =	vld.idx.msk [tilespmem:v57+s20+$0x0], $0xffff;
	_ =	sdelay $0x2  }
0x98: {  	v0 =	vsub.f32 v0, v58;
	v61 =	vsub.f32 v59, v60  }
0x99: {  	v62 =	vld [tilespmem:s10+$0x20]  }
0x9a: {  	v63 =	vld [tilespmem:s10+$0x4020];
	v3 =	vsub.f32 v4, v3;
	v0 =	vmul.f32 v0, v0;
	v1 =	vmul.f32 v61, v61;
	_ =	sdelay $0x1  }
0x9b: {  	v7 =	vmul.f32 v3, v3;
	v0 =	vadd.f32 v1, v0;
	_ =	sdelay $0x1  }
0x9c: {  	v0 =	vadd.f32 v7, v0;
	_ =	sdelay $0x1  }
0x9d: {  	[tilespmem:s10+$0x19690] =	vst v0  }
0x9e: {  	v0 =	vld.idx.msk [tilespmem:v62+s18+$0x0], $0xffff  }
0x9f: {  	v8 =	vld.idx.msk [tilespmem:v63+s18+$0x0], $0xffff  }
0xa0: {  	v9 =	vld.idx.msk [tilespmem:v62+s19+$0x0], $0xffff  }
0xa1: {  	v10 =	vld.idx.msk [tilespmem:v63+s19+$0x0], $0xffff  }
0xa2: {  	v2 =	vld.idx.msk [tilespmem:v62+s20+$0x0], $0xffff  }
0xa3: {  	v4 =	vld.idx.msk [tilespmem:v63+s20+$0x0], $0xffff;
	_ =	sdelay $0x2  }
0xa4: {  	v0 =	vsub.f32 v0, v8;
	v11 =	vsub.f32 v9, v10  }
0xa5: {  	v12 =	vld [tilespmem:s10+$0x30]  }
0xa6: {  	v13 =	vld [tilespmem:s10+$0x4030];
	v2 =	vsub.f32 v2, v4;
	v0 =	vmul.f32 v0, v0;
	v1 =	vmul.f32 v11, v11;
	_ =	sdelay $0x1  }
0xa7: {  	v14 =	vmul.f32 v2, v2;
	v0 =	vadd.f32 v1, v0;
	_ =	sdelay $0x1  }
0xa8: {  	v0 =	vadd.f32 v14, v0;
	_ =	sdelay $0x1  }
0xa9: {  	[tilespmem:s10+$0x196A0] =	vst v0  }
0xaa: {  	v0 =	vld.idx.msk [tilespmem:v12+s18+$0x0], $0xffff  }
0xab: {  	v15 =	vld.idx.msk [tilespmem:v13+s18+$0x0], $0xffff  }
0xac: {  	v16 =	vld.idx.msk [tilespmem:v12+s19+$0x0], $0xffff  }
0xad: {  	v17 =	vld.idx.msk [tilespmem:v13+s19+$0x0], $0xffff  }
0xae: {  	v3 =	vld.idx.msk [tilespmem:v12+s20+$0x0], $0xffff  }
0xaf: {  	v4 =	vld.idx.msk [tilespmem:v13+s20+$0x0], $0xffff;
	_ =	sdelay $0x2  }
0xb0: {  	v0 =	vsub.f32 v0, v15;
	v18 =	vsub.f32 v16, v17  }
0xb1: {  	v19 =	vld [tilespmem:s10+$0x40]  }
0xb2: {  	v20 =	vld [tilespmem:s10+$0x4040];
	v3 =	vsub.f32 v3, v4;
	v0 =	vmul.f32 v0, v0;
	v1 =	vmul.f32 v18, v18;
	_ =	sdelay $0x1  }
0xb3: {  	v21 =	vmul.f32 v3, v3;
	v0 =	vadd.f32 v1, v0;
	_ =	sdelay $0x1  }
0xb4: {  	v0 =	vadd.f32 v21, v0;
	_ =	sdelay $0x1  }
0xb5: {  	[tilespmem:s10+$0x196B0] =	vst v0  }
0xb6: {  	v0 =	vld.idx.msk [tilespmem:v19+s18+$0x0], $0xffff  }
0xb7: {  	v22 =	vld.idx.msk [tilespmem:v20+s18+$0x0], $0xffff  }
0xb8: {  	v23 =	vld.idx.msk [tilespmem:v19+s19+$0x0], $0xffff  }
0xb9: {  	v24 =	vld.idx.msk [tilespmem:v20+s19+$0x0], $0xffff  }
0xba: {  	v2 =	vld.idx.msk [tilespmem:v19+s20+$0x0], $0xffff  }
0xbb: {  	v4 =	vld.idx.msk [tilespmem:v20+s20+$0x0], $0xffff;
	_ =	sdelay $0x2  }
0xbc: {  	v0 =	vsub.f32 v0, v22;
	v25 =	vsub.f32 v23, v24;
	_ =	sdelay $0x1  }
0xbd: {  	v2 =	vsub.f32 v2, v4;
	v0 =	vmul.f32 v0, v0;
	v1 =	vmul.f32 v25, v25;
	_ =	sdelay $0x1  }
0xbe: {  	v26 =	vmul.f32 v2, v2;
	v0 =	vadd.f32 v1, v0;
	_ =	sdelay $0x1  }
0xbf: {  	v0 =	vadd.f32 v26, v0;
	_ =	sdelay $0x1  }
0xc0: {  	[tilespmem:s10+$0x196C0] =	vst v0  }
0xc1: {  	_ =	swait.ge [sflag:s29], $0x2800  }
0xc2: {  	[sflag:s29] =	ssyncset.done $0x0  }
0xc3: {  	[sflag:s29] =	ssyncadd.s32 $0xFFFFD800  }
0xc4: {  	_ =	swait.ge [sflag:s30], $0x2800  }
0xc5: {  	[sflag:s30] =	ssyncset.done $0x0  }
0xc6: {  	[sflag:s30] =	ssyncadd.s32 $0xFFFFD800  }
0xc7: {  	[hbm4b:s14+s1] =	stream.linear.scatter [tilespmem:s22], [sflag:$0x5], $0x2800, $0x38;
	[tilespmem:$0x1D680] =	vst v63  }
0xc8: {  	_ = 	snop  }
0xc9: {  	[hbm4b:s15+s1] =	stream.linear.scatter [tilespmem:s23], [sflag:$0x7], $0x2800, $0x38;
	[tilespmem:$0x1D680] =	vst v63  }
0xca: {  	_ =	swait.ge [sflag:s31], $0x2800  }
0xcb: {  	[sflag:s31] =	ssyncset.done $0x0  }
0xcc: {  	[sflag:s31] =	ssyncadd.s32 $0xFFFFD800  }
0xcd: {  	_ =	swait.ge [sflag:s0], $0x2800  }
0xce: {  	[sflag:s0] =	ssyncset.done $0x0  }
0xcf: {  	s11 =	sadd.s32 $0x100, s10;
	[sflag:s0] =	ssyncadd.s32 $0xFFFFD800  }
0xd0: {  	[tilespmem:s22], [sflag:$0x1] =	stream.indirect.gather [hbm4b:s3+s21], $0x80, s11, s21, $0xb8;
	[tilespmem:$0x1D680] =	vst v63  }
0xd1: {  	s11 =	sadd.s32 $0x4100, s10  }
0xd2: {  	[tilespmem:s23], [sflag:$0x3] =	stream.indirect.gather [hbm4b:s4+s21], $0x80, s11, s21, $0xb8;
	[tilespmem:$0x1D680] =	vst v63  }
0xd3: {  	v27 =	vld [tilespmem:s10+$0x80]  }
0xd4: {  	v28 =	vld [tilespmem:s10+$0x4080];
	_ =	sdelay $0x6  }
0xd5: {  	v29 =	vld.idx.msk [tilespmem:v27+s18+$0x0], $0xffff  }
0xd6: {  	v30 =	vld.idx.msk [tilespmem:v28+s18+$0x0], $0xffff  }
0xd7: {  	v31 =	vld.idx.msk [tilespmem:v27+s19+$0x0], $0xffff  }
0xd8: {  	v32 =	vld.idx.msk [tilespmem:v28+s19+$0x0], $0xffff  }
0xd9: {  	v0 =	vld.idx.msk [tilespmem:v27+s20+$0x0], $0xffff  }
0xda: {  	v1 =	vld.idx.msk [tilespmem:v28+s20+$0x0], $0xffff;
	_ =	sdelay $0x2  }
0xdb: {  	v2 =	vsub.f32 v29, v30;
	v33 =	vsub.f32 v31, v32  }
0xdc: {  	v34 =	vld [tilespmem:s10+$0x90]  }
0xdd: {  	v37 =	vld [tilespmem:s10+$0x4090];
	v0 =	vsub.f32 v0, v1;
	v35 =	vmul.f32 v2, v2;
	v36 =	vmul.f32 v33, v33;
	_ =	sdelay $0x1  }
0xde: {  	v0 =	vmul.f32 v0, v0;
	v1 =	vadd.f32 v36, v35;
	_ =	sdelay $0x1  }
0xdf: {  	v0 =	vadd.f32 v0, v1;
	_ =	sdelay $0x1  }
0xe0: {  	[tilespmem:s10+$0x19700] =	vst v0  }
0xe1: {  	v0 =	vld.idx.msk [tilespmem:v34+s18+$0x0], $0xffff  }
0xe2: {  	v38 =	vld.idx.msk [tilespmem:v37+s18+$0x0], $0xffff  }
0xe3: {  	v39 =	vld.idx.msk [tilespmem:v34+s19+$0x0], $0xffff  }
0xe4: {  	v40 =	vld.idx.msk [tilespmem:v37+s19+$0x0], $0xffff  }
0xe5: {  	v4 =	vld.idx.msk [tilespmem:v34+s20+$0x0], $0xffff  }
0xe6: {  	v3 =	vld.idx.msk [tilespmem:v37+s20+$0x0], $0xffff;
	_ =	sdelay $0x2  }
0xe7: {  	v0 =	vsub.f32 v0, v38;
	v41 =	vsub.f32 v39, v40  }
0xe8: {  	v42 =	vld [tilespmem:s10+$0xA0]  }
0xe9: {  	v43 =	vld [tilespmem:s10+$0x40A0];
	v3 =	vsub.f32 v4, v3;
	v0 =	vmul.f32 v0, v0;
	v1 =	vmul.f32 v41, v41;
	_ =	sdelay $0x1  }
0xea: {  	v44 =	vmul.f32 v3, v3;
	v0 =	vadd.f32 v1, v0;
	_ =	sdelay $0x1  }
0xeb: {  	v0 =	vadd.f32 v44, v0;
	_ =	sdelay $0x1  }
0xec: {  	[tilespmem:s10+$0x19710] =	vst v0  }
0xed: {  	v0 =	vld.idx.msk [tilespmem:v42+s18+$0x0], $0xffff  }
0xee: {  	v45 =	vld.idx.msk [tilespmem:v43+s18+$0x0], $0xffff  }
0xef: {  	v46 =	vld.idx.msk [tilespmem:v42+s19+$0x0], $0xffff  }
0xf0: {  	v47 =	vld.idx.msk [tilespmem:v43+s19+$0x0], $0xffff  }
0xf1: {  	v2 =	vld.idx.msk [tilespmem:v42+s20+$0x0], $0xffff  }
0xf2: {  	v4 =	vld.idx.msk [tilespmem:v43+s20+$0x0], $0xffff;
	_ =	sdelay $0x2  }
0xf3: {  	v0 =	vsub.f32 v0, v45;
	v48 =	vsub.f32 v46, v47  }
0xf4: {  	v49 =	vld [tilespmem:s10+$0xB0]  }
0xf5: {  	v50 =	vld [tilespmem:s10+$0x40B0];
	v2 =	vsub.f32 v2, v4;
	v0 =	vmul.f32 v0, v0;
	v1 =	vmul.f32 v48, v48;
	_ =	sdelay $0x1  }
0xf6: {  	v51 =	vmul.f32 v2, v2;
	v0 =	vadd.f32 v1, v0;
	_ =	sdelay $0x1  }
0xf7: {  	v0 =	vadd.f32 v51, v0;
	_ =	sdelay $0x1  }
0xf8: {  	[tilespmem:s10+$0x19720] =	vst v0  }
0xf9: {  	v0 =	vld.idx.msk [tilespmem:v49+s18+$0x0], $0xffff  }
0xfa: {  	v52 =	vld.idx.msk [tilespmem:v50+s18+$0x0], $0xffff  }
0xfb: {  	v53 =	vld.idx.msk [tilespmem:v49+s19+$0x0], $0xffff  }
0xfc: {  	v54 =	vld.idx.msk [tilespmem:v50+s19+$0x0], $0xffff  }
0xfd: {  	v3 =	vld.idx.msk [tilespmem:v49+s20+$0x0], $0xffff  }
0xfe: {  	v4 =	vld.idx.msk [tilespmem:v50+s20+$0x0], $0xffff;
	_ =	sdelay $0x2  }
0xff: {  	v0 =	vsub.f32 v0, v52;
	v55 =	vsub.f32 v53, v54  }
0x100: {  	v56 =	vld [tilespmem:s10+$0xC0]  }
0x101: {  	v57 =	vld [tilespmem:s10+$0x40C0];
	v3 =	vsub.f32 v3, v4;
	v0 =	vmul.f32 v0, v0;
	v1 =	vmul.f32 v55, v55;
	_ =	sdelay $0x1  }
0x102: {  	v58 =	vmul.f32 v3, v3;
	v0 =	vadd.f32 v1, v0;
	_ =	sdelay $0x1  }
0x103: {  	v0 =	vadd.f32 v58, v0;
	_ =	sdelay $0x1  }
0x104: {  	[tilespmem:s10+$0x19730] =	vst v0  }
0x105: {  	v0 =	vld.idx.msk [tilespmem:v56+s18+$0x0], $0xffff  }
0x106: {  	v59 =	vld.idx.msk [tilespmem:v57+s18+$0x0], $0xffff  }
0x107: {  	v60 =	vld.idx.msk [tilespmem:v56+s19+$0x0], $0xffff  }
0x108: {  	v61 =	vld.idx.msk [tilespmem:v57+s19+$0x0], $0xffff  }
0x109: {  	v2 =	vld.idx.msk [tilespmem:v56+s20+$0x0], $0xffff  }
0x10a: {  	v4 =	vld.idx.msk [tilespmem:v57+s20+$0x0], $0xffff;
	_ =	sdelay $0x2  }
0x10b: {  	v0 =	vsub.f32 v0, v59;
	v62 =	vsub.f32 v60, v61;
	_ =	sdelay $0x1  }
0x10c: {  	v2 =	vsub.f32 v2, v4;
	v0 =	vmul.f32 v0, v0;
	v1 =	vmul.f32 v62, v62;
	_ =	sdelay $0x1  }
0x10d: {  	v63 =	vmul.f32 v2, v2;
	v0 =	vadd.f32 v1, v0;
	_ =	sdelay $0x1  }
0x10e: {  	v0 =	vadd.f32 v63, v0;
	_ =	sdelay $0x1  }
0x10f: {  	[tilespmem:s10+$0x19740] =	vst v0  }
0x110: {  	_ =	swait.ge [sflag:s2], $0x2800  }
0x111: {  	[sflag:s2] =	ssyncset.done $0x0  }
0x112: {  	[sflag:s2] =	ssyncadd.s32 $0xFFFFD800  }
0x113: {  	_ =	swait.ge [sflag:s24], $0x2800  }
0x114: {  	[sflag:s24] =	ssyncset.done $0x0  }
0x115: {  	s11 =	sadd.s32 $0x500, s14;
	[sflag:s24] =	ssyncadd.s32 $0xFFFFD800  }
0x116: {  	[hbm4b:s11+s1] =	stream.linear.scatter [tilespmem:s25], [sflag:$0x6], $0x2800, $0x38;
	[tilespmem:$0x1D680] =	vst v63  }
0x117: {  	s11 =	sadd.s32 $0x500, s15  }
0x118: {  	[hbm4b:s11+s1] =	stream.linear.scatter [tilespmem:s28], [sflag:$0x8], $0x2800, $0x38;
	[tilespmem:$0x1D680] =	vst v63  }
0x119: {  	p0 =	seq.s32 s7, $0xF400;
	_ =	swait.ge [sflag:s26], $0x2800  }
.Ltmp2:
0x11a: {  	[sflag:s26] =	ssyncset.done $0x0;
	(pc) =	sbr.rel @p0 .LBB2_4-.Ltmp2, $4  }
0x11b: {  	[sflag:s26] =	ssyncadd.s32 $0xFFFFD800  }
0x11c: {  	_ =	swait.ge [sflag:s5], $0x2800  }
0x11d: {  	[sflag:s5] =	ssyncset.done $0x0  }
0x11e: {  	[sflag:s5] =	ssyncadd.s32 $0xFFFFD800  }
.Ltmp3:
0x11f: {  	(pc) =	sbr.rel .LBB2_2-.Ltmp3, $4  }
0x120: {  	s11 =	sadd.s32 $0x180, s10;
	s14 =	sadd.s32 $0xA00, s14  }
0x121: {  	[tilespmem:s25], [sflag:$0x2] =	stream.indirect.gather [hbm4b:s3+s21], $0x80, s11, s21, $0xb8;
	[tilespmem:$0x1D680] =	vst v63  }
0x122: {  	s15 =	sadd.s32 $0xA00, s15;
	s7 =	sadd.s32 $0x400, s7;
	s11 =	sadd.s32 $0x4180, s10  }
0x123: {  	[tilespmem:s28], [sflag:$0x4] =	stream.indirect.gather [hbm4b:s4+s21], $0x80, s11, s21, $0xb8;
	[tilespmem:$0x1D680] =	vst v63  }
.LBB2_5:
0x124: {  	_ =	sfence.sel $0x180000  }
0x125: {  	[bflag:$0x0] =	sbarrier.arrive $0xFFFF  }
0x126: {  	_ =	strace $0x90000047  }
0x127: {  	s0 =	stileid.u32;
	[bflag:$0x2] =	sbarrier.arrive $0xFFFF  }
0x128: {  	p0 =	sne.s32 s0, $0x0;
	s0 =	rddreg [dreg:$0x1]  }
0x129: {  	s0 =	sadd.s32 @!p0 $0x100000, s0  }
0x12a: {  	[sflag:s0] =	ssyncadd.tile.s32 @!p0 $0x1;
	_ =	shalt  }
.Lfunc_end2:
_tile_overlayer_lowered:
.L_overlay_start_2:
0x12b: {  	(tag) =	ssettag $0x2  }
0x12c: {  	s0 =	rddreg [dreg:$0x0];
	s2 =	stileid.u32  }
0x12d: {  	s1 =	rddreg [dreg:$0x1];
	p0 =	sne.s32 s2, $0x0  }
0x12e: {  	s3 =	rddreg [dreg:$0x2];
	[bflag:$0x3] =	sbarrier.arrive $0xFFFF;
	s2 =	simm.s32 @!p0 $0x1C09  }
0x12f: {  	[timem:s3], [sflag:s2] =	dma.local @!p0 [hbm:s0], s1  }
0x130: {  	s0 =	simm.s32 @!p0 $0x9  }
0x131: {  	_ =	swait.ge @!p0 [sflag:s0], s1  }
0x132: {  	s1 =	ssub.s32 @!p0 $0x0, s1;
	[sflag:s0] =	ssyncset.done @!p0 $0x0  }
0x133: {  	[sflag:s0] =	ssyncadd.s32 @!p0 s1  }
0x134: {  	[bflag:$0x3] =	sbarrier.arrive $0xFFFF  }
0x135: {  	_ =	shalt  }

// kernel: kernel.15.cloned.1.call-start
scs
__scs_entry_jumppad:
0x0: {  	(pc) =	sbr.rel $0x88, $3  }
0x1: {  	(tag) =	ssettag $0x0;
	lr =	simm.s32 $0x1  }
0x2: {  	[smem:$0x3F80] =	sst lr;
	_ =	strace $0xD0000000  }
0x3: {  	_ = 	snop  }
0x4: {  	_ = 	snop  }
0x5: {  	_ = 	snop  }
0x6: {  	_ = 	snop  }
0x7: {  	_ = 	snop  }
__scs_overlays_trampoline_lowered:
0x8: {  	[smem:$0x3F8F] =	sst s0  }
0x9: {  	[smem:$0x3F90] =	sst s1  }
0xa: {  	[smem:$0x3F91] =	sst s2  }
0xb: {  	[smem:$0x3F92] =	sst s3  }
0xc: {  	[smem:$0x3F93] =	sst s4  }
0xd: {  	[smem:$0x3F94] =	sst s5  }
0xe: {  	[smem:$0x3F95] =	sst s6  }
0xf: {  	[smem:$0x3F96] =	sst s7  }
0x10: {  	[smem:$0x3F97] =	sst s8  }
0x11: {  	[smem:$0x3F98] =	sst s9;
	s0 =	simm.s32 @!p0 $0x0  }
0x12: {  	s1 =	sld [smem:$0x3F7E];
	s0 =	simm.s32 @p0 $0x1  }
0x13: {  	[smem:$0x3F99] =	sst s0;
	s0 =	simm.s32 @!p1 $0x0  }
0x14: {  	s2 =	sld [smem:$0x3F7D];
	s0 =	simm.s32 @p1 $0x1  }
0x15: {  	[smem:$0x3F9A] =	sst s0;
	s0 =	simm.s32 @!p2 $0x0  }
0x16: {  	s3 =	sld [smem:$0x3FDB];
	s0 =	simm.s32 @p2 $0x1  }
0x17: {  	s4 =	simm.s32 $0x1BF5;
	[smem:$0x3F9C] =	sst s0  }
0x18: {  	s0 =	sld [smem:$0x3F7F];
	_ =	swait.ge [sflag:s4], $0x0  }
0x19: {  	s7 =	sld [smem:$0x3F80]  }
0x1a: {  	s8 =	sadd.s32 $0xFFFFE003, lr  }
0x1b: {  	s9 =	sadd.s32 $0xFFFFFEF7, lr;
	s5 =	simm.s32 $0xFFFFFFFF;
	p2 =	slt.u32 s8, $0xFFFFF086  }
0x1c: {  	p1 =	slt.u32 s9, $0xF7A;
	s5 =	simm.s32 @!p2 $0x0  }
0x1d: {  	s5 =	simm.s32 @p1 $0x1;
	p0 =	seq.s32 s7, s2  }
0x1e: {  	s7 =	smul.u32 @!p0 $0xF7A, s2;
	p2 =	seq.s32 @!p0 s5, $0x0  }
0x1f: {  	s9 =	smul.u32 $0xF7A, s1;
	s8 =	simm.s32 @!p0 $0x1BF5;
	p2 =	por !p2, p0  }
0x20: {  	[sflag:s8] =	ssyncset.s32 @!p0 $0xFFFFF086;
	s6 =	sadd.s32 @!p0 s3, s7;
	s7 =	simm.s32 @!p0 $0x108  }
0x21: {  	s3 =	sadd.s32 s3, s9;
	s6 =	sadd.s32 @!p0 $0x88, s6;
	s7 =	simm.s32 @p2 $0x1082  }
0x22: {  	[simem:s7], [sflag:s8] =	dma.local @!p0 [hbm:s6], $0xF7A  }
0x23: {  	s9 =	sor.u32 $0xD0000000, s2;
	s6 =	simm.s32 $0x108;
	_ =	swait.ge @!p0 [sflag:s8], $0x0  }
0x24: {  	s3 =	sadd.s32 $0x88, s3;
	s6 =	simm.s32 @!p1 $0x1082;
	[sflag:s4] =	ssyncset.s32 $0xFFFFF086  }
0x25: {  	[simem:s6], [sflag:s4] =	dma.local [hbm:s3], $0xF7A  }
0x26: {  	[smem:$0x3F80] =	sst s1;
	(tag) =	ssettag s2;
	_ =	strace s9  }
0x27: {  	s1 =	sld [smem:$0x3F90]  }
0x28: {  	s2 =	sld [smem:$0x3F91]  }
0x29: {  	s4 =	sld [smem:$0x3F93]  }
0x2a: {  	p0 =	seq.s32 s5, $0x0;
	s5 =	sld [smem:$0x3F94]  }
0x2b: {  	s6 =	sld [smem:$0x3F95]  }
0x2c: {  	s7 =	sld [smem:$0x3F96]  }
0x2d: {  	s3 =	simm.s32 $0x108;
	s8 =	sld [smem:$0x3F97]  }
0x2e: {  	s3 =	simm.s32 @!p0 $0x1082;
	s9 =	sld [smem:$0x3F98]  }
0x2f: {  	lr =	sadd.s32 s0, s3;
	s0 =	sld [smem:$0x3F8F]  }
0x30: {  	s3 =	sld [smem:$0x3F92]  }
0x31: {  	[smem:$0x3F9B] =	sst s10  }
0x32: {  	s10 =	sld [smem:$0x3F99];
	_ =	sdelay $0x3  }
0x33: {  	p0 =	seq.s32 s10, $0x1;
	s10 =	sld [smem:$0x3F9B];
	_ =	sdelay $0x3  }
0x34: {  	[smem:$0x3F9B] =	sst s10  }
0x35: {  	s10 =	sld [smem:$0x3F9A];
	_ =	sdelay $0x3  }
0x36: {  	p1 =	seq.s32 s10, $0x1;
	s10 =	sld [smem:$0x3F9B];
	_ =	sdelay $0x3  }
0x37: {  	[smem:$0x3F9B] =	sst s10  }
0x38: {  	s10 =	sld [smem:$0x3F9C]  }
0x39: {  	_ = 	snop;
	(pc) =	sbr.ind lr, $3  }
0x3a: {  	_ = 	snop  }
0x3b: {  	_ = 	snop  }
0x3c: {  	p2 =	seq.s32 s10, $0x1;
	s10 =	sld [smem:$0x3F9B]  }
0x3d: {  	_ =	shalt  }
0x3e: {  	_ =	shalt  }
0x3f: {  	_ =	shalt  }
0x40: {  	_ =	shalt  }
0x41: {  	_ =	shalt  }
0x42: {  	_ =	shalt  }
0x43: {  	_ =	shalt  }
0x44: {  	_ =	shalt  }
0x45: {  	_ =	shalt  }
0x46: {  	_ =	shalt  }
0x47: {  	_ =	shalt  }
0x48: {  	_ =	shalt  }
0x49: {  	_ =	shalt  }
0x4a: {  	_ =	shalt  }
0x4b: {  	_ =	shalt  }
0x4c: {  	_ =	shalt  }
0x4d: {  	_ =	shalt  }
0x4e: {  	_ =	shalt  }
0x4f: {  	_ =	shalt  }
0x50: {  	_ =	shalt  }
0x51: {  	_ =	shalt  }
0x52: {  	_ =	shalt  }
0x53: {  	_ =	shalt  }
0x54: {  	_ =	shalt  }
0x55: {  	_ =	shalt  }
0x56: {  	_ =	shalt  }
0x57: {  	_ =	shalt  }
0x58: {  	_ =	shalt  }
0x59: {  	_ =	shalt  }
0x5a: {  	_ =	shalt  }
0x5b: {  	_ =	shalt  }
0x5c: {  	_ =	shalt  }
0x5d: {  	_ =	shalt  }
0x5e: {  	_ =	shalt  }
0x5f: {  	_ =	shalt  }
0x60: {  	_ =	shalt  }
0x61: {  	_ =	shalt  }
0x62: {  	_ =	shalt  }
0x63: {  	_ =	shalt  }
0x64: {  	_ =	shalt  }
0x65: {  	_ =	shalt  }
0x66: {  	_ =	shalt  }
0x67: {  	_ =	shalt  }
0x68: {  	_ =	shalt  }
0x69: {  	_ =	shalt  }
0x6a: {  	_ =	shalt  }
0x6b: {  	_ =	shalt  }
0x6c: {  	_ =	shalt  }
0x6d: {  	_ =	shalt  }
0x6e: {  	_ =	shalt  }
0x6f: {  	_ =	shalt  }
0x70: {  	_ =	shalt  }
0x71: {  	_ =	shalt  }
0x72: {  	_ =	shalt  }
0x73: {  	_ =	shalt  }
0x74: {  	_ =	shalt  }
0x75: {  	_ =	shalt  }
0x76: {  	_ =	shalt  }
0x77: {  	_ =	shalt  }
0x78: {  	_ =	shalt  }
0x79: {  	_ =	shalt  }
0x7a: {  	_ =	shalt  }
0x7b: {  	_ =	shalt  }
0x7c: {  	_ =	shalt  }
0x7d: {  	_ =	shalt  }
0x7e: {  	_ =	shalt  }
0x7f: {  	_ =	shalt  }
0x80: {  	_ =	shalt  }
0x81: {  	_ =	shalt  }
0x82: {  	_ =	shalt  }
0x83: {  	_ =	shalt  }
0x84: {  	_ =	shalt  }
0x85: {  	_ =	shalt  }
0x86: {  	_ =	shalt  }
0x87: {  	_ =	shalt  }
.Lfunc_end0:
.L_simem_size_0:
called_computation.1_lowered:
.L_overlay_start_0:
0x88: {  	s2 =	sld [smem:$0x3FD9]  }
0x89: {  	s3 =	sld [smem:$0x3FFE];
	_ =	sdelay $0x1  }
0x8a: {  	s1 =	srdreg.scid  }
0x8b: {  	s0 =	sand.u32 $0x1, s1  }
0x8c: {  	s16 =	sshll.u32 s0, $0xA;
	s2 =	sadd.s32 s3, s2  }
0x8d: {  	s2 =	sadd.s32 s2, s16  }
0x8e: {  	[smem:$0x3FA7] =	sst s2  }
0x8f: {  	_ = 	snop  }
0x90: {  	(tm) =	ssettm $0x1  }
0x91: {  	s17 =	sld [smem:$0x3FFB];
	_ =	sdelay $0x3  }
0x92: {  	_ =	strace s17  }
0x93: {  	s2 =	sld [smem:$0x3FFC];
	_ =	sdelay $0x3  }
0x94: {  	_ =	strace s2  }
0x95: {  	s2 =	sld [smem:$0x3FFD];
	_ =	sdelay $0x3  }
0x96: {  	_ =	strace s2  }
0x97: {  	_ =	strace $0x8FFFFFFF  }
0x98: {  	s18 =	sld [smem:$0x3FDB];
	_ =	sdelay $0x1  }
0x99: {  	s19 =	simm.s32 $_scs_section_size  }
0x9a: {  	s4 =	simm.s32 $_size__tile_overlayer_lowered;
	s5 =	simm.s32 $_tile_overlayer_lowered  }
0x9b: {  	s22 =	simm.s32 $0x1BFF;
	s21 =	sshll.u32 s5, $0x1;
	s2 =	sadd.s32 s19, s18  }
0x9c: {  	s6 =	simm.s32 $0x0;
	s20 =	sshll.u32 s4, $0x1;
	s4 =	sadd.s32 s21, s2  }
0x9d: {  	[timem:s6], [sflag:s22] =	dma.local [hbm:s4], s20  }
0x9e: {  	_ =	swait.ge [sflag:s22], s20  }
0x9f: {  	s3 =	ssub.s32 $0x0, s20;
	[sflag:s22] =	ssyncset.done $0x0  }
0xa0: {  	[sflag:s22] =	ssyncadd.s32 s3;
	_ =	sdelay $0x1  }
0xa1: {  	s23 =	simm.s32 $0x1B8B  }
0xa2: {  	_ =	swait.ge [sflag:s23], $0x1  }
0xa3: {  	[sflag:s23] =	ssyncset.done $0x0  }
0xa4: {  	s25 =	simm.s32 $0x1B8E;
	s24 =	sld [smem:$0x3FFE];
	[sflag:s23] =	ssyncadd.s32 $0xFFFFFFFF  }
0xa5: {  	s26 =	simm.s32 $execute0_lowered;
	[smem:$0x3FD2] =	sst s25  }
0xa6: {  	s4 =	sshll.u32 s26, $0x1;
	_ =	strace $0x80000049;
	[dreg:$0x1] =	wrdreg $0xFFFFFFFF  }
0xa7: {  	s28 =	simm.s32 $_size_execute0_lowered;
	s2 =	sadd.s32 s2, s4;
	[dreg:$0x0] =	wrdreg $0x0  }
0xa8: {  	s4 =	sshll.u32 s28, $0x1;
	[dreg:$0x2] =	wrdreg s2  }
0xa9: {  	[dreg:$0x3] =	wrdreg s4  }
0xaa: {  	[dreg:$0x4] =	wrdreg $0xC0  }
0xab: {  	_ =	task [dreg:s6], $0x5FFFF  }
0xac: {  	[dreg:$0x1] =	wrdreg $0xFFFFFFFF  }
0xad: {  	[dreg:$0x0] =	wrdreg $0x60  }
0xae: {  	[dreg:$0x2] =	wrdreg s24  }
0xaf: {  	[dreg:$0x3] =	wrdreg $0x90000  }
0xb0: {  	[dreg:$0x4] =	wrdreg $0x9  }
0xb1: {  	_ =	task.clear_ibuf [dreg:s6], $0x5FFFF;
	_ =	strace $0x90000049  }
0xb2: {  	s29 =	simm.s32 $0x9;
	_ =	strace $0x8000004B  }
0xb3: {  	_ =	swait.ge [sflag:s29], $0x1  }
0xb4: {  	[sflag:s29] =	ssyncadd.s32 $0xFFFFFFFF  }
0xb5: {  	_ =	strace $0x9000004B  }
0xb6: {  	_ =	sfence  }
0xb7: {  	s30 =	sld [smem:$0x0];
	_ =	sdelay $0x2  }
0xb8: {  	s31 =	sshll.u32 s1, $0xD;
	s1 =	sshrl.u32 s1, $0x2  }
0xb9: {  	s3 =	sand.u32 $0x4000, s31;
	s1 =	sadd.s32 s1, s30  }
0xba: {  	s0 =	sor.u32 s3, s0;
	s1 =	sshll.u32 s1, $0x11  }
0xbb: {  	s0 =	sor.u32 s1, s0  }
0xbc: {  	s0 =	sadd.s32 $0x8F2B, s0  }
0xbd: {  	[sflag:s0] =	ssyncadd.remote.s32 $0x1  }
0xbe: {  	_ =	sfence.sel $0xFFFF  }
0xbf: {  	[dreg:$0x0] =	wrdreg $0xFFFFFFFF;
	(pc) =	sbr.abs _section_cstart, $3  }
0xc0: {  	[dreg:$0x1] =	wrdreg $0xFFFFFFFF  }
0xc1: {  	_ =	task.clear_ibuf [dreg:s6], $0x2FFFF;
	_ =	strace $0x9FFFFFFF  }
0xc2: {  	(tm) =	ssettm $0x7FFFFFFF  }
0xc3: {  	_ =	shalt  }
tec
execute0_lowered:
.L_overlay_start_1:
0x0: {  	(tag) =	ssettag $0x1  }
0x1: {  	s5 =	rddreg [dreg:$0x0]  }
0x2: {  	s0 =	srdreg.scid;
	s2 =	rddreg [dreg:$0x1];
	s3 =	simm.s32 $0x0  }
0x3: {  	s18 =	simm.s32 $0x6800;
	s8 =	sand.u32 $0x1, s0;
	s0 =	stileid.u32  }
0x4: {  	s28 =	simm.s32 $0x0;
	s10 =	sadd.s32 $0xF52C00, s5;
	s11 =	smul.u32 $0x4E000, s0  }
0x5: {  	[smem:$0x7FF] =	sst s3;
	s12 =	sadd.s32 $0x9CC00, s5;
	s22 =	smul.u32 $0x138800, s8  }
0x6: {  	s15 =	sadd.s32 $0x124800, s2;
	s4 =	sshll.u32 s8, $0x4;
	s24 =	smul.u32 $0x13800, s0  }
0x7: {  	_ =	strace $0x8000004A;
	s9 =	ssub.s32 $0x2, s8;
	s25 =	smul.u32 $0x271000, s8  }
0x8: {  	s30 =	smul.u32 $0x27100, s0;
	p0 =	seq.s32 s0, $0xF;
	s6 =	sor.u32 s0, s4  }
0x9: {  	s19 =	sshrl.u32 s9, $0x1;
	s17 =	sshll.u32 @!p0 s0, $0x6;
	s13 =	smul.u32 $0x138800, s6  }
0xa: {  	s4 =	sshll.u32 s6, $0xB;
	s14 =	ssub.s32 s9, s19;
	s6 =	smul.u32 $0x27100, s6  }
0xb: {  	s20 =	sshrl.u32 s11, $0x2;
	s9 =	sadd.s32 s24, s22;
	s11 =	sshrl.u32 s22, $0x3  }
0xc: {  	s31 =	sadd.s32 s25, s10;
	s19 =	simm.s32 $0x1;
	s22 =	simm.s32 $0x2  }
0xd: {  	s24 =	simm.s32 $0x3D00;
	s25 =	simm.s32 $0x3D80;
	s7 =	sadd.s32 s4, s5  }
0xe: {  	s4 =	sadd.s32 $0x26400, s5;
	s16 =	sadd.s32 s20, s2;
	s26 =	sshrl.u32 s9, $0x3  }
0xf: {  	s29 =	sadd.s32 s12, s11;
	s20 =	simm.s32 $0x50;
	s5 =	sadd.s32 $0x6400, s7  }
0x10: {  	s21 =	sshrl.u32 s13, $0x3;
	s6 =	sadd.s32 s10, s6;
	s8 =	sadd.s32 s12, s26  }
0x11: {  	s9 =	sadd.s32 $0x24900, s29;
	s12 =	sadd.s32 s30, s31;
	s13 =	simm.s32 $0x5  }
0x12: {  	s16 =	sshrl.u32 @!p0 s16, $0x3;
	s26 =	simm.s32 $0x3E00;
	s23 =	sadd.s32 s10, s21  }
0x13: {  	s10 =	smax.u32 s14, $0x1;
	s11 =	sadd.s32 $0x26C00, s6;
	s12 =	sadd.s32 $0xF00, s12  }
0x14: {  	s14 =	sshrl.u32 @p0 s15, $0x3;
	s15 =	sor.u32 @!p0 $0x1C05, s17;
	s17 =	simm.s32 $0x4000  }
0x15: {  	s21 =	simm.s32 $0x3;
	s7 =	sadd.s32 $0x500, s23;
	s23 =	simm.s32 $0x4  }
.LBB2_1:
0x16: {  	[tilespmem:s3], [sflag:$0x5] =	stream.linear.gather [hbm4b:s5+s3], $0x4000, $0x38;
	[tilespmem:$0x1C880] =	vst v63  }
0x17: {  	_ =	swait.ge [sflag:s13], $0x4000  }
0x18: {  	[sflag:s13] =	ssyncset.done $0x0  }
0x19: {  	s29 =	simm.s32 @p0 $0x1FC5;
	[sflag:s13] =	ssyncadd.s32 $0xFFFFC000  }
0x1a: {  	[spmem:s14], [sflag:s29] =	dma.local @p0 [hbm:s4], $0x2800  }
0x1b: {  	s29 =	simm.s32 @p0 $0x5  }
0x1c: {  	_ =	swait.ge @p0 [sflag:s29], $0x2800  }
0x1d: {  	[sflag:s29] =	ssyncset.done @p0 $0x0  }
0x1e: {  	[sflag:s29] =	ssyncadd.s32 @p0 $0xFFFFD800;
	s29 =	simm.s32 @!p0 $0x5  }
0x1f: {  	[spmem:s16], [sflag:s15] =	dma.local @!p0 [hbm:s4], $0x2700  }
0x20: {  	_ =	swait.ge @!p0 [sflag:s29], $0x2700  }
0x21: {  	[sflag:s29] =	ssyncset.done @!p0 $0x0  }
0x22: {  	[sflag:s29] =	ssyncadd.s32 @!p0 $0xFFFFD900  }
0x23: {  	[bflag:$0x0] =	sbarrier.arrive $0xFFFF  }
0x24: {  	[tilespmem:s17], [sflag:$0x1] =	stream.linear.gather [hbm4b:s6+s3], $0x2800, $0x38;
	[tilespmem:$0x1C880] =	vst v63  }
0x25: {  	_ = 	snop  }
0x26: {  	[tilespmem:s18], [sflag:$0x2] =	stream.linear.gather [hbm4b:s7+s3], $0x2800, $0x38;
	[tilespmem:$0x1C880] =	vst v63  }
0x27: {  	_ =	swait.ge [sflag:s19], $0x2800  }
0x28: {  	[sflag:s19] =	ssyncset.done $0x0  }
0x29: {  	s29 =	simm.s32 $0x0;
	[sflag:s19] =	ssyncadd.s32 $0xFFFFD800  }
0x2a: {  	[spmem:s2] =	stream.indirect.scatter.add.f32 [tilespmem:s17], [sflag:$0x3], $0x80, s29, s20, $0xb8;
	[tilespmem:$0x1C880] =	vst v63  }
0x2b: {  	_ =	swait.ge [sflag:s21], $0x2800  }
0x2c: {  	[sflag:s21] =	ssyncset.done $0x0  }
0x2d: {  	s29 =	sadd.s32 $0xFFFFFB00, s12;
	[sflag:s21] =	ssyncadd.s32 $0xFFFFD800  }
0x2e: {  	[tilespmem:s17], [sflag:$0x1] =	stream.linear.gather [hbm4b:s29+s3], $0x2800, $0x38;
	[tilespmem:$0x1C880] =	vst v63  }
0x2f: {  	_ =	swait.ge [sflag:s22], $0x2800  }
0x30: {  	[sflag:s22] =	ssyncset.done $0x0  }
0x31: {  	s29 =	simm.s32 $0x80;
	[sflag:s22] =	ssyncadd.s32 $0xFFFFD800  }
0x32: {  	[spmem:s2] =	stream.indirect.scatter.add.f32 [tilespmem:s18], [sflag:$0x4], $0x80, s29, s20, $0xb8;
	[tilespmem:$0x1C880] =	vst v63  }
0x33: {  	_ =	swait.ge [sflag:s23], $0x2800  }
0x34: {  	s30 =	sadd.s32 $0xA00, s12;
	[sflag:s23] =	ssyncset.done $0x0  }
0x35: {  	s31 =	smov.u32 s12;
	s29 =	simm.s32 $0x400;
	[sflag:s23] =	ssyncadd.s32 $0xFFFFD800  }
.LBB2_2:
0x36: {  	[tilespmem:s18], [sflag:$0x2] =	stream.linear.gather [hbm4b:s31+s3], $0x2800, $0x38;
	[tilespmem:$0x1C880] =	vst v63  }
0x37: {  	s0 =	smov.u32 s29;
	s31 =	smov.u32 s30  }
0x38: {  	p1 =	sne.s32 s29, $0xF000;
	s29 =	sadd.s32 $0x400, s29;
	_ =	swait.ge [sflag:s19], $0x2800  }
0x39: {  	[sflag:s19] =	ssyncset.done $0x0  }
0x3a: {  	s0 =	sshra.s32 s0, $0x2;
	[sflag:s19] =	ssyncadd.s32 $0xFFFFD800  }
0x3b: {  	[spmem:s2] =	stream.indirect.scatter.add.f32 [tilespmem:s17], [sflag:$0x3], $0x80, s0, s20, $0xb8;
	[tilespmem:$0x1C880] =	vst v63  }
0x3c: {  	_ =	swait.ge [sflag:s21], $0x2800  }
0x3d: {  	[sflag:s21] =	ssyncset.done $0x0  }
0x3e: {  	s1 =	sadd.s32 $0xFFFFFB00, s30;
	[sflag:s21] =	ssyncadd.s32 $0xFFFFD800  }
0x3f: {  	[tilespmem:s17], [sflag:$0x1] =	stream.linear.gather [hbm4b:s1+s3], $0x2800, $0x38;
	[tilespmem:$0x1C880] =	vst v63  }
0x40: {  	_ =	swait.ge [sflag:s22], $0x2800  }
0x41: {  	[sflag:s22] =	ssyncset.done $0x0  }
.Ltmp0:
0x42: {  	s0 =	sadd.s32 $0x80, s0;
	[sflag:s22] =	ssyncadd.s32 $0xFFFFD800;
	(pc) =	sbr.rel @p1 .LBB2_2-.Ltmp0, $4  }
0x43: {  	[spmem:s2] =	stream.indirect.scatter.add.f32 [tilespmem:s18], [sflag:$0x4], $0x80, s0, s20, $0xb8;
	[tilespmem:$0x1C880] =	vst v63  }
0x44: {  	_ =	swait.ge [sflag:s23], $0x2800  }
0x45: {  	[sflag:s23] =	ssyncset.done $0x0  }
0x46: {  	s30 =	sadd.s32 $0xA00, s30;
	[sflag:s23] =	ssyncadd.s32 $0xFFFFD800  }
0x47: {  	[tilespmem:s18], [sflag:$0x2] =	stream.linear.gather [hbm4b:s31+s3], $0x2800, $0x38;
	[tilespmem:$0x1C880] =	vst v63  }
0x48: {  	_ =	swait.ge [sflag:s19], $0x2800  }
0x49: {  	[sflag:s19] =	ssyncset.done $0x0  }
0x4a: {  	[sflag:s19] =	ssyncadd.s32 $0xFFFFD800  }
0x4b: {  	[spmem:s2] =	stream.indirect.scatter.add.f32 [tilespmem:s17], [sflag:$0x3], $0x80, s24, s20, $0xb8;
	[tilespmem:$0x1C880] =	vst v63  }
0x4c: {  	_ =	swait.ge [sflag:s21], $0x2800  }
0x4d: {  	[sflag:s21] =	ssyncset.done $0x0  }
0x4e: {  	[sflag:s21] =	ssyncadd.s32 $0xFFFFD800  }
0x4f: {  	[tilespmem:s17], [sflag:$0x1] =	stream.linear.gather [hbm4b:s11+s3], $0x2800, $0x38;
	[tilespmem:$0x1C880] =	vst v63  }
0x50: {  	_ =	swait.ge [sflag:s22], $0x2800  }
0x51: {  	[sflag:s22] =	ssyncset.done $0x0  }
0x52: {  	[sflag:s22] =	ssyncadd.s32 $0xFFFFD800  }
0x53: {  	[spmem:s2] =	stream.indirect.scatter.add.f32 [tilespmem:s18], [sflag:$0x4], $0x80, s25, s20, $0xb8;
	[tilespmem:$0x1C880] =	vst v63  }
0x54: {  	_ =	swait.ge [sflag:s23], $0x2800  }
0x55: {  	[sflag:s23] =	ssyncset.done $0x0  }
0x56: {  	[sflag:s23] =	ssyncadd.s32 $0xFFFFD800  }
0x57: {  	_ =	swait.ge [sflag:s19], $0x2800  }
0x58: {  	[sflag:s19] =	ssyncset.done $0x0  }
0x59: {  	[sflag:s19] =	ssyncadd.s32 $0xFFFFD800  }
0x5a: {  	[spmem:s2] =	stream.indirect.scatter.add.f32 [tilespmem:s17], [sflag:$0x3], $0x80, s26, s20, $0xb8;
	[tilespmem:$0x1C880] =	vst v63  }
0x5b: {  	_ =	swait.ge [sflag:s21], $0x2800  }
0x5c: {  	[sflag:s21] =	ssyncset.done $0x0  }
0x5d: {  	[sflag:s21] =	ssyncadd.s32 $0xFFFFD800  }
0x5e: {  	s0 =	simm.s32 @p0 $0x1FC5;
	[bflag:$0x0] =	sbarrier.arrive $0xFFFF  }
0x5f: {  	[hbm:s9], [sflag:s0] =	dma.local @p0 [spmem:s14], $0x2800  }
0x60: {  	s0 =	simm.s32 @p0 $0x5  }
0x61: {  	s28 =	sadd.s32 $0x1, s28;
	_ =	swait.ge @p0 [sflag:s0], $0x2800  }
0x62: {  	p1 =	sne.s32 s28, s10;
	[sflag:s0] =	ssyncset.done @p0 $0x0  }
.Ltmp1:
0x63: {  	[sflag:s0] =	ssyncadd.s32 @p0 $0xFFFFD800;
	s0 =	simm.s32 @!p0 $0x5;
	(pc) =	sbr.rel @p1 .LBB2_1-.Ltmp1, $4  }
0x64: {  	[hbm:s8], [sflag:s15] =	dma.local @!p0 [spmem:s16], $0x2700  }
0x65: {  	_ =	swait.ge @!p0 [sflag:s0], $0x2700  }
0x66: {  	[sflag:s0] =	ssyncset.done @!p0 $0x0  }
0x67: {  	[sflag:s0] =	ssyncadd.s32 @!p0 $0xFFFFD900  }
0x68: {  	_ =	sfence.sel $0x180000  }
0x69: {  	[bflag:$0x0] =	sbarrier.arrive $0xFFFF  }
0x6a: {  	_ =	strace $0x9000004A  }
0x6b: {  	s0 =	stileid.u32;
	[bflag:$0x2] =	sbarrier.arrive $0xFFFF  }
0x6c: {  	p0 =	sne.s32 s0, $0x0;
	s0 =	rddreg [dreg:$0x2]  }
0x6d: {  	s0 =	sadd.s32 @!p0 $0x100000, s0  }
0x6e: {  	[sflag:s0] =	ssyncadd.tile.s32 @!p0 $0x1;
	_ =	shalt  }
.Lfunc_end2:
_tile_overlayer_lowered:
.L_overlay_start_2:
0x6f: {  	(tag) =	ssettag $0x2  }
0x70: {  	s0 =	rddreg [dreg:$0x0];
	s2 =	stileid.u32  }
0x71: {  	s1 =	rddreg [dreg:$0x1];
	p0 =	sne.s32 s2, $0x0  }
0x72: {  	s3 =	rddreg [dreg:$0x2];
	[bflag:$0x3] =	sbarrier.arrive $0xFFFF;
	s2 =	simm.s32 @!p0 $0x1C05  }
0x73: {  	[timem:s3], [sflag:s2] =	dma.local @!p0 [hbm:s0], s1  }
0x74: {  	s0 =	simm.s32 @!p0 $0x5  }
0x75: {  	_ =	swait.ge @!p0 [sflag:s0], s1  }
0x76: {  	s1 =	ssub.s32 @!p0 $0x0, s1;
	[sflag:s0] =	ssyncset.done @!p0 $0x0  }
0x77: {  	[sflag:s0] =	ssyncadd.s32 @!p0 s1  }
0x78: {  	[bflag:$0x3] =	sbarrier.arrive $0xFFFF  }
0x79: {  	_ =	shalt  }

// kernel: kernel.18.cloned.1.call-start
scs
__scs_entry_jumppad:
0x0: {  	(pc) =	sbr.rel $0x88, $3  }
0x1: {  	(tag) =	ssettag $0x0;
	lr =	simm.s32 $0x1  }
0x2: {  	[smem:$0x3F80] =	sst lr;
	_ =	strace $0xD0000000  }
0x3: {  	_ = 	snop  }
0x4: {  	_ = 	snop  }
0x5: {  	_ = 	snop  }
0x6: {  	_ = 	snop  }
0x7: {  	_ = 	snop  }
__scs_overlays_trampoline_lowered:
0x8: {  	[smem:$0x3F8F] =	sst s0  }
0x9: {  	[smem:$0x3F90] =	sst s1  }
0xa: {  	[smem:$0x3F91] =	sst s2  }
0xb: {  	[smem:$0x3F92] =	sst s3  }
0xc: {  	[smem:$0x3F93] =	sst s4  }
0xd: {  	[smem:$0x3F94] =	sst s5  }
0xe: {  	[smem:$0x3F95] =	sst s6  }
0xf: {  	[smem:$0x3F96] =	sst s7  }
0x10: {  	[smem:$0x3F97] =	sst s8  }
0x11: {  	[smem:$0x3F98] =	sst s9;
	s0 =	simm.s32 @!p0 $0x0  }
0x12: {  	s1 =	sld [smem:$0x3F7E];
	s0 =	simm.s32 @p0 $0x1  }
0x13: {  	[smem:$0x3F99] =	sst s0;
	s0 =	simm.s32 @!p1 $0x0  }
0x14: {  	s2 =	sld [smem:$0x3F7D];
	s0 =	simm.s32 @p1 $0x1  }
0x15: {  	[smem:$0x3F9A] =	sst s0;
	s0 =	simm.s32 @!p2 $0x0  }
0x16: {  	s3 =	sld [smem:$0x3FDB];
	s0 =	simm.s32 @p2 $0x1  }
0x17: {  	s4 =	simm.s32 $0x1BF5;
	[smem:$0x3F9C] =	sst s0  }
0x18: {  	s0 =	sld [smem:$0x3F7F];
	_ =	swait.ge [sflag:s4], $0x0  }
0x19: {  	s7 =	sld [smem:$0x3F80]  }
0x1a: {  	s8 =	sadd.s32 $0xFFFFE003, lr  }
0x1b: {  	s9 =	sadd.s32 $0xFFFFFEF7, lr;
	s5 =	simm.s32 $0xFFFFFFFF;
	p2 =	slt.u32 s8, $0xFFFFF086  }
0x1c: {  	p1 =	slt.u32 s9, $0xF7A;
	s5 =	simm.s32 @!p2 $0x0  }
0x1d: {  	s5 =	simm.s32 @p1 $0x1;
	p0 =	seq.s32 s7, s2  }
0x1e: {  	s7 =	smul.u32 @!p0 $0xF7A, s2;
	p2 =	seq.s32 @!p0 s5, $0x0  }
0x1f: {  	s9 =	smul.u32 $0xF7A, s1;
	s8 =	simm.s32 @!p0 $0x1BF5;
	p2 =	por !p2, p0  }
0x20: {  	[sflag:s8] =	ssyncset.s32 @!p0 $0xFFFFF086;
	s6 =	sadd.s32 @!p0 s3, s7;
	s7 =	simm.s32 @!p0 $0x108  }
0x21: {  	s3 =	sadd.s32 s3, s9;
	s6 =	sadd.s32 @!p0 $0x88, s6;
	s7 =	simm.s32 @p2 $0x1082  }
0x22: {  	[simem:s7], [sflag:s8] =	dma.local @!p0 [hbm:s6], $0xF7A  }
0x23: {  	s9 =	sor.u32 $0xD0000000, s2;
	s6 =	simm.s32 $0x108;
	_ =	swait.ge @!p0 [sflag:s8], $0x0  }
0x24: {  	s3 =	sadd.s32 $0x88, s3;
	s6 =	simm.s32 @!p1 $0x1082;
	[sflag:s4] =	ssyncset.s32 $0xFFFFF086  }
0x25: {  	[simem:s6], [sflag:s4] =	dma.local [hbm:s3], $0xF7A  }
0x26: {  	[smem:$0x3F80] =	sst s1;
	(tag) =	ssettag s2;
	_ =	strace s9  }
0x27: {  	s1 =	sld [smem:$0x3F90]  }
0x28: {  	s2 =	sld [smem:$0x3F91]  }
0x29: {  	s4 =	sld [smem:$0x3F93]  }
0x2a: {  	p0 =	seq.s32 s5, $0x0;
	s5 =	sld [smem:$0x3F94]  }
0x2b: {  	s6 =	sld [smem:$0x3F95]  }
0x2c: {  	s7 =	sld [smem:$0x3F96]  }
0x2d: {  	s3 =	simm.s32 $0x108;
	s8 =	sld [smem:$0x3F97]  }
0x2e: {  	s3 =	simm.s32 @!p0 $0x1082;
	s9 =	sld [smem:$0x3F98]  }
0x2f: {  	lr =	sadd.s32 s0, s3;
	s0 =	sld [smem:$0x3F8F]  }
0x30: {  	s3 =	sld [smem:$0x3F92]  }
0x31: {  	[smem:$0x3F9B] =	sst s10  }
0x32: {  	s10 =	sld [smem:$0x3F99];
	_ =	sdelay $0x3  }
0x33: {  	p0 =	seq.s32 s10, $0x1;
	s10 =	sld [smem:$0x3F9B];
	_ =	sdelay $0x3  }
0x34: {  	[smem:$0x3F9B] =	sst s10  }
0x35: {  	s10 =	sld [smem:$0x3F9A];
	_ =	sdelay $0x3  }
0x36: {  	p1 =	seq.s32 s10, $0x1;
	s10 =	sld [smem:$0x3F9B];
	_ =	sdelay $0x3  }
0x37: {  	[smem:$0x3F9B] =	sst s10  }
0x38: {  	s10 =	sld [smem:$0x3F9C]  }
0x39: {  	_ = 	snop;
	(pc) =	sbr.ind lr, $3  }
0x3a: {  	_ = 	snop  }
0x3b: {  	_ = 	snop  }
0x3c: {  	p2 =	seq.s32 s10, $0x1;
	s10 =	sld [smem:$0x3F9B]  }
0x3d: {  	_ =	shalt  }
0x3e: {  	_ =	shalt  }
0x3f: {  	_ =	shalt  }
0x40: {  	_ =	shalt  }
0x41: {  	_ =	shalt  }
0x42: {  	_ =	shalt  }
0x43: {  	_ =	shalt  }
0x44: {  	_ =	shalt  }
0x45: {  	_ =	shalt  }
0x46: {  	_ =	shalt  }
0x47: {  	_ =	shalt  }
0x48: {  	_ =	shalt  }
0x49: {  	_ =	shalt  }
0x4a: {  	_ =	shalt  }
0x4b: {  	_ =	shalt  }
0x4c: {  	_ =	shalt  }
0x4d: {  	_ =	shalt  }
0x4e: {  	_ =	shalt  }
0x4f: {  	_ =	shalt  }
0x50: {  	_ =	shalt  }
0x51: {  	_ =	shalt  }
0x52: {  	_ =	shalt  }
0x53: {  	_ =	shalt  }
0x54: {  	_ =	shalt  }
0x55: {  	_ =	shalt  }
0x56: {  	_ =	shalt  }
0x57: {  	_ =	shalt  }
0x58: {  	_ =	shalt  }
0x59: {  	_ =	shalt  }
0x5a: {  	_ =	shalt  }
0x5b: {  	_ =	shalt  }
0x5c: {  	_ =	shalt  }
0x5d: {  	_ =	shalt  }
0x5e: {  	_ =	shalt  }
0x5f: {  	_ =	shalt  }
0x60: {  	_ =	shalt  }
0x61: {  	_ =	shalt  }
0x62: {  	_ =	shalt  }
0x63: {  	_ =	shalt  }
0x64: {  	_ =	shalt  }
0x65: {  	_ =	shalt  }
0x66: {  	_ =	shalt  }
0x67: {  	_ =	shalt  }
0x68: {  	_ =	shalt  }
0x69: {  	_ =	shalt  }
0x6a: {  	_ =	shalt  }
0x6b: {  	_ =	shalt  }
0x6c: {  	_ =	shalt  }
0x6d: {  	_ =	shalt  }
0x6e: {  	_ =	shalt  }
0x6f: {  	_ =	shalt  }
0x70: {  	_ =	shalt  }
0x71: {  	_ =	shalt  }
0x72: {  	_ =	shalt  }
0x73: {  	_ =	shalt  }
0x74: {  	_ =	shalt  }
0x75: {  	_ =	shalt  }
0x76: {  	_ =	shalt  }
0x77: {  	_ =	shalt  }
0x78: {  	_ =	shalt  }
0x79: {  	_ =	shalt  }
0x7a: {  	_ =	shalt  }
0x7b: {  	_ =	shalt  }
0x7c: {  	_ =	shalt  }
0x7d: {  	_ =	shalt  }
0x7e: {  	_ =	shalt  }
0x7f: {  	_ =	shalt  }
0x80: {  	_ =	shalt  }
0x81: {  	_ =	shalt  }
0x82: {  	_ =	shalt  }
0x83: {  	_ =	shalt  }
0x84: {  	_ =	shalt  }
0x85: {  	_ =	shalt  }
0x86: {  	_ =	shalt  }
0x87: {  	_ =	shalt  }
.Lfunc_end0:
.L_simem_size_0:
called_computation.2_lowered:
.L_overlay_start_0:
0x88: {  	s2 =	sld [smem:$0x3FD9]  }
0x89: {  	s3 =	sld [smem:$0x3FFE];
	_ =	sdelay $0x1  }
0x8a: {  	s1 =	srdreg.scid  }
0x8b: {  	s0 =	sand.u32 $0x1, s1  }
0x8c: {  	s16 =	sshll.u32 s0, $0xA;
	s2 =	sadd.s32 s3, s2  }
0x8d: {  	s2 =	sadd.s32 s2, s16  }
0x8e: {  	[smem:$0x3FA7] =	sst s2  }
0x8f: {  	_ = 	snop  }
0x90: {  	(tm) =	ssettm $0x1  }
0x91: {  	s17 =	sld [smem:$0x3FFB];
	_ =	sdelay $0x3  }
0x92: {  	_ =	strace s17  }
0x93: {  	s2 =	sld [smem:$0x3FFC];
	_ =	sdelay $0x3  }
0x94: {  	_ =	strace s2  }
0x95: {  	s2 =	sld [smem:$0x3FFD];
	_ =	sdelay $0x3  }
0x96: {  	_ =	strace s2  }
0x97: {  	_ =	strace $0x8FFFFFFF  }
0x98: {  	s18 =	sld [smem:$0x3FDB];
	_ =	sdelay $0x1  }
0x99: {  	s19 =	simm.s32 $_scs_section_size  }
0x9a: {  	s4 =	simm.s32 $_size__tile_overlayer_lowered;
	s5 =	simm.s32 $_tile_overlayer_lowered  }
0x9b: {  	s22 =	simm.s32 $0x1BFF;
	s21 =	sshll.u32 s5, $0x1;
	s2 =	sadd.s32 s19, s18  }
0x9c: {  	s6 =	simm.s32 $0x0;
	s20 =	sshll.u32 s4, $0x1;
	s4 =	sadd.s32 s21, s2  }
0x9d: {  	[timem:s6], [sflag:s22] =	dma.local [hbm:s4], s20  }
0x9e: {  	_ =	swait.ge [sflag:s22], s20  }
0x9f: {  	s3 =	ssub.s32 $0x0, s20;
	[sflag:s22] =	ssyncset.done $0x0  }
0xa0: {  	[sflag:s22] =	ssyncadd.s32 s3;
	_ =	sdelay $0x1  }
0xa1: {  	s23 =	simm.s32 $0x1B8B  }
0xa2: {  	_ =	swait.ge [sflag:s23], $0x1  }
0xa3: {  	[sflag:s23] =	ssyncset.done $0x0  }
0xa4: {  	s25 =	simm.s32 $0x1B8E;
	s24 =	sld [smem:$0x3FFE];
	[sflag:s23] =	ssyncadd.s32 $0xFFFFFFFF  }
0xa5: {  	s26 =	simm.s32 $execute0_lowered;
	[smem:$0x3FD2] =	sst s25  }
0xa6: {  	s4 =	sshll.u32 s26, $0x1;
	_ =	strace $0x8000004C;
	[dreg:$0x1] =	wrdreg $0xFFFFFFFF  }
0xa7: {  	s28 =	simm.s32 $_size_execute0_lowered;
	s2 =	sadd.s32 s2, s4;
	[dreg:$0x0] =	wrdreg $0x0  }
0xa8: {  	s4 =	sshll.u32 s28, $0x1;
	[dreg:$0x2] =	wrdreg s2  }
0xa9: {  	[dreg:$0x3] =	wrdreg s4  }
0xaa: {  	[dreg:$0x4] =	wrdreg $0xC0  }
0xab: {  	_ =	task [dreg:s6], $0x5FFFF  }
0xac: {  	[dreg:$0x1] =	wrdreg $0xFFFFFFFF  }
0xad: {  	[dreg:$0x0] =	wrdreg $0x60  }
0xae: {  	[dreg:$0x2] =	wrdreg s24  }
0xaf: {  	[dreg:$0x3] =	wrdreg $0x9  }
0xb0: {  	_ =	task.clear_ibuf [dreg:s6], $0x4FFFF;
	_ =	strace $0x9000004C  }
0xb1: {  	s29 =	simm.s32 $0x9;
	_ =	strace $0x8000004E  }
0xb2: {  	_ =	swait.ge [sflag:s29], $0x1  }
0xb3: {  	[sflag:s29] =	ssyncadd.s32 $0xFFFFFFFF  }
0xb4: {  	_ =	strace $0x9000004E  }
0xb5: {  	_ =	sfence  }
0xb6: {  	s30 =	sld [smem:$0x0];
	_ =	sdelay $0x2  }
0xb7: {  	s31 =	sshll.u32 s1, $0xD;
	s1 =	sshrl.u32 s1, $0x2  }
0xb8: {  	s3 =	sand.u32 $0x4000, s31;
	s1 =	sadd.s32 s1, s30  }
0xb9: {  	s0 =	sor.u32 s3, s0;
	s1 =	sshll.u32 s1, $0x11  }
0xba: {  	s0 =	sor.u32 s1, s0  }
0xbb: {  	s0 =	sadd.s32 $0x8F2B, s0  }
0xbc: {  	[sflag:s0] =	ssyncadd.remote.s32 $0x1  }
0xbd: {  	_ =	sfence.sel $0xFFFF  }
0xbe: {  	[dreg:$0x0] =	wrdreg $0xFFFFFFFF;
	(pc) =	sbr.abs _section_cstart, $3  }
0xbf: {  	[dreg:$0x1] =	wrdreg $0xFFFFFFFF  }
0xc0: {  	_ =	task.clear_ibuf [dreg:s6], $0x2FFFF;
	_ =	strace $0x9FFFFFFF  }
0xc1: {  	(tm) =	ssettm $0x7FFFFFFF  }
tec
execute0_lowered:
.L_overlay_start_1:
0x0: {  	(tag) =	ssettag $0x1  }
0x1: {  	s0 =	rddreg [dreg:$0x0];
	s1 =	simm.s32 $0x0  }
0x2: {  	s2 =	srdreg.scid;
	s11 =	stileid.u32;
	s16 =	simm.s32 $0x9  }
0x3: {  	s17 =	simm.s32 $0x4000;
	s18 =	simm.s32 $0x50;
	s19 =	simm.s32 $0x8000  }
0x4: {  	s20 =	simm.s32 $0xD000;
	s28 =	simm.s32 $0x5;
	s29 =	simm.s32 $0x7  }
0x5: {  	s30 =	simm.s32 $0x2;
	s31 =	simm.s32 $0x4;
	[smem:$0x7FF] =	sst s1  }
0x6: {  	s2 =	sand.u32 $0x1, s2;
	s3 =	sadd.s32 $0x28C00, s0;
	s4 =	sadd.s32 $0x4FE00, s0  }
0x7: {  	s13 =	sadd.s32 $0x9E200, s0;
	s25 =	smul.u32 $0x27100, s11;
	s5 =	sshll.u32 s2, $0x4  }
0x8: {  	s7 =	ssub.s32 $0x2, s2;
	s2 =	smul.u32 $0x271000, s2;
	s5 =	sor.u32 s11, s5  }
0x9: {  	_ =	strace $0x8000004D;
	s9 =	sshrl.u32 s7, $0x1;
	s8 =	smul.u32 $0x138800, s5  }
0xa: {  	s6 =	sshll.u32 s5, $0xB;
	s7 =	ssub.s32 s7, s9;
	s5 =	smul.u32 $0x27100, s5  }
0xb: {  	s26 =	sadd.s32 s2, s13;
	s6 =	sadd.s32 s6, s0;
	s0 =	sadd.s32 $0x580200, s0  }
0xc: {  	s9 =	smax.u32 s7, $0x1;
	s14 =	sadd.s32 s25, s26;
	s26 =	simm.s32 $0x3  }
0xd: {  	s8 =	sshrl.u32 s8, $0x3;
	s21 =	sadd.s32 $0x6400, s6;
	s6 =	sadd.s32 $0x16400, s6  }
0xe: {  	s24 =	sadd.s32 $0x26200, s5;
	s5 =	sadd.s32 $0x26700, s5;
	[dreg:$0x2] =	wrdreg s21  }
0xf: {  	s8 =	sadd.s32 $0x26C00, s8;
	[dreg:$0x3] =	wrdreg s6;
	s10 =	sadd.s32 s13, s24  }
0x10: {  	s11 =	sadd.s32 s0, s24;
	s12 =	sadd.s32 s13, s5;
	s24 =	simm.s32 $0xF800  }
0x11: {  	s21 =	simm.s32 $0x0;
	s22 =	sadd.s32 s13, s8;
	s23 =	sadd.s32 s0, s8  }
0x12: {  	s13 =	sadd.s32 s0, s5;
	s0 =	sadd.s32 s2, s0;
	[dreg:$0x4] =	wrdreg s22  }
0x13: {  	s2 =	simm.s32 $0x8;
	[dreg:$0x5] =	wrdreg s23;
	s15 =	sadd.s32 s25, s0  }
0x14: {  	s22 =	simm.s32 $0xA800;
	s25 =	simm.s32 $0x1;
	s0 =	simm.s32 $0x6  }
.LBB2_1:
0x15: {  	s5 =	rddreg [dreg:$0x2]  }
0x16: {  	[tilespmem:s1], [sflag:$0x9] =	stream.linear.gather [hbm4b:s5+s1], $0x4000, $0x38;
	[tilespmem:$0x12000] =	vst v63  }
0x17: {  	_ =	swait.ge [sflag:s16], $0x4000  }
0x18: {  	[sflag:s16] =	ssyncset.done $0x0  }
0x19: {  	s23 =	rddreg [dreg:$0x3];
	[sflag:s16] =	ssyncadd.s32 $0xFFFFC000  }
0x1a: {  	[tilespmem:s17], [sflag:$0x9] =	stream.linear.gather [hbm4b:s23+s1], $0x4000, $0x38;
	[tilespmem:$0x12000] =	vst v63  }
0x1b: {  	_ =	swait.ge [sflag:s16], $0x4000  }
0x1c: {  	[sflag:s16] =	ssyncset.done $0x0  }
0x1d: {  	[sflag:s16] =	ssyncadd.s32 $0xFFFFC000  }
0x1e: {  	[tilespmem:s19], [sflag:$0x1] =	stream.indirect.gather [hbm4b:s3+s18], $0x80, s1, s18, $0xb8;
	[tilespmem:$0x12000] =	vst v63  }
0x1f: {  	_ = 	snop  }
0x20: {  	[tilespmem:s20], [sflag:$0x3] =	stream.indirect.gather [hbm4b:s4+s18], $0x80, s17, s18, $0xb8;
	[tilespmem:$0x12000] =	vst v63  }
0x21: {  	s6 =	simm.s32 $0x80  }
0x22: {  	[tilespmem:s22], [sflag:$0x2] =	stream.indirect.gather [hbm4b:s3+s18], $0x80, s6, s18, $0xb8;
	[tilespmem:$0x12000] =	vst v63  }
0x23: {  	s7 =	simm.s32 $0x4080  }
0x24: {  	[tilespmem:s24], [sflag:$0x4] =	stream.indirect.gather [hbm4b:s4+s18], $0x80, s7, s18, $0xb8;
	[tilespmem:$0x12000] =	vst v63  }
0x25: {  	_ =	swait.ge [sflag:s25], $0x2800  }
0x26: {  	[sflag:s25] =	ssyncset.done $0x0  }
0x27: {  	[sflag:s25] =	ssyncadd.s32 $0xFFFFD800  }
0x28: {  	_ =	swait.ge [sflag:s26], $0x2800  }
0x29: {  	[sflag:s26] =	ssyncset.done $0x0  }
0x2a: {  	s8 =	sadd.s32 $0x0, s14;
	[sflag:s26] =	ssyncadd.s32 $0xFFFFD800  }
0x2b: {  	[hbm4b:s8+s1] =	stream.linear.scatter [tilespmem:s19], [sflag:$0x5], $0x2800, $0x38;
	[tilespmem:$0x12000] =	vst v63  }
0x2c: {  	s6 =	sadd.s32 $0x0, s15  }
0x2d: {  	[hbm4b:s6+s1] =	stream.linear.scatter [tilespmem:s20], [sflag:$0x7], $0x2800, $0x38;
	[tilespmem:$0x12000] =	vst v63  }
0x2e: {  	_ =	swait.ge [sflag:s28], $0x2800  }
0x2f: {  	[sflag:s28] =	ssyncset.done $0x0  }
0x30: {  	[sflag:s28] =	ssyncadd.s32 $0xFFFFD800  }
0x31: {  	_ =	swait.ge [sflag:s29], $0x2800  }
0x32: {  	[sflag:s29] =	ssyncset.done $0x0  }
0x33: {  	s7 =	simm.s32 $0x100;
	[sflag:s29] =	ssyncadd.s32 $0xFFFFD800  }
0x34: {  	[tilespmem:s19], [sflag:$0x1] =	stream.indirect.gather [hbm4b:s3+s18], $0x80, s7, s18, $0xb8;
	[tilespmem:$0x12000] =	vst v63  }
0x35: {  	s23 =	simm.s32 $0x4100  }
0x36: {  	[tilespmem:s20], [sflag:$0x3] =	stream.indirect.gather [hbm4b:s4+s18], $0x80, s23, s18, $0xb8;
	[tilespmem:$0x12000] =	vst v63  }
0x37: {  	_ =	swait.ge [sflag:s30], $0x2800  }
0x38: {  	[sflag:s30] =	ssyncset.done $0x0  }
0x39: {  	[sflag:s30] =	ssyncadd.s32 $0xFFFFD800  }
0x3a: {  	_ =	swait.ge [sflag:s31], $0x2800  }
0x3b: {  	[sflag:s31] =	ssyncset.done $0x0  }
0x3c: {  	s5 =	sadd.s32 $0x500, s8;
	[sflag:s31] =	ssyncadd.s32 $0xFFFFD800  }
0x3d: {  	[hbm4b:s5+s1] =	stream.linear.scatter [tilespmem:s22], [sflag:$0x6], $0x2800, $0x38;
	[tilespmem:$0x12000] =	vst v63  }
0x3e: {  	s8 =	sadd.s32 $0x500, s6  }
0x3f: {  	[hbm4b:s8+s1] =	stream.linear.scatter [tilespmem:s24], [sflag:$0x8], $0x2800, $0x38;
	[tilespmem:$0x12000] =	vst v63  }
0x40: {  	_ =	swait.ge [sflag:s0], $0x2800  }
0x41: {  	[sflag:s0] =	ssyncset.done $0x0  }
0x42: {  	[sflag:s0] =	ssyncadd.s32 $0xFFFFD800  }
0x43: {  	_ =	swait.ge [sflag:s2], $0x2800  }
0x44: {  	[sflag:s2] =	ssyncset.done $0x0  }
0x45: {  	s6 =	simm.s32 $0x200;
	s23 =	simm.s32 $0x180;
	[sflag:s2] =	ssyncadd.s32 $0xFFFFD800  }
0x46: {  	[tilespmem:s22], [sflag:$0x2] =	stream.indirect.gather [hbm4b:s3+s18], $0x80, s23, s18, $0xb8;
	[tilespmem:$0x12000] =	vst v63  }
0x47: {  	s7 =	simm.s32 $0x4180;
	s5 =	simm.s32 $0x4200;
	s23 =	simm.s32 $0xA00  }
.LBB2_2:
0x48: {  	[tilespmem:s24], [sflag:$0x4] =	stream.indirect.gather [hbm4b:s4+s18], $0x80, s7, s18, $0xb8;
	[tilespmem:$0x12000] =	vst v63  }
0x49: {  	s7 =	smov.u32 s23  }
0x4a: {  	p0 =	sne.s32 s23, $0x25800;
	s23 =	sadd.s32 $0xA00, s23;
	_ =	swait.ge [sflag:s25], $0x2800  }
0x4b: {  	[sflag:s25] =	ssyncset.done $0x0  }
0x4c: {  	[sflag:s25] =	ssyncadd.s32 $0xFFFFD800  }
0x4d: {  	_ =	swait.ge [sflag:s26], $0x2800  }
0x4e: {  	[sflag:s26] =	ssyncset.done $0x0  }
0x4f: {  	s8 =	sadd.s32 s7, s14;
	[sflag:s26] =	ssyncadd.s32 $0xFFFFD800  }
0x50: {  	[hbm4b:s8+s1] =	stream.linear.scatter [tilespmem:s19], [sflag:$0x5], $0x2800, $0x38;
	[tilespmem:$0x12000] =	vst v63  }
0x51: {  	s7 =	sadd.s32 s7, s15  }
0x52: {  	[hbm4b:s7+s1] =	stream.linear.scatter [tilespmem:s20], [sflag:$0x7], $0x2800, $0x38;
	[tilespmem:$0x12000] =	vst v63  }
0x53: {  	_ =	swait.ge [sflag:s28], $0x2800  }
0x54: {  	[sflag:s28] =	ssyncset.done $0x0  }
0x55: {  	[sflag:s28] =	ssyncadd.s32 $0xFFFFD800  }
0x56: {  	_ =	swait.ge [sflag:s29], $0x2800  }
0x57: {  	[sflag:s29] =	ssyncset.done $0x0  }
0x58: {  	[sflag:s29] =	ssyncadd.s32 $0xFFFFD800  }
0x59: {  	[tilespmem:s19], [sflag:$0x1] =	stream.indirect.gather [hbm4b:s3+s18], $0x80, s6, s18, $0xb8;
	[tilespmem:$0x12000] =	vst v63  }
0x5a: {  	_ = 	snop  }
0x5b: {  	[tilespmem:s20], [sflag:$0x3] =	stream.indirect.gather [hbm4b:s4+s18], $0x80, s5, s18, $0xb8;
	[tilespmem:$0x12000] =	vst v63  }
0x5c: {  	_ =	swait.ge [sflag:s30], $0x2800  }
0x5d: {  	[sflag:s30] =	ssyncset.done $0x0  }
0x5e: {  	[sflag:s30] =	ssyncadd.s32 $0xFFFFD800  }
0x5f: {  	_ =	swait.ge [sflag:s31], $0x2800  }
0x60: {  	[sflag:s31] =	ssyncset.done $0x0  }
0x61: {  	s8 =	sadd.s32 $0x500, s8;
	[sflag:s31] =	ssyncadd.s32 $0xFFFFD800  }
0x62: {  	[hbm4b:s8+s1] =	stream.linear.scatter [tilespmem:s22], [sflag:$0x6], $0x2800, $0x38;
	[tilespmem:$0x12000] =	vst v63  }
0x63: {  	s7 =	sadd.s32 $0x500, s7  }
0x64: {  	[hbm4b:s7+s1] =	stream.linear.scatter [tilespmem:s24], [sflag:$0x8], $0x2800, $0x38;
	[tilespmem:$0x12000] =	vst v63  }
0x65: {  	_ =	swait.ge [sflag:s0], $0x2800  }
0x66: {  	[sflag:s0] =	ssyncset.done $0x0  }
0x67: {  	[sflag:s0] =	ssyncadd.s32 $0xFFFFD800  }
.Ltmp0:
0x68: {  	_ =	swait.ge [sflag:s2], $0x2800;
	(pc) =	sbr.rel @p0 .LBB2_2-.Ltmp0, $4  }
0x69: {  	[sflag:s2] =	ssyncset.done $0x0  }
0x6a: {  	s7 =	sadd.s32 $0x80, s6;
	[sflag:s2] =	ssyncadd.s32 $0xFFFFD800  }
0x6b: {  	[tilespmem:s22], [sflag:$0x2] =	stream.indirect.gather [hbm4b:s3+s18], $0x80, s7, s18, $0xb8;
	[tilespmem:$0x12000] =	vst v63  }
0x6c: {  	s6 =	sadd.s32 $0x100, s6;
	s7 =	sadd.s32 $0x80, s5;
	s5 =	sadd.s32 $0x100, s5  }
0x6d: {  	[tilespmem:s24], [sflag:$0x4] =	stream.indirect.gather [hbm4b:s4+s18], $0x80, s7, s18, $0xb8;
	[tilespmem:$0x12000] =	vst v63  }
0x6e: {  	_ =	swait.ge [sflag:s25], $0x2800  }
0x6f: {  	[sflag:s25] =	ssyncset.done $0x0  }
0x70: {  	[sflag:s25] =	ssyncadd.s32 $0xFFFFD800  }
0x71: {  	_ =	swait.ge [sflag:s26], $0x2800  }
0x72: {  	[sflag:s26] =	ssyncset.done $0x0  }
0x73: {  	[sflag:s26] =	ssyncadd.s32 $0xFFFFD800  }
0x74: {  	[hbm4b:s10+s1] =	stream.linear.scatter [tilespmem:s19], [sflag:$0x5], $0x2800, $0x38;
	[tilespmem:$0x12000] =	vst v63  }
0x75: {  	_ = 	snop  }
0x76: {  	[hbm4b:s11+s1] =	stream.linear.scatter [tilespmem:s20], [sflag:$0x7], $0x2800, $0x38;
	[tilespmem:$0x12000] =	vst v63  }
0x77: {  	_ =	swait.ge [sflag:s28], $0x2800  }
0x78: {  	[sflag:s28] =	ssyncset.done $0x0  }
0x79: {  	[sflag:s28] =	ssyncadd.s32 $0xFFFFD800  }
0x7a: {  	_ =	swait.ge [sflag:s29], $0x2800  }
0x7b: {  	[sflag:s29] =	ssyncset.done $0x0  }
0x7c: {  	s5 =	simm.s32 $0x3E00;
	[sflag:s29] =	ssyncadd.s32 $0xFFFFD800  }
0x7d: {  	[tilespmem:s19], [sflag:$0x1] =	stream.indirect.gather [hbm4b:s3+s18], $0x80, s5, s18, $0xb8;
	[tilespmem:$0x12000] =	vst v63  }
0x7e: {  	s7 =	simm.s32 $0x7E00  }
0x7f: {  	[tilespmem:s20], [sflag:$0x3] =	stream.indirect.gather [hbm4b:s4+s18], $0x80, s7, s18, $0xb8;
	[tilespmem:$0x12000] =	vst v63  }
0x80: {  	_ =	swait.ge [sflag:s30], $0x2800  }
0x81: {  	[sflag:s30] =	ssyncset.done $0x0  }
0x82: {  	[sflag:s30] =	ssyncadd.s32 $0xFFFFD800  }
0x83: {  	_ =	swait.ge [sflag:s31], $0x2800  }
0x84: {  	[sflag:s31] =	ssyncset.done $0x0  }
0x85: {  	[sflag:s31] =	ssyncadd.s32 $0xFFFFD800  }
0x86: {  	[hbm4b:s12+s1] =	stream.linear.scatter [tilespmem:s22], [sflag:$0x6], $0x2800, $0x38;
	[tilespmem:$0x12000] =	vst v63  }
0x87: {  	_ = 	snop  }
0x88: {  	[hbm4b:s13+s1] =	stream.linear.scatter [tilespmem:s24], [sflag:$0x8], $0x2800, $0x38;
	[tilespmem:$0x12000] =	vst v63  }
0x89: {  	_ =	swait.ge [sflag:s0], $0x2800  }
0x8a: {  	[sflag:s0] =	ssyncset.done $0x0  }
0x8b: {  	[sflag:s0] =	ssyncadd.s32 $0xFFFFD800  }
0x8c: {  	_ =	swait.ge [sflag:s2], $0x2800  }
0x8d: {  	[sflag:s2] =	ssyncset.done $0x0  }
0x8e: {  	[sflag:s2] =	ssyncadd.s32 $0xFFFFD800  }
0x8f: {  	_ =	swait.ge [sflag:s25], $0x2800  }
0x90: {  	[sflag:s25] =	ssyncset.done $0x0  }
0x91: {  	[sflag:s25] =	ssyncadd.s32 $0xFFFFD800  }
0x92: {  	_ =	swait.ge [sflag:s26], $0x2800  }
0x93: {  	[sflag:s26] =	ssyncset.done $0x0  }
0x94: {  	s8 =	rddreg [dreg:$0x4];
	[sflag:s26] =	ssyncadd.s32 $0xFFFFD800  }
0x95: {  	[hbm4b:s8+s1] =	stream.linear.scatter [tilespmem:s19], [sflag:$0x5], $0x2800, $0x38;
	[tilespmem:$0x12000] =	vst v63  }
0x96: {  	s21 =	sadd.s32 $0x1, s21;
	s23 =	rddreg [dreg:$0x5]  }
0x97: {  	[hbm4b:s23+s1] =	stream.linear.scatter [tilespmem:s20], [sflag:$0x7], $0x2800, $0x38;
	[tilespmem:$0x12000] =	vst v63  }
0x98: {  	p0 =	sne.s32 s21, s9;
	_ =	swait.ge [sflag:s28], $0x2800  }
.Ltmp1:
0x99: {  	[sflag:s28] =	ssyncset.done $0x0;
	(pc) =	sbr.rel @p0 .LBB2_1-.Ltmp1, $4  }
0x9a: {  	[sflag:s28] =	ssyncadd.s32 $0xFFFFD800  }
0x9b: {  	_ =	swait.ge [sflag:s29], $0x2800  }
0x9c: {  	[sflag:s29] =	ssyncset.done $0x0  }
0x9d: {  	[sflag:s29] =	ssyncadd.s32 $0xFFFFD800  }
0x9e: {  	_ =	sfence.sel $0x180000  }
0x9f: {  	[bflag:$0x0] =	sbarrier.arrive $0xFFFF  }
0xa0: {  	_ =	strace $0x9000004D  }
0xa1: {  	s0 =	stileid.u32;
	[bflag:$0x2] =	sbarrier.arrive $0xFFFF  }
0xa2: {  	p0 =	sne.s32 s0, $0x0;
	s0 =	rddreg [dreg:$0x1]  }
0xa3: {  	s0 =	sadd.s32 @!p0 $0x100000, s0  }
0xa4: {  	[sflag:s0] =	ssyncadd.tile.s32 @!p0 $0x1;
	_ =	shalt  }
.Lfunc_end2:
_tile_overlayer_lowered:
.L_overlay_start_2:
0xa5: {  	(tag) =	ssettag $0x2  }
0xa6: {  	s0 =	rddreg [dreg:$0x0];
	s2 =	stileid.u32  }
0xa7: {  	s1 =	rddreg [dreg:$0x1];
	p0 =	sne.s32 s2, $0x0  }
0xa8: {  	s3 =	rddreg [dreg:$0x2];
	[bflag:$0x3] =	sbarrier.arrive $0xFFFF;
	s2 =	simm.s32 @!p0 $0x1C09  }
0xa9: {  	[timem:s3], [sflag:s2] =	dma.local @!p0 [hbm:s0], s1  }
0xaa: {  	s0 =	simm.s32 @!p0 $0x9  }
0xab: {  	_ =	swait.ge @!p0 [sflag:s0], s1  }
0xac: {  	s1 =	ssub.s32 @!p0 $0x0, s1;
	[sflag:s0] =	ssyncset.done @!p0 $0x0  }
0xad: {  	[sflag:s0] =	ssyncadd.s32 @!p0 s1  }
0xae: {  	[bflag:$0x3] =	sbarrier.arrive $0xFFFF  }
0xaf: {  	_ =	shalt  }

// kernel: kernel.21.cloned.1.call-start
scs
__scs_entry_jumppad:
0x0: {  	(pc) =	sbr.rel $0x88, $3  }
0x1: {  	(tag) =	ssettag $0x0;
	lr =	simm.s32 $0x1  }
0x2: {  	[smem:$0x3F80] =	sst lr;
	_ =	strace $0xD0000000  }
0x3: {  	_ = 	snop  }
0x4: {  	_ = 	snop  }
0x5: {  	_ = 	snop  }
0x6: {  	_ = 	snop  }
0x7: {  	_ = 	snop  }
__scs_overlays_trampoline_lowered:
0x8: {  	[smem:$0x3F8F] =	sst s0  }
0x9: {  	[smem:$0x3F90] =	sst s1  }
0xa: {  	[smem:$0x3F91] =	sst s2  }
0xb: {  	[smem:$0x3F92] =	sst s3  }
0xc: {  	[smem:$0x3F93] =	sst s4  }
0xd: {  	[smem:$0x3F94] =	sst s5  }
0xe: {  	[smem:$0x3F95] =	sst s6  }
0xf: {  	[smem:$0x3F96] =	sst s7  }
0x10: {  	[smem:$0x3F97] =	sst s8  }
0x11: {  	[smem:$0x3F98] =	sst s9;
	s0 =	simm.s32 @!p0 $0x0  }
0x12: {  	s1 =	sld [smem:$0x3F7E];
	s0 =	simm.s32 @p0 $0x1  }
0x13: {  	[smem:$0x3F99] =	sst s0;
	s0 =	simm.s32 @!p1 $0x0  }
0x14: {  	s2 =	sld [smem:$0x3F7D];
	s0 =	simm.s32 @p1 $0x1  }
0x15: {  	[smem:$0x3F9A] =	sst s0;
	s0 =	simm.s32 @!p2 $0x0  }
0x16: {  	s3 =	sld [smem:$0x3FDB];
	s0 =	simm.s32 @p2 $0x1  }
0x17: {  	s4 =	simm.s32 $0x1BF5;
	[smem:$0x3F9C] =	sst s0  }
0x18: {  	s0 =	sld [smem:$0x3F7F];
	_ =	swait.ge [sflag:s4], $0x0  }
0x19: {  	s7 =	sld [smem:$0x3F80]  }
0x1a: {  	s8 =	sadd.s32 $0xFFFFE003, lr  }
0x1b: {  	s9 =	sadd.s32 $0xFFFFFEF7, lr;
	s5 =	simm.s32 $0xFFFFFFFF;
	p2 =	slt.u32 s8, $0xFFFFF086  }
0x1c: {  	p1 =	slt.u32 s9, $0xF7A;
	s5 =	simm.s32 @!p2 $0x0  }
0x1d: {  	s5 =	simm.s32 @p1 $0x1;
	p0 =	seq.s32 s7, s2  }
0x1e: {  	s7 =	smul.u32 @!p0 $0xF7A, s2;
	p2 =	seq.s32 @!p0 s5, $0x0  }
0x1f: {  	s9 =	smul.u32 $0xF7A, s1;
	s8 =	simm.s32 @!p0 $0x1BF5;
	p2 =	por !p2, p0  }
0x20: {  	[sflag:s8] =	ssyncset.s32 @!p0 $0xFFFFF086;
	s6 =	sadd.s32 @!p0 s3, s7;
	s7 =	simm.s32 @!p0 $0x108  }
0x21: {  	s3 =	sadd.s32 s3, s9;
	s6 =	sadd.s32 @!p0 $0x88, s6;
	s7 =	simm.s32 @p2 $0x1082  }
0x22: {  	[simem:s7], [sflag:s8] =	dma.local @!p0 [hbm:s6], $0xF7A  }
0x23: {  	s9 =	sor.u32 $0xD0000000, s2;
	s6 =	simm.s32 $0x108;
	_ =	swait.ge @!p0 [sflag:s8], $0x0  }
0x24: {  	s3 =	sadd.s32 $0x88, s3;
	s6 =	simm.s32 @!p1 $0x1082;
	[sflag:s4] =	ssyncset.s32 $0xFFFFF086  }
0x25: {  	[simem:s6], [sflag:s4] =	dma.local [hbm:s3], $0xF7A  }
0x26: {  	[smem:$0x3F80] =	sst s1;
	(tag) =	ssettag s2;
	_ =	strace s9  }
0x27: {  	s1 =	sld [smem:$0x3F90]  }
0x28: {  	s2 =	sld [smem:$0x3F91]  }
0x29: {  	s4 =	sld [smem:$0x3F93]  }
0x2a: {  	p0 =	seq.s32 s5, $0x0;
	s5 =	sld [smem:$0x3F94]  }
0x2b: {  	s6 =	sld [smem:$0x3F95]  }
0x2c: {  	s7 =	sld [smem:$0x3F96]  }
0x2d: {  	s3 =	simm.s32 $0x108;
	s8 =	sld [smem:$0x3F97]  }
0x2e: {  	s3 =	simm.s32 @!p0 $0x1082;
	s9 =	sld [smem:$0x3F98]  }
0x2f: {  	lr =	sadd.s32 s0, s3;
	s0 =	sld [smem:$0x3F8F]  }
0x30: {  	s3 =	sld [smem:$0x3F92]  }
0x31: {  	[smem:$0x3F9B] =	sst s10  }
0x32: {  	s10 =	sld [smem:$0x3F99];
	_ =	sdelay $0x3  }
0x33: {  	p0 =	seq.s32 s10, $0x1;
	s10 =	sld [smem:$0x3F9B];
	_ =	sdelay $0x3  }
0x34: {  	[smem:$0x3F9B] =	sst s10  }
0x35: {  	s10 =	sld [smem:$0x3F9A];
	_ =	sdelay $0x3  }
0x36: {  	p1 =	seq.s32 s10, $0x1;
	s10 =	sld [smem:$0x3F9B];
	_ =	sdelay $0x3  }
0x37: {  	[smem:$0x3F9B] =	sst s10  }
0x38: {  	s10 =	sld [smem:$0x3F9C]  }
0x39: {  	_ = 	snop;
	(pc) =	sbr.ind lr, $3  }
0x3a: {  	_ = 	snop  }
0x3b: {  	_ = 	snop  }
0x3c: {  	p2 =	seq.s32 s10, $0x1;
	s10 =	sld [smem:$0x3F9B]  }
0x3d: {  	_ =	shalt  }
0x3e: {  	_ =	shalt  }
0x3f: {  	_ =	shalt  }
0x40: {  	_ =	shalt  }
0x41: {  	_ =	shalt  }
0x42: {  	_ =	shalt  }
0x43: {  	_ =	shalt  }
0x44: {  	_ =	shalt  }
0x45: {  	_ =	shalt  }
0x46: {  	_ =	shalt  }
0x47: {  	_ =	shalt  }
0x48: {  	_ =	shalt  }
0x49: {  	_ =	shalt  }
0x4a: {  	_ =	shalt  }
0x4b: {  	_ =	shalt  }
0x4c: {  	_ =	shalt  }
0x4d: {  	_ =	shalt  }
0x4e: {  	_ =	shalt  }
0x4f: {  	_ =	shalt  }
0x50: {  	_ =	shalt  }
0x51: {  	_ =	shalt  }
0x52: {  	_ =	shalt  }
0x53: {  	_ =	shalt  }
0x54: {  	_ =	shalt  }
0x55: {  	_ =	shalt  }
0x56: {  	_ =	shalt  }
0x57: {  	_ =	shalt  }
0x58: {  	_ =	shalt  }
0x59: {  	_ =	shalt  }
0x5a: {  	_ =	shalt  }
0x5b: {  	_ =	shalt  }
0x5c: {  	_ =	shalt  }
0x5d: {  	_ =	shalt  }
0x5e: {  	_ =	shalt  }
0x5f: {  	_ =	shalt  }
0x60: {  	_ =	shalt  }
0x61: {  	_ =	shalt  }
0x62: {  	_ =	shalt  }
0x63: {  	_ =	shalt  }
0x64: {  	_ =	shalt  }
0x65: {  	_ =	shalt  }
0x66: {  	_ =	shalt  }
0x67: {  	_ =	shalt  }
0x68: {  	_ =	shalt  }
0x69: {  	_ =	shalt  }
0x6a: {  	_ =	shalt  }
0x6b: {  	_ =	shalt  }
0x6c: {  	_ =	shalt  }
0x6d: {  	_ =	shalt  }
0x6e: {  	_ =	shalt  }
0x6f: {  	_ =	shalt  }
0x70: {  	_ =	shalt  }
0x71: {  	_ =	shalt  }
0x72: {  	_ =	shalt  }
0x73: {  	_ =	shalt  }
0x74: {  	_ =	shalt  }
0x75: {  	_ =	shalt  }
0x76: {  	_ =	shalt  }
0x77: {  	_ =	shalt  }
0x78: {  	_ =	shalt  }
0x79: {  	_ =	shalt  }
0x7a: {  	_ =	shalt  }
0x7b: {  	_ =	shalt  }
0x7c: {  	_ =	shalt  }
0x7d: {  	_ =	shalt  }
0x7e: {  	_ =	shalt  }
0x7f: {  	_ =	shalt  }
0x80: {  	_ =	shalt  }
0x81: {  	_ =	shalt  }
0x82: {  	_ =	shalt  }
0x83: {  	_ =	shalt  }
0x84: {  	_ =	shalt  }
0x85: {  	_ =	shalt  }
0x86: {  	_ =	shalt  }
0x87: {  	_ =	shalt  }
.Lfunc_end0:
.L_simem_size_0:
called_computation.3_lowered:
.L_overlay_start_0:
0x88: {  	s2 =	sld [smem:$0x3FD9]  }
0x89: {  	s3 =	sld [smem:$0x3FFE];
	_ =	sdelay $0x1  }
0x8a: {  	s1 =	srdreg.scid  }
0x8b: {  	s0 =	sand.u32 $0x1, s1  }
0x8c: {  	s16 =	sshll.u32 s0, $0xA;
	s2 =	sadd.s32 s3, s2  }
0x8d: {  	s2 =	sadd.s32 s2, s16  }
0x8e: {  	[smem:$0x3FA7] =	sst s2  }
0x8f: {  	_ = 	snop  }
0x90: {  	(tm) =	ssettm $0x1  }
0x91: {  	s17 =	sld [smem:$0x3FFB];
	_ =	sdelay $0x3  }
0x92: {  	_ =	strace s17  }
0x93: {  	s2 =	sld [smem:$0x3FFC];
	_ =	sdelay $0x3  }
0x94: {  	_ =	strace s2  }
0x95: {  	s2 =	sld [smem:$0x3FFD];
	_ =	sdelay $0x3  }
0x96: {  	_ =	strace s2  }
0x97: {  	_ =	strace $0x8FFFFFFF  }
0x98: {  	s18 =	sld [smem:$0x3FDB];
	_ =	sdelay $0x1  }
0x99: {  	s19 =	simm.s32 $_scs_section_size  }
0x9a: {  	s4 =	simm.s32 $_size__tile_overlayer_lowered;
	s5 =	simm.s32 $_tile_overlayer_lowered  }
0x9b: {  	s22 =	simm.s32 $0x1BFF;
	s21 =	sshll.u32 s5, $0x1;
	s2 =	sadd.s32 s19, s18  }
0x9c: {  	s6 =	simm.s32 $0x0;
	s20 =	sshll.u32 s4, $0x1;
	s4 =	sadd.s32 s21, s2  }
0x9d: {  	[timem:s6], [sflag:s22] =	dma.local [hbm:s4], s20  }
0x9e: {  	_ =	swait.ge [sflag:s22], s20  }
0x9f: {  	s3 =	ssub.s32 $0x0, s20;
	[sflag:s22] =	ssyncset.done $0x0  }
0xa0: {  	[sflag:s22] =	ssyncadd.s32 s3;
	_ =	sdelay $0x1  }
0xa1: {  	s23 =	simm.s32 $0x1B8B  }
0xa2: {  	_ =	swait.ge [sflag:s23], $0x1  }
0xa3: {  	[sflag:s23] =	ssyncset.done $0x0  }
0xa4: {  	s25 =	simm.s32 $0x1B8E;
	s24 =	sld [smem:$0x3FFE];
	[sflag:s23] =	ssyncadd.s32 $0xFFFFFFFF  }
0xa5: {  	s26 =	simm.s32 $execute0_lowered;
	[smem:$0x3FD2] =	sst s25  }
0xa6: {  	s4 =	sshll.u32 s26, $0x1;
	_ =	strace $0x8000004F;
	[dreg:$0x1] =	wrdreg $0xFFFFFFFF  }
0xa7: {  	s28 =	simm.s32 $_size_execute0_lowered;
	s2 =	sadd.s32 s2, s4;
	[dreg:$0x0] =	wrdreg $0x0  }
0xa8: {  	s4 =	sshll.u32 s28, $0x1;
	[dreg:$0x2] =	wrdreg s2  }
0xa9: {  	[dreg:$0x3] =	wrdreg s4  }
0xaa: {  	[dreg:$0x4] =	wrdreg $0xC0  }
0xab: {  	_ =	task [dreg:s6], $0x5FFFF  }
0xac: {  	[dreg:$0x1] =	wrdreg $0xFFFFFFFF  }
0xad: {  	[dreg:$0x0] =	wrdreg $0x60  }
0xae: {  	[dreg:$0x2] =	wrdreg s24  }
0xaf: {  	[dreg:$0x3] =	wrdreg $0x90000  }
0xb0: {  	[dreg:$0x4] =	wrdreg $0x9  }
0xb1: {  	_ =	task.clear_ibuf [dreg:s6], $0x5FFFF;
	_ =	strace $0x9000004F  }
0xb2: {  	s29 =	simm.s32 $0x9;
	_ =	strace $0x80000051  }
0xb3: {  	_ =	swait.ge [sflag:s29], $0x1  }
0xb4: {  	[sflag:s29] =	ssyncadd.s32 $0xFFFFFFFF  }
0xb5: {  	_ =	strace $0x90000051  }
0xb6: {  	_ =	sfence  }
0xb7: {  	s30 =	sld [smem:$0x0];
	_ =	sdelay $0x2  }
0xb8: {  	s31 =	sshll.u32 s1, $0xD;
	s1 =	sshrl.u32 s1, $0x2  }
0xb9: {  	s3 =	sand.u32 $0x4000, s31;
	s1 =	sadd.s32 s1, s30  }
0xba: {  	s0 =	sor.u32 s3, s0;
	s1 =	sshll.u32 s1, $0x11  }
0xbb: {  	s0 =	sor.u32 s1, s0  }
0xbc: {  	s0 =	sadd.s32 $0x8F2B, s0  }
0xbd: {  	[sflag:s0] =	ssyncadd.remote.s32 $0x1  }
0xbe: {  	_ =	sfence.sel $0xFFFF  }
0xbf: {  	[dreg:$0x0] =	wrdreg $0xFFFFFFFF;
	(pc) =	sbr.abs _section_cstart, $3  }
0xc0: {  	[dreg:$0x1] =	wrdreg $0xFFFFFFFF  }
0xc1: {  	_ =	task.clear_ibuf [dreg:s6], $0x2FFFF;
	_ =	strace $0x9FFFFFFF  }
0xc2: {  	(tm) =	ssettm $0x7FFFFFFF  }
0xc3: {  	_ =	shalt  }
tec
execute0_lowered:
.L_overlay_start_1:
0x0: {  	(tag) =	ssettag $0x1  }
0x1: {  	s5 =	rddreg [dreg:$0x0]  }
0x2: {  	s0 =	srdreg.scid;
	s2 =	rddreg [dreg:$0x1];
	s3 =	simm.s32 $0x0  }
0x3: {  	s18 =	simm.s32 $0x6800;
	s8 =	sand.u32 $0x1, s0;
	s0 =	stileid.u32  }
0x4: {  	s28 =	simm.s32 $0x0;
	s10 =	sadd.s32 $0xF52C00, s5;
	s11 =	smul.u32 $0x4E000, s0  }
0x5: {  	[smem:$0x7FF] =	sst s3;
	s12 =	sadd.s32 $0x28C00, s5;
	s22 =	smul.u32 $0x138800, s8  }
0x6: {  	s15 =	sadd.s32 $0x124800, s2;
	s4 =	sshll.u32 s8, $0x4;
	s24 =	smul.u32 $0x13800, s0  }
0x7: {  	_ =	strace $0x80000050;
	s9 =	ssub.s32 $0x2, s8;
	s25 =	smul.u32 $0x271000, s8  }
0x8: {  	s30 =	smul.u32 $0x27100, s0;
	p0 =	seq.s32 s0, $0xF;
	s6 =	sor.u32 s0, s4  }
0x9: {  	s19 =	sshrl.u32 s9, $0x1;
	s17 =	sshll.u32 @!p0 s0, $0x6;
	s13 =	smul.u32 $0x138800, s6  }
0xa: {  	s4 =	sshll.u32 s6, $0xB;
	s14 =	ssub.s32 s9, s19;
	s6 =	smul.u32 $0x27100, s6  }
0xb: {  	s20 =	sshrl.u32 s11, $0x2;
	s9 =	sadd.s32 s24, s22;
	s11 =	sshrl.u32 s22, $0x3  }
0xc: {  	s31 =	sadd.s32 s25, s10;
	s19 =	simm.s32 $0x1;
	s22 =	simm.s32 $0x2  }
0xd: {  	s24 =	simm.s32 $0x3D00;
	s25 =	simm.s32 $0x3D80;
	s7 =	sadd.s32 s4, s5  }
0xe: {  	s4 =	sadd.s32 $0x26400, s5;
	s16 =	sadd.s32 s20, s2;
	s26 =	sshrl.u32 s9, $0x3  }
0xf: {  	s29 =	sadd.s32 s12, s11;
	s20 =	simm.s32 $0x50;
	s5 =	sadd.s32 $0x6400, s7  }
0x10: {  	s21 =	sshrl.u32 s13, $0x3;
	s6 =	sadd.s32 s10, s6;
	s8 =	sadd.s32 s12, s26  }
0x11: {  	s9 =	sadd.s32 $0x24900, s29;
	s12 =	sadd.s32 s30, s31;
	s13 =	simm.s32 $0x5  }
0x12: {  	s16 =	sshrl.u32 @!p0 s16, $0x3;
	s26 =	simm.s32 $0x3E00;
	s23 =	sadd.s32 s10, s21  }
0x13: {  	s10 =	smax.u32 s14, $0x1;
	s11 =	sadd.s32 $0x26C00, s6;
	s12 =	sadd.s32 $0xF00, s12  }
0x14: {  	s14 =	sshrl.u32 @p0 s15, $0x3;
	s15 =	sor.u32 @!p0 $0x1C05, s17;
	s17 =	simm.s32 $0x4000  }
0x15: {  	s21 =	simm.s32 $0x3;
	s7 =	sadd.s32 $0x500, s23;
	s23 =	simm.s32 $0x4  }
.LBB2_1:
0x16: {  	[tilespmem:s3], [sflag:$0x5] =	stream.linear.gather [hbm4b:s5+s3], $0x4000, $0x38;
	[tilespmem:$0x1C880] =	vst v63  }
0x17: {  	_ =	swait.ge [sflag:s13], $0x4000  }
0x18: {  	[sflag:s13] =	ssyncset.done $0x0  }
0x19: {  	s29 =	simm.s32 @p0 $0x1FC5;
	[sflag:s13] =	ssyncadd.s32 $0xFFFFC000  }
0x1a: {  	[spmem:s14], [sflag:s29] =	dma.local @p0 [hbm:s4], $0x2800  }
0x1b: {  	s29 =	simm.s32 @p0 $0x5  }
0x1c: {  	_ =	swait.ge @p0 [sflag:s29], $0x2800  }
0x1d: {  	[sflag:s29] =	ssyncset.done @p0 $0x0  }
0x1e: {  	[sflag:s29] =	ssyncadd.s32 @p0 $0xFFFFD800;
	s29 =	simm.s32 @!p0 $0x5  }
0x1f: {  	[spmem:s16], [sflag:s15] =	dma.local @!p0 [hbm:s4], $0x2700  }
0x20: {  	_ =	swait.ge @!p0 [sflag:s29], $0x2700  }
0x21: {  	[sflag:s29] =	ssyncset.done @!p0 $0x0  }
0x22: {  	[sflag:s29] =	ssyncadd.s32 @!p0 $0xFFFFD900  }
0x23: {  	[bflag:$0x0] =	sbarrier.arrive $0xFFFF  }
0x24: {  	[tilespmem:s17], [sflag:$0x1] =	stream.linear.gather [hbm4b:s6+s3], $0x2800, $0x38;
	[tilespmem:$0x1C880] =	vst v63  }
0x25: {  	_ = 	snop  }
0x26: {  	[tilespmem:s18], [sflag:$0x2] =	stream.linear.gather [hbm4b:s7+s3], $0x2800, $0x38;
	[tilespmem:$0x1C880] =	vst v63  }
0x27: {  	_ =	swait.ge [sflag:s19], $0x2800  }
0x28: {  	[sflag:s19] =	ssyncset.done $0x0  }
0x29: {  	s29 =	simm.s32 $0x0;
	[sflag:s19] =	ssyncadd.s32 $0xFFFFD800  }
0x2a: {  	[spmem:s2] =	stream.indirect.scatter.add.f32 [tilespmem:s17], [sflag:$0x3], $0x80, s29, s20, $0xb8;
	[tilespmem:$0x1C880] =	vst v63  }
0x2b: {  	_ =	swait.ge [sflag:s21], $0x2800  }
0x2c: {  	[sflag:s21] =	ssyncset.done $0x0  }
0x2d: {  	s29 =	sadd.s32 $0xFFFFFB00, s12;
	[sflag:s21] =	ssyncadd.s32 $0xFFFFD800  }
0x2e: {  	[tilespmem:s17], [sflag:$0x1] =	stream.linear.gather [hbm4b:s29+s3], $0x2800, $0x38;
	[tilespmem:$0x1C880] =	vst v63  }
0x2f: {  	_ =	swait.ge [sflag:s22], $0x2800  }
0x30: {  	[sflag:s22] =	ssyncset.done $0x0  }
0x31: {  	s29 =	simm.s32 $0x80;
	[sflag:s22] =	ssyncadd.s32 $0xFFFFD800  }
0x32: {  	[spmem:s2] =	stream.indirect.scatter.add.f32 [tilespmem:s18], [sflag:$0x4], $0x80, s29, s20, $0xb8;
	[tilespmem:$0x1C880] =	vst v63  }
0x33: {  	_ =	swait.ge [sflag:s23], $0x2800  }
0x34: {  	s30 =	sadd.s32 $0xA00, s12;
	[sflag:s23] =	ssyncset.done $0x0  }
0x35: {  	s31 =	smov.u32 s12;
	s29 =	simm.s32 $0x400;
	[sflag:s23] =	ssyncadd.s32 $0xFFFFD800  }
.LBB2_2:
0x36: {  	[tilespmem:s18], [sflag:$0x2] =	stream.linear.gather [hbm4b:s31+s3], $0x2800, $0x38;
	[tilespmem:$0x1C880] =	vst v63  }
0x37: {  	s0 =	smov.u32 s29;
	s31 =	smov.u32 s30  }
0x38: {  	p1 =	sne.s32 s29, $0xF000;
	s29 =	sadd.s32 $0x400, s29;
	_ =	swait.ge [sflag:s19], $0x2800  }
0x39: {  	[sflag:s19] =	ssyncset.done $0x0  }
0x3a: {  	s0 =	sshra.s32 s0, $0x2;
	[sflag:s19] =	ssyncadd.s32 $0xFFFFD800  }
0x3b: {  	[spmem:s2] =	stream.indirect.scatter.add.f32 [tilespmem:s17], [sflag:$0x3], $0x80, s0, s20, $0xb8;
	[tilespmem:$0x1C880] =	vst v63  }
0x3c: {  	_ =	swait.ge [sflag:s21], $0x2800  }
0x3d: {  	[sflag:s21] =	ssyncset.done $0x0  }
0x3e: {  	s1 =	sadd.s32 $0xFFFFFB00, s30;
	[sflag:s21] =	ssyncadd.s32 $0xFFFFD800  }
0x3f: {  	[tilespmem:s17], [sflag:$0x1] =	stream.linear.gather [hbm4b:s1+s3], $0x2800, $0x38;
	[tilespmem:$0x1C880] =	vst v63  }
0x40: {  	_ =	swait.ge [sflag:s22], $0x2800  }
0x41: {  	[sflag:s22] =	ssyncset.done $0x0  }
.Ltmp0:
0x42: {  	s0 =	sadd.s32 $0x80, s0;
	[sflag:s22] =	ssyncadd.s32 $0xFFFFD800;
	(pc) =	sbr.rel @p1 .LBB2_2-.Ltmp0, $4  }
0x43: {  	[spmem:s2] =	stream.indirect.scatter.add.f32 [tilespmem:s18], [sflag:$0x4], $0x80, s0, s20, $0xb8;
	[tilespmem:$0x1C880] =	vst v63  }
0x44: {  	_ =	swait.ge [sflag:s23], $0x2800  }
0x45: {  	[sflag:s23] =	ssyncset.done $0x0  }
0x46: {  	s30 =	sadd.s32 $0xA00, s30;
	[sflag:s23] =	ssyncadd.s32 $0xFFFFD800  }
0x47: {  	[tilespmem:s18], [sflag:$0x2] =	stream.linear.gather [hbm4b:s31+s3], $0x2800, $0x38;
	[tilespmem:$0x1C880] =	vst v63  }
0x48: {  	_ =	swait.ge [sflag:s19], $0x2800  }
0x49: {  	[sflag:s19] =	ssyncset.done $0x0  }
0x4a: {  	[sflag:s19] =	ssyncadd.s32 $0xFFFFD800  }
0x4b: {  	[spmem:s2] =	stream.indirect.scatter.add.f32 [tilespmem:s17], [sflag:$0x3], $0x80, s24, s20, $0xb8;
	[tilespmem:$0x1C880] =	vst v63  }
0x4c: {  	_ =	swait.ge [sflag:s21], $0x2800  }
0x4d: {  	[sflag:s21] =	ssyncset.done $0x0  }
0x4e: {  	[sflag:s21] =	ssyncadd.s32 $0xFFFFD800  }
0x4f: {  	[tilespmem:s17], [sflag:$0x1] =	stream.linear.gather [hbm4b:s11+s3], $0x2800, $0x38;
	[tilespmem:$0x1C880] =	vst v63  }
0x50: {  	_ =	swait.ge [sflag:s22], $0x2800  }
0x51: {  	[sflag:s22] =	ssyncset.done $0x0  }
0x52: {  	[sflag:s22] =	ssyncadd.s32 $0xFFFFD800  }
0x53: {  	[spmem:s2] =	stream.indirect.scatter.add.f32 [tilespmem:s18], [sflag:$0x4], $0x80, s25, s20, $0xb8;
	[tilespmem:$0x1C880] =	vst v63  }
0x54: {  	_ =	swait.ge [sflag:s23], $0x2800  }
0x55: {  	[sflag:s23] =	ssyncset.done $0x0  }
0x56: {  	[sflag:s23] =	ssyncadd.s32 $0xFFFFD800  }
0x57: {  	_ =	swait.ge [sflag:s19], $0x2800  }
0x58: {  	[sflag:s19] =	ssyncset.done $0x0  }
0x59: {  	[sflag:s19] =	ssyncadd.s32 $0xFFFFD800  }
0x5a: {  	[spmem:s2] =	stream.indirect.scatter.add.f32 [tilespmem:s17], [sflag:$0x3], $0x80, s26, s20, $0xb8;
	[tilespmem:$0x1C880] =	vst v63  }
0x5b: {  	_ =	swait.ge [sflag:s21], $0x2800  }
0x5c: {  	[sflag:s21] =	ssyncset.done $0x0  }
0x5d: {  	[sflag:s21] =	ssyncadd.s32 $0xFFFFD800  }
0x5e: {  	s0 =	simm.s32 @p0 $0x1FC5;
	[bflag:$0x0] =	sbarrier.arrive $0xFFFF  }
0x5f: {  	[hbm:s9], [sflag:s0] =	dma.local @p0 [spmem:s14], $0x2800  }
0x60: {  	s0 =	simm.s32 @p0 $0x5  }
0x61: {  	s28 =	sadd.s32 $0x1, s28;
	_ =	swait.ge @p0 [sflag:s0], $0x2800  }
0x62: {  	p1 =	sne.s32 s28, s10;
	[sflag:s0] =	ssyncset.done @p0 $0x0  }
.Ltmp1:
0x63: {  	[sflag:s0] =	ssyncadd.s32 @p0 $0xFFFFD800;
	s0 =	simm.s32 @!p0 $0x5;
	(pc) =	sbr.rel @p1 .LBB2_1-.Ltmp1, $4  }
0x64: {  	[hbm:s8], [sflag:s15] =	dma.local @!p0 [spmem:s16], $0x2700  }
0x65: {  	_ =	swait.ge @!p0 [sflag:s0], $0x2700  }
0x66: {  	[sflag:s0] =	ssyncset.done @!p0 $0x0  }
0x67: {  	[sflag:s0] =	ssyncadd.s32 @!p0 $0xFFFFD900  }
0x68: {  	_ =	sfence.sel $0x180000  }
0x69: {  	[bflag:$0x0] =	sbarrier.arrive $0xFFFF  }
0x6a: {  	_ =	strace $0x90000050  }
0x6b: {  	s0 =	stileid.u32;
	[bflag:$0x2] =	sbarrier.arrive $0xFFFF  }
0x6c: {  	p0 =	sne.s32 s0, $0x0;
	s0 =	rddreg [dreg:$0x2]  }
0x6d: {  	s0 =	sadd.s32 @!p0 $0x100000, s0  }
0x6e: {  	[sflag:s0] =	ssyncadd.tile.s32 @!p0 $0x1;
	_ =	shalt  }
.Lfunc_end2:
_tile_overlayer_lowered:
.L_overlay_start_2:
0x6f: {  	(tag) =	ssettag $0x2  }
0x70: {  	s0 =	rddreg [dreg:$0x0];
	s2 =	stileid.u32  }
0x71: {  	s1 =	rddreg [dreg:$0x1];
	p0 =	sne.s32 s2, $0x0  }
0x72: {  	s3 =	rddreg [dreg:$0x2];
	[bflag:$0x3] =	sbarrier.arrive $0xFFFF;
	s2 =	simm.s32 @!p0 $0x1C05  }
0x73: {  	[timem:s3], [sflag:s2] =	dma.local @!p0 [hbm:s0], s1  }
0x74: {  	s0 =	simm.s32 @!p0 $0x5  }
0x75: {  	_ =	swait.ge @!p0 [sflag:s0], s1  }
0x76: {  	s1 =	ssub.s32 @!p0 $0x0, s1;
	[sflag:s0] =	ssyncset.done @!p0 $0x0  }
0x77: {  	[sflag:s0] =	ssyncadd.s32 @!p0 s1  }
0x78: {  	[bflag:$0x3] =	sbarrier.arrive $0xFFFF  }
0x79: {  	_ =	shalt  }

</sc_bundles>
